<compile_context>
chip_gen: v7x
topology: tpu7x:2x2x1
jax: 0.10.2.dev20260603
libtpu: 0.0.44.dev20260713+nightly
codegen_flags: <defaults>
</compile_context>

<pallas_src>
import functools

import jax
import jax.numpy as jnp
import numpy as np
from jax import lax
from jax.experimental import pallas as pl
from jax.experimental.pallas import tpu as pltpu
from jax.experimental.pallas import tpu_sc as plsc

N_NODES = 50000
N_EDGES = 800000
RBF_DIM = 128
DIM = 64
HALF = DIM // 2


_BR = 3200
_GRID = N_EDGES // _BR


def _mlp_body(rbf_ref, ef_ref, w1_ref, b1_ref, w2_ref, b2_ref,
              h2_ref, ef2_ref):
    x = jnp.dot(rbf_ref[...], w1_ref[...],
                preferred_element_type=jnp.float32) + b1_ref[...]
    bx = 0.5 * x
    sp = 2.0 * (jnp.maximum(bx, 0.0) + jnp.log1p(jnp.exp(-jnp.abs(bx))))
    xs = jnp.where(bx > 14.0, x, sp)
    y = jnp.dot(xs, w2_ref[...],
                preferred_element_type=jnp.float32) + b2_ref[...]
    q = _BR // 4
    h2_ref[0] = jnp.concatenate(
        [y[k * q:(k + 1) * q, :HALF] for k in range(4)], axis=1)
    h2_ref[1] = jnp.concatenate(
        [y[k * q:(k + 1) * q, HALF:] for k in range(4)], axis=1)
    ef = ef_ref[...].T
    ef2_ref[0] = jnp.concatenate(
        [ef[k * q:(k + 1) * q, :HALF] for k in range(4)], axis=1)
    ef2_ref[1] = jnp.concatenate(
        [ef[k * q:(k + 1) * q, HALF:] for k in range(4)], axis=1)


def _run_mlp(rbf, edge_f, W1, b1, W2, b2):
    h2, ef2 = pl.pallas_call(
        _mlp_body,
        grid=(_GRID,),
        in_specs=[
            pl.BlockSpec((_BR, RBF_DIM), lambda i: (i, 0)),
            pl.BlockSpec((DIM, _BR), lambda i: (0, i)),
            pl.BlockSpec((RBF_DIM, DIM), lambda i: (0, 0)),
            pl.BlockSpec((1, DIM), lambda i: (0, 0)),
            pl.BlockSpec((DIM, DIM), lambda i: (0, 0)),
            pl.BlockSpec((1, DIM), lambda i: (0, 0)),
        ],
        out_specs=[
            pl.BlockSpec((2, _BR // 4, 128), lambda i: (0, i, 0)),
            pl.BlockSpec((2, _BR // 4, 128), lambda i: (0, i, 0)),
        ],
        out_shape=[
            jax.ShapeDtypeStruct((2, N_EDGES // 4, 128), jnp.float32),
            jax.ShapeDtypeStruct((2, N_EDGES // 4, 128), jnp.float32),
        ],
    )(rbf, edge_f.T, W1, b1.reshape(1, DIM), W2, b2.reshape(1, DIM))
    return h2, ef2



_NSUB = 16
_EPS = N_EDGES // _NSUB
_B = 80
_NB = _EPS // _B
_NSLOT = 3
_ACC_ROWS = 50176
_ZROWS = _ACC_ROWS // _NSUB
_ZCH = 112
_NZ = _ZROWS // _ZCH
_OCH = 224
_NOCH = _ZROWS // _OCH


def _sc_body(nn_hbm, h_hbm, ef_hbm, src_hbm, dst_hbm, out_hbm,
             acc, gidx, sdid, rows, hbuf, efbuf, sems):
    cid = lax.axis_index("c")
    sid = lax.axis_index("s")
    sem_in = sems[0:3]
    sem_g = sems[3:6]
    sem_s = sems[6:9]

    def _zb(i, _):
        r = i // 2
        c = (i % 2) * 16
        rows[r, pl.ds(c, 16)] = jnp.zeros((16,), jnp.float32)
        return 0
    lax.fori_loop(0, 2 * _ZCH, _zb, 0)

    def _za(j, _):
        pltpu.sync_copy(rows.at[pl.ds(0, _ZCH)],
                        acc.at[pl.ds(sid * _ZROWS + j * _ZCH, _ZCH)])
        return 0
    lax.fori_loop(0, _NZ, _za, 0)
    plsc.subcore_barrier()

    ebase = sid * _EPS
    hoff = cid * N_EDGES

    def _in_descs(b, s):
        base = ebase + b * _B
        hrow = (hoff + base) // 4
        return (
            (src_hbm.at[pl.ds(base, _B)],
             gidx.at[pl.ds(s * _B, _B)], sem_in[s]),
            (dst_hbm.at[pl.ds(sid * _NB + b, 1)],
             sdid.at[pl.ds(s, 1)], sem_in[s]),
            (h_hbm.at[pl.ds(hrow, _B // 4)],
             hbuf.at[pl.ds(s * (_B // 4), _B // 4)], sem_in[s]),
            (ef_hbm.at[pl.ds(hrow, _B // 4)],
             efbuf.at[pl.ds(s * (_B // 4), _B // 4)], sem_in[s]),
        )

    def _gather_desc(s):
        return (nn_hbm.at[gidx.at[pl.ds(s * _B, _B)]],
                rows.at[pl.ds(s * _B, _B)], sem_g[s])

    def _scatter_desc(s):
        return (rows.at[pl.ds(s * _B, _B)], acc.at[sdid.at[s]], sem_s[s])

    def _stage_a(b, s):
        @pl.when(jnp.logical_and(b >= _NSLOT, b < _NB))
        def _():
            sr, dsr, sem = _scatter_desc(s)
            pltpu.make_async_copy(sr, dsr, sem).wait()

        @pl.when(b < _NB)
        def _():
            for sr, dsr, sem in _in_descs(b, s):
                pltpu.async_copy(sr, dsr, sem)

    goff = cid * N_NODES

    def _stage_b(b, s):
        @pl.when(jnp.logical_and(b >= 0, b < _NB))
        def _():
            for sr, dsr, sem in _in_descs(b, s):
                pltpu.make_async_copy(sr, dsr, sem).wait()
            for i in range(_B // 16):
                sl = pl.ds(s * _B + i * 16, 16)
                gidx[sl] = gidx[sl] + goff
            sr, dsr, sem = _gather_desc(s)
            pltpu.async_copy(sr, dsr, sem)

    def _stage_c(b, s):
        @pl.when(jnp.logical_and(b >= 0, b < _NB))
        def _():
            sr, dsr, sem = _gather_desc(s)
            pltpu.make_async_copy(sr, dsr, sem).wait()

            def _mac(r, _):
                hr = s * (_B // 4) + r
                for u in range(8):
                    ri = s * _B + r * 4 + u // 2
                    sl = pl.ds((u % 2) * 16, 16)
                    hl = pl.ds(u * 16, 16)
                    rows[ri, sl] = (rows[ri, sl] * hbuf[hr, hl]
                                    + efbuf[hr, hl])
                return 0
            lax.fori_loop(0, _B // 4, _mac, 0)
            sr, dsr, sem = _scatter_desc(s)
            pltpu.async_copy(sr, dsr, sem, add=True)

    def _step(t, _):
        for s in range(_NSLOT):
            b = t * _NSLOT + s
            _stage_a(b, s)
            _stage_b(b - 1, (s + 2) % 3)
            _stage_c(b - 2, (s + 1) % 3)
        return 0
    lax.fori_loop(0, (_NB + 2 + _NSLOT - 1) // _NSLOT, _step, 0)

    for s in range(_NSLOT):
        sr, dsr, sem = _scatter_desc(s)
        pltpu.make_async_copy(sr, dsr, sem).wait()
    plsc.subcore_barrier()

    def _och(ch, _):
        arow = sid * _ZROWS + ch * _OCH
        pltpu.sync_copy(acc.at[pl.ds(arow, _OCH)], rows.at[pl.ds(0, _OCH)])

        def _rp(i, _):
            hbuf[i // 8, pl.ds((i % 8) * 16, 16)] = \
                rows[i // 2, pl.ds((i % 2) * 16, 16)]
            return 0
        lax.fori_loop(0, 2 * _OCH, _rp, 0)
        orow = (sid * _ZROWS + ch * _OCH) // 4
        pltpu.sync_copy(hbuf.at[pl.ds(0, _OCH // 4)],
                        out_hbm.at[cid, pl.ds(orow, _OCH // 4)])
        return 0
    lax.fori_loop(0, _NOCH, _och, 0)


@functools.partial(
    pl.kernel,
    out_type=jax.ShapeDtypeStruct((2, _ACC_ROWS // 4, 128), jnp.float32),
    mesh=plsc.VectorSubcoreMesh(core_axis_name="c", subcore_axis_name="s"),
    compiler_params=pltpu.CompilerParams(use_tc_tiling_on_sc=False),
    scratch_types=[
        pltpu.VMEM_SHARED((_ACC_ROWS, HALF), jnp.float32),
        pltpu.VMEM((_NSLOT * _B,), jnp.int32),
        pltpu.VMEM((_NSLOT, _B), jnp.int32),
        pltpu.VMEM((_NSLOT * _B, HALF), jnp.float32),
        pltpu.VMEM((_NSLOT * (_B // 4), 128), jnp.float32),
        pltpu.VMEM((_NSLOT * (_B // 4), 128), jnp.float32),
    ] + [pltpu.SemaphoreType.DMA] * 9,
)
def _sc_kernel(nn_hbm, h_hbm, ef_hbm, src_hbm, dst_hbm, out_hbm,
               acc, gidx, sdid, rows, hbuf, efbuf, *sems):
    _sc_body(nn_hbm, h_hbm, ef_hbm, src_hbm, dst_hbm, out_hbm,
             acc, gidx, sdid, rows, hbuf, efbuf, list(sems))


def kernel(new_node, rbf, edge_f, edge_index, W1, b1, W2, b2):
    h2, ef2 = _run_mlp(rbf, edge_f, W1, b1, W2, b2)
    nn2 = jnp.concatenate([new_node[:, :HALF], new_node[:, HALF:]], axis=0)

    pidx = np.arange(N_EDGES).reshape(N_EDGES // _BR, 4, _BR // 4) \
             .transpose(0, 2, 1).reshape(N_EDGES)
    src = edge_index[0][pidx].astype(jnp.int32)
    dst = edge_index[1][pidx].astype(jnp.int32).reshape(N_EDGES // _B, _B)
    hf = h2.reshape(N_EDGES // 2, 128)
    eff = ef2.reshape(N_EDGES // 2, 128)
    out2 = _sc_kernel(nn2, hf, eff, src, dst)
    o = out2.reshape(2, _ACC_ROWS, HALF)[:, :N_NODES]
    return o.transpose(1, 0, 2).reshape(N_NODES, DIM)

# --- scband reference (transcript-rebuilt; emitter-appended) ---
"""Pipeline reference for scband-veconv-8220567405013 (READ-ONLY COPY).

The authoritative reference and input builder live on the scoring server;
editing this copy changes nothing except your own understanding.
"""

import jax, jax.numpy as jnp
import numpy as np

N_NODES = 50000
N_EDGES = 800000
RBF_DIM = 128
DIM = 64
BETA = 0.5
THRESHOLD = 14.0


def _softplus_beta(x):
    # torch.nn.Softplus(beta=0.5, threshold=14): 1/beta * log(1+exp(beta*x)),
    # linear passthrough when beta*x > threshold.
    bx = BETA * x
    sp = jnp.logaddexp(0.0, bx) / BETA  # numerically stable softplus
    return jnp.where(bx > THRESHOLD, x, sp)


def setup_inputs(seed: int = 0) -> dict:
    key = jax.random.key(seed)
    k1, k2, k3, k4, k5, k6, k7, k8 = jax.random.split(key, 8)
    new_node = jax.random.normal(k1, (N_NODES, DIM), dtype=jnp.float32)
    rbf = jax.random.normal(k2, (N_EDGES, RBF_DIM), dtype=jnp.float32)
    edge_f = jax.random.normal(k3, (N_EDGES, DIM), dtype=jnp.float32)
    edge_index = jax.random.randint(k4, (2, N_EDGES), 0, N_NODES, dtype=jnp.int64)
    # learned parameters (linear_layer1: rbf_dim->dim, linear_layer2: dim->dim)
    s1 = 1.0 / np.sqrt(RBF_DIM)
    s2 = 1.0 / np.sqrt(DIM)
    W1 = jax.random.uniform(k5, (RBF_DIM, DIM), minval=-s1, maxval=s1, dtype=jnp.float32)
    b1 = jax.random.uniform(k6, (DIM,), minval=-s1, maxval=s1, dtype=jnp.float32)
    W2 = jax.random.uniform(k7, (DIM, DIM), minval=-s2, maxval=s2, dtype=jnp.float32)
    b2 = jax.random.uniform(k8, (DIM,), minval=-s2, maxval=s2, dtype=jnp.float32)
    return {"new_node": new_node, "rbf": rbf, "edge_f": edge_f,
            "edge_index": edge_index, "W1": W1, "b1": b1, "W2": W2, "b2": b2}


def reference(new_node, rbf, edge_f, edge_index, W1, b1, W2, b2):
    # update_rbf (apply_edges): h = linear2(softplus(linear1(rbf)))
    h = rbf @ W1 + b1
    h = _softplus_beta(h)
    h = h @ W2 + b2
    # update_edge=False -> skip edge_f transform (linear_layer4 undefined in source)
    src = edge_index[0]
    dst = edge_index[1]
    # message: m_0 = u_mul_e(new_node, h); m_1 = copy_e(edge_f)
    m0 = jnp.take(new_node, src, axis=0) * h
    # reduce: sum over incoming edges at dst
    n0 = jax.ops.segment_sum(m0, dst, num_segments=new_node.shape[0])
    n1 = jax.ops.segment_sum(edge_f, dst, num_segments=new_node.shape[0])
    return n0 + n1

if __name__ == "__main__":
    import jax
    _d = setup_inputs()
    print(jax.jit(kernel)(*tuple(_d.values())))

</pallas_src>

<mosaic_0001>
#map = affine_map<(d0, d1) -> (0, 0)>
#map1 = affine_map<(d0, d1) -> (0)>
#map2 = affine_map<(d0, d1) -> (0, 0, 0)>
module attributes {stable_mosaic.version = 14 : i64} {
  func.func @_sc_kernel(%arg0: i32, %arg1: i32, %arg2: memref<100000x32xf32, #tpu.memory_space<hbm>>, %arg3: memref<400000x128xf32, #tpu.memory_space<hbm>>, %arg4: memref<400000x128xf32, #tpu.memory_space<hbm>>, %arg5: memref<800000xi32, #tpu.memory_space<hbm>>, %arg6: memref<10000x80xi32, #tpu.memory_space<hbm>>, %arg7: memref<2x12544x128xf32, #tpu.memory_space<hbm>>, %arg8: memref<50176x32xf32, #tpu.memory_space<vmem_shared>>, %arg9: memref<240xi32, #tpu.memory_space<vmem>>, %arg10: memref<3x80xi32, #tpu.memory_space<vmem>>, %arg11: memref<240x32xf32, #tpu.memory_space<vmem>>, %arg12: memref<60x128xf32, #tpu.memory_space<vmem>>, %arg13: memref<60x128xf32, #tpu.memory_space<vmem>>, %arg14: memref<!tpu.dma_semaphore, #tpu.memory_space<semaphore_mem>>, %arg15: memref<!tpu.dma_semaphore, #tpu.memory_space<semaphore_mem>>, %arg16: memref<!tpu.dma_semaphore, #tpu.memory_space<semaphore_mem>>, %arg17: memref<!tpu.dma_semaphore, #tpu.memory_space<semaphore_mem>>, %arg18: memref<!tpu.dma_semaphore, #tpu.memory_space<semaphore_mem>>, %arg19: memref<!tpu.dma_semaphore, #tpu.memory_space<semaphore_mem>>, %arg20: memref<!tpu.dma_semaphore, #tpu.memory_space<semaphore_mem>>, %arg21: memref<!tpu.dma_semaphore, #tpu.memory_space<semaphore_mem>>, %arg22: memref<!tpu.dma_semaphore, #tpu.memory_space<semaphore_mem>>) attributes {dimension_semantics = [#tpu.dimension_semantics<core_parallel>, #tpu.dimension_semantics<subcore_parallel>], iteration_bounds = array<i64: 2, 16>, scalar_prefetch = 0 : i64, scratch_operands = 15 : i64, tpu.core_type = #tpu.core_type<sc_vector_subcore>, window_params = [{transform_indices = #map}, {transform_indices = #map}, {transform_indices = #map}, {transform_indices = #map1}, {transform_indices = #map}, {transform_indices = #map2}]} {
    %scan3A = arith.constant 0 : i32
    %scan3A_0 = arith.constant 0 : i32
    %scan3A_1 = arith.constant 224 : i32
    %scan3A_2 = arith.addi %scan3A_0, %scan3A_1 : i32
    %scan3A_3 = arith.constant 1 : i32
    %scan3A_4 = scf.for %scan3A_62 = %scan3A_0 to %scan3A_2 step %scan3A_3 iter_args(%scan3A_63 = %scan3A) -> (i32)  : i32 {
      %jit3A = arith.constant 2 : i32
      %div3A = arith.divsi %scan3A_62, %jit3A : i32
      %sign3A = arith.constant 0 : i32
      %sign3A_64 = arith.cmpi sgt, %scan3A_62, %sign3A : i32
      %sign3A_65 = arith.extui %sign3A_64 : i1 to i32
      %sign3A_66 = arith.constant 0 : i32
      %sign3A_67 = arith.cmpi slt, %scan3A_62, %sign3A_66 : i32
      %sign3A_68 = arith.extui %sign3A_67 : i1 to i32
      %sign3A_69 = arith.subi %sign3A_65, %sign3A_68 : i32
      %sign3A_70 = arith.constant 0 : i32
      %sign3A_71 = arith.cmpi sgt, %jit3A, %sign3A_70 : i32
      %sign3A_72 = arith.extui %sign3A_71 : i1 to i32
      %sign3A_73 = arith.constant 0 : i32
      %sign3A_74 = arith.cmpi slt, %jit3A, %sign3A_73 : i32
      %sign3A_75 = arith.extui %sign3A_74 : i1 to i32
      %sign3A_76 = arith.subi %sign3A_72, %sign3A_75 : i32
      %ne3A = arith.cmpi ne, %sign3A_69, %sign3A_76 : i32
      %rem3A = arith.remsi %scan3A_62, %jit3A : i32
      %ne3A_77 = arith.constant 0 : i32
      %ne3A_78 = arith.cmpi ne, %rem3A, %ne3A_77 : i32
      %and3A = arith.andi %ne3A, %ne3A_78 : i1
      %sub3A = arith.constant 1 : i32
      %sub3A_79 = arith.subi %div3A, %sub3A : i32
      %select_n3A = arith.select %and3A, %sub3A_79, %div3A : i32
      %jit3A_80 = arith.constant 2 : i32
      %eq3A = arith.constant 0 : i32
      %eq3A_81 = arith.cmpi eq, %jit3A_80, %eq3A : i32
      %jit3A_82 = arith.constant 1 : i32
      %select_n3A_83 = arith.select %eq3A_81, %jit3A_82, %jit3A_80 : i32
      %rem3A_84 = arith.remsi %scan3A_62, %select_n3A_83 : i32
      %ne3A_85 = arith.constant 0 : i32
      %ne3A_86 = arith.cmpi ne, %rem3A_84, %ne3A_85 : i32
      %lt3A = arith.constant 0 : i32
      %lt3A_87 = arith.cmpi slt, %rem3A_84, %lt3A : i32
      %lt3A_88 = arith.constant 0 : i32
      %lt3A_89 = arith.cmpi slt, %select_n3A_83, %lt3A_88 : i32
      %ne3A_90 = arith.xori %lt3A_87, %lt3A_89 : i1
      %and3A_91 = arith.andi %ne3A_90, %ne3A_86 : i1
      %add3A = arith.addi %rem3A_84, %select_n3A_83 : i32
      %select_n3A_92 = arith.select %and3A_91, %add3A, %rem3A_84 : i32
      %mul3A_93 = arith.constant 16 : i32
      %mul3A_94 = arith.muli %select_n3A_92, %mul3A_93 : i32
      %broadcast_in_dim3A = arith.constant 0.000000e+00 : f32
      %broadcast_in_dim3A_95 = vector.broadcast %broadcast_in_dim3A : f32 to vector<16xf32>
      %swap3A = arith.index_cast %select_n3A : i32 to index
      %swap3A_96 = arith.index_cast %mul3A_94 : i32 to index
      %swap3A_97 = tpu.vector_load %arg11[%swap3A, %swap3A_96] {strides = array<i32>} : memref<240x32xf32, #tpu.memory_space<vmem>>, vector<1x16xf32>,
      %swap3A_98 = vector.shape_cast %swap3A_97 : vector<1x16xf32> to vector<16xf32>
      %swap3A_99 = vector.shape_cast %broadcast_in_dim3A_95 : vector<16xf32> to vector<1x16xf32>
      tpu.vector_store %arg11[%swap3A, %swap3A_96], %swap3A_99 {strides = array<i32>} : memref<240x32xf32, #tpu.memory_space<vmem>>, vector<1x16xf32>,
      %scan3A_100 = arith.constant 0 : i32
      scf.yield %scan3A_100 : i32
    }
    %scan3A_5 = arith.constant 224 : i32
    %scan3A_6 = arith.constant 0 : i32
    %scan3A_7 = arith.constant 0 : i32
    %scan3A_8 = arith.constant 28 : i32
    %scan3A_9 = arith.addi %scan3A_7, %scan3A_8 : i32
    %scan3A_10 = arith.constant 1 : i32
    %scan3A_11 = scf.for %scan3A_62 = %scan3A_7 to %scan3A_9 step %scan3A_10 iter_args(%scan3A_63 = %scan3A_6) -> (i32)  : i32 {
      %mul3A_64 = arith.constant 3136 : i32
      %mul3A_65 = arith.muli %arg1, %mul3A_64 : i32
      %mul3A_66 = arith.constant 112 : i32
      %mul3A_67 = arith.muli %scan3A_62, %mul3A_66 : i32
      %add3A = arith.addi %mul3A_65, %mul3A_67 : i32
      "tpu.region"() ({
        %run_scoped3A = tpu.sem_alloc : memref<!tpu.dma_semaphore, #tpu.memory_space<semaphore_mem>>
        %dma_start3A = arith.constant 0 : i32
        %dma_start3A_69 = arith.constant 0 : i32
        %dma_start3A_70 = tpu.memref_slice %arg11[%dma_start3A, %dma_start3A_69] : memref<240x32xf32, #tpu.memory_space<vmem>> -> memref<112x32xf32, #tpu.memory_space<vmem>>
        %dma_start3A_71 = arith.constant 0 : i32
        %dma_start3A_72 = tpu.memref_slice %arg8[%add3A, %dma_start3A_71] : memref<50176x32xf32, #tpu.memory_space<vmem_shared>> -> memref<112x32xf32, #tpu.memory_space<vmem_shared>>
        %dma_start3A_73 = arith.constant 0 : i32
        %dma_start3A_74 = tpu.memref_slice %arg8[%add3A, %dma_start3A_73] : memref<50176x32xf32, #tpu.memory_space<vmem_shared>> -> memref<112x32xf32, #tpu.memory_space<vmem_shared>>
        %dma_start3A_75 = arith.constant 0 : i32
        %dma_start3A_76 = arith.constant 0 : i32
        %dma_start3A_77 = tpu.memref_slice %arg11[%dma_start3A_75, %dma_start3A_76] : memref<240x32xf32, #tpu.memory_space<vmem>> -> memref<112x32xf32, #tpu.memory_space<vmem>>
        tpu.enqueue_dma source(%dma_start3A_77 : memref<112x32xf32, #tpu.memory_space<vmem>>) target(%dma_start3A_74 : memref<112x32xf32, #tpu.memory_space<vmem_shared>>) target_semaphore(%run_scoped3A : memref<!tpu.dma_semaphore, #tpu.memory_space<semaphore_mem>>)
        %dma_wait3A_78 = arith.constant 0 : i32
        %dma_wait3A_79 = arith.constant 0 : i32
        %dma_wait3A_80 = tpu.memref_slice %arg11[%dma_wait3A_78, %dma_wait3A_79] : memref<240x32xf32, #tpu.memory_space<vmem>> -> memref<112x32xf32, #tpu.memory_space<vmem>>
        %dma_wait3A_81 = arith.constant 0 : i32
        %dma_wait3A_82 = tpu.memref_slice %arg8[%add3A, %dma_wait3A_81] : memref<50176x32xf32, #tpu.memory_space<vmem_shared>> -> memref<112x32xf32, #tpu.memory_space<vmem_shared>>
        %dma_wait3A_83 = arith.constant 0 : i32
        %dma_wait3A_84 = tpu.memref_slice %arg8[%add3A, %dma_wait3A_83] : memref<50176x32xf32, #tpu.memory_space<vmem_shared>> -> memref<112x32xf32, #tpu.memory_space<vmem_shared>>
        %dma_wait3A_85 = arith.constant 0 : i32
        %dma_wait3A_86 = arith.constant 0 : i32
        %dma_wait3A_87 = tpu.memref_slice %arg11[%dma_wait3A_85, %dma_wait3A_86] : memref<240x32xf32, #tpu.memory_space<vmem>> -> memref<112x32xf32, #tpu.memory_space<vmem>>
        tpu.wait_dma2 semaphore(%run_scoped3A : memref<!tpu.dma_semaphore, #tpu.memory_space<semaphore_mem>>) src(%dma_wait3A_87 : memref<112x32xf32, #tpu.memory_space<vmem>>) dst(%dma_wait3A_84 : memref<112x32xf32, #tpu.memory_space<vmem_shared>>)
        tpu.yield
      }) : () -> ()
      %scan3A_68 = arith.constant 0 : i32
      scf.yield %scan3A_68 : i32
    }
    %scan3A_12 = arith.constant 28 : i32
    %barrier3A = arith.constant 0 : index
    tpu.barrier barrier_id(%barrier3A)
    %mul3A = arith.constant 50000 : i32
    %mul3A_13 = arith.muli %arg1, %mul3A : i32
    %mul3A_14 = arith.constant 800000 : i32
    %mul3A_15 = arith.muli %arg0, %mul3A_14 : i32
    %mul3A_16 = arith.constant 50000 : i32
    %mul3A_17 = arith.muli %arg0, %mul3A_16 : i32
    %scan3A_18 = arith.constant 0 : i32
    %scan3A_19 = arith.constant 0 : i32
    %scan3A_20 = arith.constant 209 : i32
    %scan3A_21 = arith.addi %scan3A_19, %scan3A_20 : i32
    %scan3A_22 = arith.constant 1 : i32
    %scan3A_23 = scf.for %scan3A_62 = %scan3A_19 to %scan3A_21 step %scan3A_22 iter_args(%scan3A_63 = %scan3A_18) -> (i32)  : i32 {
      %mul3A_64 = arith.constant 3 : i32
      %mul3A_65 = arith.muli %scan3A_62, %mul3A_64 : i32
      %add3A = arith.constant 0 : i32
      %add3A_66 = arith.addi %mul3A_65, %add3A : i32
      %ge3A = arith.constant 3 : i32
      %ge3A_67 = arith.cmpi sge, %add3A_66, %ge3A : i32
      %lt3A = arith.constant 625 : i32
      %lt3A_68 = arith.cmpi slt, %add3A_66, %lt3A : i32
      %and3A = arith.andi %ge3A_67, %lt3A_68 : i1
      %convert_element_type3A = arith.extui %and3A : i1 to i32
      %cond3A = arith.constant 0 : i32
      %cond3A_69 = arith.cmpi ne, %convert_element_type3A, %cond3A : i32
      scf.if %cond3A_69 {
        %dma_wait3A_169 = arith.constant 0 : i32
        %dma_wait3A_170 = arith.constant 0 : i32
        %dma_wait3A_171 = arith.constant 0 : i32
        %dma_wait3A_172 = tpu.memref_slice %arg11[%dma_wait3A_170, %dma_wait3A_171] : memref<240x32xf32, #tpu.memory_space<vmem>> -> memref<80x32xf32, #tpu.memory_space<vmem>>
        %dma_wait3A_173 = arith.constant 0 : i32
        %dma_wait3A_174 = tpu.memref_slice %arg10[%dma_wait3A_169, %dma_wait3A_173] : memref<3x80xi32, #tpu.memory_space<vmem>> -> memref<1x80xi32, #tpu.memory_space<vmem>>
        %dma_wait3A_175 = tpu.memref_squeeze %dma_wait3A_174 : memref<1x80xi32, #tpu.memory_space<vmem>> -> memref<80xi32, #tpu.memory_space<vmem>>
        %dma_wait3A_176 = arith.constant 0 : i32
        %dma_wait3A_177 = arith.constant 0 : i32
        %dma_wait3A_178 = tpu.memref_slice %arg8[%dma_wait3A_176, %dma_wait3A_177] : memref<50176x32xf32, #tpu.memory_space<vmem_shared>> -> memref<50176x32xf32, #tpu.memory_space<vmem_shared>>
        tpu.wait_indirect_dma semaphore(%arg20 : memref<!tpu.dma_semaphore, #tpu.memory_space<semaphore_mem>>) src(%dma_wait3A_172 : memref<80x32xf32, #tpu.memory_space<vmem>>) dst(%dma_wait3A_178 : memref<50176x32xf32, #tpu.memory_space<vmem_shared>>)
      } else {
      }
      %lt3A_70 = arith.constant 625 : i32
      %lt3A_71 = arith.cmpi slt, %add3A_66, %lt3A_70 : i32
      %convert_element_type3A_72 = arith.extui %lt3A_71 : i1 to i32
      %cond3A_73 = arith.constant 0 : i32
      %cond3A_74 = arith.cmpi ne, %convert_element_type3A_72, %cond3A_73 : i32
      scf.if %cond3A_74 {
        %mul3A_169 = arith.constant 80 : i32
        %mul3A_170 = arith.muli %add3A_66, %mul3A_169 : i32
        %add3A_171 = arith.addi %mul3A_13, %mul3A_170 : i32
        %add3A_172 = arith.addi %mul3A_15, %add3A_171 : i32
        %jit3A = arith.constant 4 : i32
        %div3A = arith.divsi %add3A_172, %jit3A : i32
        %sign3A = arith.constant 0 : i32
        %sign3A_173 = arith.cmpi sgt, %add3A_172, %sign3A : i32
        %sign3A_174 = arith.extui %sign3A_173 : i1 to i32
        %sign3A_175 = arith.constant 0 : i32
        %sign3A_176 = arith.cmpi slt, %add3A_172, %sign3A_175 : i32
        %sign3A_177 = arith.extui %sign3A_176 : i1 to i32
        %sign3A_178 = arith.subi %sign3A_174, %sign3A_177 : i32
        %sign3A_179 = arith.constant 0 : i32
        %sign3A_180 = arith.cmpi sgt, %jit3A, %sign3A_179 : i32
        %sign3A_181 = arith.extui %sign3A_180 : i1 to i32
        %sign3A_182 = arith.constant 0 : i32
        %sign3A_183 = arith.cmpi slt, %jit3A, %sign3A_182 : i32
        %sign3A_184 = arith.extui %sign3A_183 : i1 to i32
        %sign3A_185 = arith.subi %sign3A_181, %sign3A_184 : i32
        %ne3A = arith.cmpi ne, %sign3A_178, %sign3A_185 : i32
        %rem3A = arith.remsi %add3A_172, %jit3A : i32
        %ne3A_186 = arith.constant 0 : i32
        %ne3A_187 = arith.cmpi ne, %rem3A, %ne3A_186 : i32
        %and3A_188 = arith.andi %ne3A, %ne3A_187 : i1
        %sub3A_189 = arith.constant 1 : i32
        %sub3A_190 = arith.subi %div3A, %sub3A_189 : i32
        %select_n3A = arith.select %and3A_188, %sub3A_190, %div3A : i32
        %mul3A_191 = arith.constant 625 : i32
        %mul3A_192 = arith.muli %arg1, %mul3A_191 : i32
        %add3A_193 = arith.addi %mul3A_192, %add3A_66 : i32
        %dma_start3A = arith.constant 0 : i32
        %dma_start3A_194 = tpu.memref_slice %arg9[%dma_start3A] : memref<240xi32, #tpu.memory_space<vmem>> -> memref<80xi32, #tpu.memory_space<vmem>>
        %dma_start3A_195 = tpu.memref_slice %arg5[%add3A_171] : memref<800000xi32, #tpu.memory_space<hbm>> -> memref<80xi32, #tpu.memory_space<hbm>>
        %dma_start3A_196 = arith.constant 0 : i32
        %dma_start3A_197 = tpu.memref_slice %arg9[%dma_start3A_196] : memref<240xi32, #tpu.memory_space<vmem>> -> memref<80xi32, #tpu.memory_space<vmem>>
        %dma_start3A_198 = tpu.memref_slice %arg5[%add3A_171] : memref<800000xi32, #tpu.memory_space<hbm>> -> memref<80xi32, #tpu.memory_space<hbm>>
        tpu.enqueue_dma source(%dma_start3A_198 : memref<80xi32, #tpu.memory_space<hbm>>) target(%dma_start3A_197 : memref<80xi32, #tpu.memory_space<vmem>>) target_semaphore(%arg14 : memref<!tpu.dma_semaphore, #tpu.memory_space<semaphore_mem>>)
        %dma_start3A_199 = arith.constant 0 : i32
        %dma_start3A_200 = arith.constant 0 : i32
        %dma_start3A_201 = tpu.memref_slice %arg10[%dma_start3A_199, %dma_start3A_200] : memref<3x80xi32, #tpu.memory_space<vmem>> -> memref<1x80xi32, #tpu.memory_space<vmem>>
        %dma_start3A_202 = arith.constant 0 : i32
        %dma_start3A_203 = tpu.memref_slice %arg6[%add3A_193, %dma_start3A_202] : memref<10000x80xi32, #tpu.memory_space<hbm>> -> memref<1x80xi32, #tpu.memory_space<hbm>>
        %dma_start3A_204 = arith.constant 0 : i32
        %dma_start3A_205 = arith.constant 0 : i32
        %dma_start3A_206 = tpu.memref_slice %arg10[%dma_start3A_204, %dma_start3A_205] : memref<3x80xi32, #tpu.memory_space<vmem>> -> memref<1x80xi32, #tpu.memory_space<vmem>>
        %dma_start3A_207 = arith.constant 0 : i32
        %dma_start3A_208 = tpu.memref_slice %arg6[%add3A_193, %dma_start3A_207] : memref<10000x80xi32, #tpu.memory_space<hbm>> -> memref<1x80xi32, #tpu.memory_space<hbm>>
        tpu.enqueue_dma source(%dma_start3A_208 : memref<1x80xi32, #tpu.memory_space<hbm>>) target(%dma_start3A_206 : memref<1x80xi32, #tpu.memory_space<vmem>>) target_semaphore(%arg14 : memref<!tpu.dma_semaphore, #tpu.memory_space<semaphore_mem>>)
        %dma_start3A_209 = arith.constant 0 : i32
        %dma_start3A_210 = arith.constant 0 : i32
        %dma_start3A_211 = tpu.memref_slice %arg12[%dma_start3A_209, %dma_start3A_210] : memref<60x128xf32, #tpu.memory_space<vmem>> -> memref<20x128xf32, #tpu.memory_space<vmem>>
        %dma_start3A_212 = arith.constant 0 : i32
        %dma_start3A_213 = tpu.memref_slice %arg3[%select_n3A, %dma_start3A_212] : memref<400000x128xf32, #tpu.memory_space<hbm>> -> memref<20x128xf32, #tpu.memory_space<hbm>>
        %dma_start3A_214 = arith.constant 0 : i32
        %dma_start3A_215 = arith.constant 0 : i32
        %dma_start3A_216 = tpu.memref_slice %arg12[%dma_start3A_214, %dma_start3A_215] : memref<60x128xf32, #tpu.memory_space<vmem>> -> memref<20x128xf32, #tpu.memory_space<vmem>>
        %dma_start3A_217 = arith.constant 0 : i32
        %dma_start3A_218 = tpu.memref_slice %arg3[%select_n3A, %dma_start3A_217] : memref<400000x128xf32, #tpu.memory_space<hbm>> -> memref<20x128xf32, #tpu.memory_space<hbm>>
        tpu.enqueue_dma source(%dma_start3A_218 : memref<20x128xf32, #tpu.memory_space<hbm>>) target(%dma_start3A_216 : memref<20x128xf32, #tpu.memory_space<vmem>>) target_semaphore(%arg14 : memref<!tpu.dma_semaphore, #tpu.memory_space<semaphore_mem>>)
        %dma_start3A_219 = arith.constant 0 : i32
        %dma_start3A_220 = arith.constant 0 : i32
        %dma_start3A_221 = tpu.memref_slice %arg13[%dma_start3A_219, %dma_start3A_220] : memref<60x128xf32, #tpu.memory_space<vmem>> -> memref<20x128xf32, #tpu.memory_space<vmem>>
        %dma_start3A_222 = arith.constant 0 : i32
        %dma_start3A_223 = tpu.memref_slice %arg4[%select_n3A, %dma_start3A_222] : memref<400000x128xf32, #tpu.memory_space<hbm>> -> memref<20x128xf32, #tpu.memory_space<hbm>>
        %dma_start3A_224 = arith.constant 0 : i32
        %dma_start3A_225 = arith.constant 0 : i32
        %dma_start3A_226 = tpu.memref_slice %arg13[%dma_start3A_224, %dma_start3A_225] : memref<60x128xf32, #tpu.memory_space<vmem>> -> memref<20x128xf32, #tpu.memory_space<vmem>>
        %dma_start3A_227 = arith.constant 0 : i32
        %dma_start3A_228 = tpu.memref_slice %arg4[%select_n3A, %dma_start3A_227] : memref<400000x128xf32, #tpu.memory_space<hbm>> -> memref<20x128xf32, #tpu.memory_space<hbm>>
        tpu.enqueue_dma source(%dma_start3A_228 : memref<20x128xf32, #tpu.memory_space<hbm>>) target(%dma_start3A_226 : memref<20x128xf32, #tpu.memory_space<vmem>>) target_semaphore(%arg14 : memref<!tpu.dma_semaphore, #tpu.memory_space<semaphore_mem>>)
      } else {
      }
      %sub3A = arith.constant 1 : i32
      %sub3A_75 = arith.subi %add3A_66, %sub3A : i32
      %ge3A_76 = arith.constant 0 : i32
      %ge3A_77 = arith.cmpi sge, %sub3A_75, %ge3A_76 : i32
      %lt3A_78 = arith.constant 625 : i32
      %lt3A_79 = arith.cmpi slt, %sub3A_75, %lt3A_78 : i32
      %and3A_80 = arith.andi %ge3A_77, %lt3A_79 : i1
      %convert_element_type3A_81 = arith.extui %and3A_80 : i1 to i32
      %cond3A_82 = arith.constant 0 : i32
      %cond3A_83 = arith.cmpi ne, %convert_element_type3A_81, %cond3A_82 : i32
      scf.if %cond3A_83 {
        %mul3A_169 = arith.constant 80 : i32
        %mul3A_170 = arith.muli %sub3A_75, %mul3A_169 : i32
        %add3A_171 = arith.addi %mul3A_13, %mul3A_170 : i32
        %add3A_172 = arith.addi %mul3A_15, %add3A_171 : i32
        %jit3A = arith.constant 4 : i32
        %div3A = arith.divsi %add3A_172, %jit3A : i32
        %sign3A = arith.constant 0 : i32
        %sign3A_173 = arith.cmpi sgt, %add3A_172, %sign3A : i32
        %sign3A_174 = arith.extui %sign3A_173 : i1 to i32
        %sign3A_175 = arith.constant 0 : i32
        %sign3A_176 = arith.cmpi slt, %add3A_172, %sign3A_175 : i32
        %sign3A_177 = arith.extui %sign3A_176 : i1 to i32
        %sign3A_178 = arith.subi %sign3A_174, %sign3A_177 : i32
        %sign3A_179 = arith.constant 0 : i32
        %sign3A_180 = arith.cmpi sgt, %jit3A, %sign3A_179 : i32
        %sign3A_181 = arith.extui %sign3A_180 : i1 to i32
        %sign3A_182 = arith.constant 0 : i32
        %sign3A_183 = arith.cmpi slt, %jit3A, %sign3A_182 : i32
        %sign3A_184 = arith.extui %sign3A_183 : i1 to i32
        %sign3A_185 = arith.subi %sign3A_181, %sign3A_184 : i32
        %ne3A = arith.cmpi ne, %sign3A_178, %sign3A_185 : i32
        %rem3A = arith.remsi %add3A_172, %jit3A : i32
        %ne3A_186 = arith.constant 0 : i32
        %ne3A_187 = arith.cmpi ne, %rem3A, %ne3A_186 : i32
        %and3A_188 = arith.andi %ne3A, %ne3A_187 : i1
        %sub3A_189 = arith.constant 1 : i32
        %sub3A_190 = arith.subi %div3A, %sub3A_189 : i32
        %select_n3A = arith.select %and3A_188, %sub3A_190, %div3A : i32
        %mul3A_191 = arith.constant 625 : i32
        %mul3A_192 = arith.muli %arg1, %mul3A_191 : i32
        %add3A_193 = arith.addi %mul3A_192, %sub3A_75 : i32
        %dma_wait3A_194 = arith.constant 160 : i32
        %dma_wait3A_195 = tpu.memref_slice %arg9[%dma_wait3A_194] : memref<240xi32, #tpu.memory_space<vmem>> -> memref<80xi32, #tpu.memory_space<vmem>>
        %dma_wait3A_196 = tpu.memref_slice %arg5[%add3A_171] : memref<800000xi32, #tpu.memory_space<hbm>> -> memref<80xi32, #tpu.memory_space<hbm>>
        %dma_wait3A_197 = arith.constant 160 : i32
        %dma_wait3A_198 = tpu.memref_slice %arg9[%dma_wait3A_197] : memref<240xi32, #tpu.memory_space<vmem>> -> memref<80xi32, #tpu.memory_space<vmem>>
        %dma_wait3A_199 = tpu.memref_slice %arg5[%add3A_171] : memref<800000xi32, #tpu.memory_space<hbm>> -> memref<80xi32, #tpu.memory_space<hbm>>
        tpu.wait_dma2 semaphore(%arg16 : memref<!tpu.dma_semaphore, #tpu.memory_space<semaphore_mem>>) src(%dma_wait3A_199 : memref<80xi32, #tpu.memory_space<hbm>>) dst(%dma_wait3A_198 : memref<80xi32, #tpu.memory_space<vmem>>)
        %dma_wait3A_200 = arith.constant 2 : i32
        %dma_wait3A_201 = arith.constant 0 : i32
        %dma_wait3A_202 = tpu.memref_slice %arg10[%dma_wait3A_200, %dma_wait3A_201] : memref<3x80xi32, #tpu.memory_space<vmem>> -> memref<1x80xi32, #tpu.memory_space<vmem>>
        %dma_wait3A_203 = arith.constant 0 : i32
        %dma_wait3A_204 = tpu.memref_slice %arg6[%add3A_193, %dma_wait3A_203] : memref<10000x80xi32, #tpu.memory_space<hbm>> -> memref<1x80xi32, #tpu.memory_space<hbm>>
        %dma_wait3A_205 = arith.constant 2 : i32
        %dma_wait3A_206 = arith.constant 0 : i32
        %dma_wait3A_207 = tpu.memref_slice %arg10[%dma_wait3A_205, %dma_wait3A_206] : memref<3x80xi32, #tpu.memory_space<vmem>> -> memref<1x80xi32, #tpu.memory_space<vmem>>
        %dma_wait3A_208 = arith.constant 0 : i32
        %dma_wait3A_209 = tpu.memref_slice %arg6[%add3A_193, %dma_wait3A_208] : memref<10000x80xi32, #tpu.memory_space<hbm>> -> memref<1x80xi32, #tpu.memory_space<hbm>>
        tpu.wait_dma2 semaphore(%arg16 : memref<!tpu.dma_semaphore, #tpu.memory_space<semaphore_mem>>) src(%dma_wait3A_209 : memref<1x80xi32, #tpu.memory_space<hbm>>) dst(%dma_wait3A_207 : memref<1x80xi32, #tpu.memory_space<vmem>>)
        %dma_wait3A_210 = arith.constant 40 : i32
        %dma_wait3A_211 = arith.constant 0 : i32
        %dma_wait3A_212 = tpu.memref_slice %arg12[%dma_wait3A_210, %dma_wait3A_211] : memref<60x128xf32, #tpu.memory_space<vmem>> -> memref<20x128xf32, #tpu.memory_space<vmem>>
        %dma_wait3A_213 = arith.constant 0 : i32
        %dma_wait3A_214 = tpu.memref_slice %arg3[%select_n3A, %dma_wait3A_213] : memref<400000x128xf32, #tpu.memory_space<hbm>> -> memref<20x128xf32, #tpu.memory_space<hbm>>
        %dma_wait3A_215 = arith.constant 40 : i32
        %dma_wait3A_216 = arith.constant 0 : i32
        %dma_wait3A_217 = tpu.memref_slice %arg12[%dma_wait3A_215, %dma_wait3A_216] : memref<60x128xf32, #tpu.memory_space<vmem>> -> memref<20x128xf32, #tpu.memory_space<vmem>>
        %dma_wait3A_218 = arith.constant 0 : i32
        %dma_wait3A_219 = tpu.memref_slice %arg3[%select_n3A, %dma_wait3A_218] : memref<400000x128xf32, #tpu.memory_space<hbm>> -> memref<20x128xf32, #tpu.memory_space<hbm>>
        tpu.wait_dma2 semaphore(%arg16 : memref<!tpu.dma_semaphore, #tpu.memory_space<semaphore_mem>>) src(%dma_wait3A_219 : memref<20x128xf32, #tpu.memory_space<hbm>>) dst(%dma_wait3A_217 : memref<20x128xf32, #tpu.memory_space<vmem>>)
        %dma_wait3A_220 = arith.constant 40 : i32
        %dma_wait3A_221 = arith.constant 0 : i32
        %dma_wait3A_222 = tpu.memref_slice %arg13[%dma_wait3A_220, %dma_wait3A_221] : memref<60x128xf32, #tpu.memory_space<vmem>> -> memref<20x128xf32, #tpu.memory_space<vmem>>
        %dma_wait3A_223 = arith.constant 0 : i32
        %dma_wait3A_224 = tpu.memref_slice %arg4[%select_n3A, %dma_wait3A_223] : memref<400000x128xf32, #tpu.memory_space<hbm>> -> memref<20x128xf32, #tpu.memory_space<hbm>>
        %dma_wait3A_225 = arith.constant 40 : i32
        %dma_wait3A_226 = arith.constant 0 : i32
        %dma_wait3A_227 = tpu.memref_slice %arg13[%dma_wait3A_225, %dma_wait3A_226] : memref<60x128xf32, #tpu.memory_space<vmem>> -> memref<20x128xf32, #tpu.memory_space<vmem>>
        %dma_wait3A_228 = arith.constant 0 : i32
        %dma_wait3A_229 = tpu.memref_slice %arg4[%select_n3A, %dma_wait3A_228] : memref<400000x128xf32, #tpu.memory_space<hbm>> -> memref<20x128xf32, #tpu.memory_space<hbm>>
        tpu.wait_dma2 semaphore(%arg16 : memref<!tpu.dma_semaphore, #tpu.memory_space<semaphore_mem>>) src(%dma_wait3A_229 : memref<20x128xf32, #tpu.memory_space<hbm>>) dst(%dma_wait3A_227 : memref<20x128xf32, #tpu.memory_space<vmem>>)
        %get3A = arith.constant 160 : index
        %get3A_230 = tpu.vector_load %arg9[%get3A] {strides = array<i32>} : memref<240xi32, #tpu.memory_space<vmem>>, vector<16xi32>,
        %get3A_231 = vector.shape_cast %get3A_230 : vector<16xi32> to vector<16xi32>
        %add3A_232 = vector.broadcast %mul3A_17 : i32 to vector<16xi32>
        %add3A_233 = arith.addi %get3A_231, %add3A_232 : vector<16xi32>
        %swap3A = arith.constant 160 : index
        %swap3A_234 = tpu.vector_load %arg9[%swap3A] {strides = array<i32>} : memref<240xi32, #tpu.memory_space<vmem>>, vector<16xi32>,
        %swap3A_235 = vector.shape_cast %swap3A_234 : vector<16xi32> to vector<16xi32>
        %swap3A_236 = vector.shape_cast %add3A_233 : vector<16xi32> to vector<16xi32>
        tpu.vector_store %arg9[%swap3A], %swap3A_236 {strides = array<i32>} : memref<240xi32, #tpu.memory_space<vmem>>, vector<16xi32>,
        %get3A_237 = arith.constant 176 : index
        %get3A_238 = tpu.vector_load %arg9[%get3A_237] {strides = array<i32>} : memref<240xi32, #tpu.memory_space<vmem>>, vector<16xi32>,
        %get3A_239 = vector.shape_cast %get3A_238 : vector<16xi32> to vector<16xi32>
        %add3A_240 = vector.broadcast %mul3A_17 : i32 to vector<16xi32>
        %add3A_241 = arith.addi %get3A_239, %add3A_240 : vector<16xi32>
        %swap3A_242 = arith.constant 176 : index
        %swap3A_243 = tpu.vector_load %arg9[%swap3A_242] {strides = array<i32>} : memref<240xi32, #tpu.memory_space<vmem>>, vector<16xi32>,
        %swap3A_244 = vector.shape_cast %swap3A_243 : vector<16xi32> to vector<16xi32>
        %swap3A_245 = vector.shape_cast %add3A_241 : vector<16xi32> to vector<16xi32>
        tpu.vector_store %arg9[%swap3A_242], %swap3A_245 {strides = array<i32>} : memref<240xi32, #tpu.memory_space<vmem>>, vector<16xi32>,
        %get3A_246 = arith.constant 192 : index
        %get3A_247 = tpu.vector_load %arg9[%get3A_246] {strides = array<i32>} : memref<240xi32, #tpu.memory_space<vmem>>, vector<16xi32>,
        %get3A_248 = vector.shape_cast %get3A_247 : vector<16xi32> to vector<16xi32>
        %add3A_249 = vector.broadcast %mul3A_17 : i32 to vector<16xi32>
        %add3A_250 = arith.addi %get3A_248, %add3A_249 : vector<16xi32>
        %swap3A_251 = arith.constant 192 : index
        %swap3A_252 = tpu.vector_load %arg9[%swap3A_251] {strides = array<i32>} : memref<240xi32, #tpu.memory_space<vmem>>, vector<16xi32>,
        %swap3A_253 = vector.shape_cast %swap3A_252 : vector<16xi32> to vector<16xi32>
        %swap3A_254 = vector.shape_cast %add3A_250 : vector<16xi32> to vector<16xi32>
        tpu.vector_store %arg9[%swap3A_251], %swap3A_254 {strides = array<i32>} : memref<240xi32, #tpu.memory_space<vmem>>, vector<16xi32>,
        %get3A_255 = arith.constant 208 : index
        %get3A_256 = tpu.vector_load %arg9[%get3A_255] {strides = array<i32>} : memref<240xi32, #tpu.memory_space<vmem>>, vector<16xi32>,
        %get3A_257 = vector.shape_cast %get3A_256 : vector<16xi32> to vector<16xi32>
        %add3A_258 = vector.broadcast %mul3A_17 : i32 to vector<16xi32>
        %add3A_259 = arith.addi %get3A_257, %add3A_258 : vector<16xi32>
        %swap3A_260 = arith.constant 208 : index
        %swap3A_261 = tpu.vector_load %arg9[%swap3A_260] {strides = array<i32>} : memref<240xi32, #tpu.memory_space<vmem>>, vector<16xi32>,
        %swap3A_262 = vector.shape_cast %swap3A_261 : vector<16xi32> to vector<16xi32>
        %swap3A_263 = vector.shape_cast %add3A_259 : vector<16xi32> to vector<16xi32>
        tpu.vector_store %arg9[%swap3A_260], %swap3A_263 {strides = array<i32>} : memref<240xi32, #tpu.memory_space<vmem>>, vector<16xi32>,
        %get3A_264 = arith.constant 224 : index
        %get3A_265 = tpu.vector_load %arg9[%get3A_264] {strides = array<i32>} : memref<240xi32, #tpu.memory_space<vmem>>, vector<16xi32>,
        %get3A_266 = vector.shape_cast %get3A_265 : vector<16xi32> to vector<16xi32>
        %add3A_267 = vector.broadcast %mul3A_17 : i32 to vector<16xi32>
        %add3A_268 = arith.addi %get3A_266, %add3A_267 : vector<16xi32>
        %swap3A_269 = arith.constant 224 : index
        %swap3A_270 = tpu.vector_load %arg9[%swap3A_269] {strides = array<i32>} : memref<240xi32, #tpu.memory_space<vmem>>, vector<16xi32>,
        %swap3A_271 = vector.shape_cast %swap3A_270 : vector<16xi32> to vector<16xi32>
        %swap3A_272 = vector.shape_cast %add3A_268 : vector<16xi32> to vector<16xi32>
        tpu.vector_store %arg9[%swap3A_269], %swap3A_272 {strides = array<i32>} : memref<240xi32, #tpu.memory_space<vmem>>, vector<16xi32>,
        %dma_start3A = arith.constant 160 : i32
        %dma_start3A_273 = arith.constant 0 : i32
        %dma_start3A_274 = tpu.memref_slice %arg11[%dma_start3A, %dma_start3A_273] : memref<240x32xf32, #tpu.memory_space<vmem>> -> memref<80x32xf32, #tpu.memory_space<vmem>>
        %dma_start3A_275 = arith.constant 160 : i32
        %dma_start3A_276 = tpu.memref_slice %arg9[%dma_start3A_275] : memref<240xi32, #tpu.memory_space<vmem>> -> memref<80xi32, #tpu.memory_space<vmem>>
        %dma_start3A_277 = arith.constant 0 : i32
        %dma_start3A_278 = arith.constant 0 : i32
        %dma_start3A_279 = tpu.memref_slice %arg2[%dma_start3A_277, %dma_start3A_278] : memref<100000x32xf32, #tpu.memory_space<hbm>> -> memref<100000x32xf32, #tpu.memory_space<hbm>>
        tpu.enqueue_indirect_dma source(%dma_start3A_279 : memref<100000x32xf32, #tpu.memory_space<hbm>>) target(%dma_start3A_274 : memref<80x32xf32, #tpu.memory_space<vmem>>) offsets(%dma_start3A_276 : memref<80xi32, #tpu.memory_space<vmem>>) semaphore(%arg19 : memref<!tpu.dma_semaphore, #tpu.memory_space<semaphore_mem>>)
      } else {
      }
      %sub3A_84 = arith.constant 2 : i32
      %sub3A_85 = arith.subi %add3A_66, %sub3A_84 : i32
      %ge3A_86 = arith.constant 0 : i32
      %ge3A_87 = arith.cmpi sge, %sub3A_85, %ge3A_86 : i32
      %lt3A_88 = arith.constant 625 : i32
      %lt3A_89 = arith.cmpi slt, %sub3A_85, %lt3A_88 : i32
      %and3A_90 = arith.andi %ge3A_87, %lt3A_89 : i1
      %convert_element_type3A_91 = arith.extui %and3A_90 : i1 to i32
      %cond3A_92 = arith.constant 0 : i32
      %cond3A_93 = arith.cmpi ne, %convert_element_type3A_91, %cond3A_92 : i32
      scf.if %cond3A_93 {
        %dma_wait3A_169 = arith.constant 80 : i32
        %dma_wait3A_170 = arith.constant 0 : i32
        %dma_wait3A_171 = tpu.memref_slice %arg11[%dma_wait3A_169, %dma_wait3A_170] : memref<240x32xf32, #tpu.memory_space<vmem>> -> memref<80x32xf32, #tpu.memory_space<vmem>>
        %dma_wait3A_172 = arith.constant 80 : i32
        %dma_wait3A_173 = tpu.memref_slice %arg9[%dma_wait3A_172] : memref<240xi32, #tpu.memory_space<vmem>> -> memref<80xi32, #tpu.memory_space<vmem>>
        %dma_wait3A_174 = arith.constant 0 : i32
        %dma_wait3A_175 = arith.constant 0 : i32
        %dma_wait3A_176 = tpu.memref_slice %arg2[%dma_wait3A_174, %dma_wait3A_175] : memref<100000x32xf32, #tpu.memory_space<hbm>> -> memref<100000x32xf32, #tpu.memory_space<hbm>>
        tpu.wait_indirect_dma semaphore(%arg18 : memref<!tpu.dma_semaphore, #tpu.memory_space<semaphore_mem>>) src(%dma_wait3A_176 : memref<100000x32xf32, #tpu.memory_space<hbm>>) dst(%dma_wait3A_171 : memref<80x32xf32, #tpu.memory_space<vmem>>)
        %scan3A_177 = arith.constant 0 : i32
        %scan3A_178 = arith.constant 0 : i32
        %scan3A_179 = arith.constant 20 : i32
        %scan3A_180 = arith.addi %scan3A_178, %scan3A_179 : i32
        %scan3A_181 = arith.constant 1 : i32
        %scan3A_182 = scf.for %scan3A_193 = %scan3A_178 to %scan3A_180 step %scan3A_181 iter_args(%scan3A_194 = %scan3A_177) -> (i32)  : i32 {
          %add3A_195 = arith.constant 20 : i32
          %add3A_196 = arith.addi %add3A_195, %scan3A_193 : i32
          %mul3A_197 = arith.constant 4 : i32
          %mul3A_198 = arith.muli %scan3A_193, %mul3A_197 : i32
          %add3A_199 = arith.constant 80 : i32
          %add3A_200 = arith.addi %add3A_199, %mul3A_198 : i32
          %add3A_201 = arith.constant 0 : i32
          %add3A_202 = arith.addi %add3A_200, %add3A_201 : i32
          %get3A = arith.index_cast %add3A_202 : i32 to index
          %get3A_203 = arith.constant 0 : index
          %get3A_204 = tpu.vector_load %arg11[%get3A, %get3A_203] {strides = array<i32>} : memref<240x32xf32, #tpu.memory_space<vmem>>, vector<1x16xf32>,
          %get3A_205 = vector.shape_cast %get3A_204 : vector<1x16xf32> to vector<16xf32>
          %get3A_206 = arith.index_cast %add3A_196 : i32 to index
          %get3A_207 = arith.constant 0 : index
          %get3A_208 = tpu.vector_load %arg12[%get3A_206, %get3A_207] {strides = array<i32>} : memref<60x128xf32, #tpu.memory_space<vmem>>, vector<1x16xf32>,
          %get3A_209 = vector.shape_cast %get3A_208 : vector<1x16xf32> to vector<16xf32>
          %mul3A_210 = arith.mulf %get3A_205, %get3A_209 : vector<16xf32>
          %get3A_211 = arith.index_cast %add3A_196 : i32 to index
          %get3A_212 = arith.constant 0 : index
          %get3A_213 = tpu.vector_load %arg13[%get3A_211, %get3A_212] {strides = array<i32>} : memref<60x128xf32, #tpu.memory_space<vmem>>, vector<1x16xf32>,
          %get3A_214 = vector.shape_cast %get3A_213 : vector<1x16xf32> to vector<16xf32>
          %add3A_215 = arith.addf %mul3A_210, %get3A_214 : vector<16xf32>
          %swap3A = arith.index_cast %add3A_202 : i32 to index
          %swap3A_216 = arith.constant 0 : index
          %swap3A_217 = tpu.vector_load %arg11[%swap3A, %swap3A_216] {strides = array<i32>} : memref<240x32xf32, #tpu.memory_space<vmem>>, vector<1x16xf32>,
          %swap3A_218 = vector.shape_cast %swap3A_217 : vector<1x16xf32> to vector<16xf32>
          %swap3A_219 = vector.shape_cast %add3A_215 : vector<16xf32> to vector<1x16xf32>
          tpu.vector_store %arg11[%swap3A, %swap3A_216], %swap3A_219 {strides = array<i32>} : memref<240x32xf32, #tpu.memory_space<vmem>>, vector<1x16xf32>,
          %mul3A_220 = arith.constant 4 : i32
          %mul3A_221 = arith.muli %scan3A_193, %mul3A_220 : i32
          %add3A_222 = arith.constant 80 : i32
          %add3A_223 = arith.addi %add3A_222, %mul3A_221 : i32
          %add3A_224 = arith.constant 0 : i32
          %add3A_225 = arith.addi %add3A_223, %add3A_224 : i32
          %get3A_226 = arith.index_cast %add3A_225 : i32 to index
          %get3A_227 = arith.constant 16 : index
          %get3A_228 = tpu.vector_load %arg11[%get3A_226, %get3A_227] {strides = array<i32>} : memref<240x32xf32, #tpu.memory_space<vmem>>, vector<1x16xf32>,
          %get3A_229 = vector.shape_cast %get3A_228 : vector<1x16xf32> to vector<16xf32>
          %get3A_230 = arith.index_cast %add3A_196 : i32 to index
          %get3A_231 = arith.constant 16 : index
          %get3A_232 = tpu.vector_load %arg12[%get3A_230, %get3A_231] {strides = array<i32>} : memref<60x128xf32, #tpu.memory_space<vmem>>, vector<1x16xf32>,
          %get3A_233 = vector.shape_cast %get3A_232 : vector<1x16xf32> to vector<16xf32>
          %mul3A_234 = arith.mulf %get3A_229, %get3A_233 : vector<16xf32>
          %get3A_235 = arith.index_cast %add3A_196 : i32 to index
          %get3A_236 = arith.constant 16 : index
          %get3A_237 = tpu.vector_load %arg13[%get3A_235, %get3A_236] {strides = array<i32>} : memref<60x128xf32, #tpu.memory_space<vmem>>, vector<1x16xf32>,
          %get3A_238 = vector.shape_cast %get3A_237 : vector<1x16xf32> to vector<16xf32>
          %add3A_239 = arith.addf %mul3A_234, %get3A_238 : vector<16xf32>
          %swap3A_240 = arith.index_cast %add3A_225 : i32 to index
          %swap3A_241 = arith.constant 16 : index
          %swap3A_242 = tpu.vector_load %arg11[%swap3A_240, %swap3A_241] {strides = array<i32>} : memref<240x32xf32, #tpu.memory_space<vmem>>, vector<1x16xf32>,
          %swap3A_243 = vector.shape_cast %swap3A_242 : vector<1x16xf32> to vector<16xf32>
          %swap3A_244 = vector.shape_cast %add3A_239 : vector<16xf32> to vector<1x16xf32>
          tpu.vector_store %arg11[%swap3A_240, %swap3A_241], %swap3A_244 {strides = array<i32>} : memref<240x32xf32, #tpu.memory_space<vmem>>, vector<1x16xf32>,
          %mul3A_245 = arith.constant 4 : i32
          %mul3A_246 = arith.muli %scan3A_193, %mul3A_245 : i32
          %add3A_247 = arith.constant 80 : i32
          %add3A_248 = arith.addi %add3A_247, %mul3A_246 : i32
          %add3A_249 = arith.constant 1 : i32
          %add3A_250 = arith.addi %add3A_248, %add3A_249 : i32
          %get3A_251 = arith.index_cast %add3A_250 : i32 to index
          %get3A_252 = arith.constant 0 : index
          %get3A_253 = tpu.vector_load %arg11[%get3A_251, %get3A_252] {strides = array<i32>} : memref<240x32xf32, #tpu.memory_space<vmem>>, vector<1x16xf32>,
          %get3A_254 = vector.shape_cast %get3A_253 : vector<1x16xf32> to vector<16xf32>
          %get3A_255 = arith.index_cast %add3A_196 : i32 to index
          %get3A_256 = arith.constant 32 : index
          %get3A_257 = tpu.vector_load %arg12[%get3A_255, %get3A_256] {strides = array<i32>} : memref<60x128xf32, #tpu.memory_space<vmem>>, vector<1x16xf32>,
          %get3A_258 = vector.shape_cast %get3A_257 : vector<1x16xf32> to vector<16xf32>
          %mul3A_259 = arith.mulf %get3A_254, %get3A_258 : vector<16xf32>
          %get3A_260 = arith.index_cast %add3A_196 : i32 to index
          %get3A_261 = arith.constant 32 : index
          %get3A_262 = tpu.vector_load %arg13[%get3A_260, %get3A_261] {strides = array<i32>} : memref<60x128xf32, #tpu.memory_space<vmem>>, vector<1x16xf32>,
          %get3A_263 = vector.shape_cast %get3A_262 : vector<1x16xf32> to vector<16xf32>
          %add3A_264 = arith.addf %mul3A_259, %get3A_263 : vector<16xf32>
          %swap3A_265 = arith.index_cast %add3A_250 : i32 to index
          %swap3A_266 = arith.constant 0 : index
          %swap3A_267 = tpu.vector_load %arg11[%swap3A_265, %swap3A_266] {strides = array<i32>} : memref<240x32xf32, #tpu.memory_space<vmem>>, vector<1x16xf32>,
          %swap3A_268 = vector.shape_cast %swap3A_267 : vector<1x16xf32> to vector<16xf32>
          %swap3A_269 = vector.shape_cast %add3A_264 : vector<16xf32> to vector<1x16xf32>
          tpu.vector_store %arg11[%swap3A_265, %swap3A_266], %swap3A_269 {strides = array<i32>} : memref<240x32xf32, #tpu.memory_space<vmem>>, vector<1x16xf32>,
          %mul3A_270 = arith.constant 4 : i32
          %mul3A_271 = arith.muli %scan3A_193, %mul3A_270 : i32
          %add3A_272 = arith.constant 80 : i32
          %add3A_273 = arith.addi %add3A_272, %mul3A_271 : i32
          %add3A_274 = arith.constant 1 : i32
          %add3A_275 = arith.addi %add3A_273, %add3A_274 : i32
          %get3A_276 = arith.index_cast %add3A_275 : i32 to index
          %get3A_277 = arith.constant 16 : index
          %get3A_278 = tpu.vector_load %arg11[%get3A_276, %get3A_277] {strides = array<i32>} : memref<240x32xf32, #tpu.memory_space<vmem>>, vector<1x16xf32>,
          %get3A_279 = vector.shape_cast %get3A_278 : vector<1x16xf32> to vector<16xf32>
          %get3A_280 = arith.index_cast %add3A_196 : i32 to index
          %get3A_281 = arith.constant 48 : index
          %get3A_282 = tpu.vector_load %arg12[%get3A_280, %get3A_281] {strides = array<i32>} : memref<60x128xf32, #tpu.memory_space<vmem>>, vector<1x16xf32>,
          %get3A_283 = vector.shape_cast %get3A_282 : vector<1x16xf32> to vector<16xf32>
          %mul3A_284 = arith.mulf %get3A_279, %get3A_283 : vector<16xf32>
          %get3A_285 = arith.index_cast %add3A_196 : i32 to index
          %get3A_286 = arith.constant 48 : index
          %get3A_287 = tpu.vector_load %arg13[%get3A_285, %get3A_286] {strides = array<i32>} : memref<60x128xf32, #tpu.memory_space<vmem>>, vector<1x16xf32>,
          %get3A_288 = vector.shape_cast %get3A_287 : vector<1x16xf32> to vector<16xf32>
          %add3A_289 = arith.addf %mul3A_284, %get3A_288 : vector<16xf32>
          %swap3A_290 = arith.index_cast %add3A_275 : i32 to index
          %swap3A_291 = arith.constant 16 : index
          %swap3A_292 = tpu.vector_load %arg11[%swap3A_290, %swap3A_291] {strides = array<i32>} : memref<240x32xf32, #tpu.memory_space<vmem>>, vector<1x16xf32>,
          %swap3A_293 = vector.shape_cast %swap3A_292 : vector<1x16xf32> to vector<16xf32>
          %swap3A_294 = vector.shape_cast %add3A_289 : vector<16xf32> to vector<1x16xf32>
          tpu.vector_store %arg11[%swap3A_290, %swap3A_291], %swap3A_294 {strides = array<i32>} : memref<240x32xf32, #tpu.memory_space<vmem>>, vector<1x16xf32>,
          %mul3A_295 = arith.constant 4 : i32
          %mul3A_296 = arith.muli %scan3A_193, %mul3A_295 : i32
          %add3A_297 = arith.constant 80 : i32
          %add3A_298 = arith.addi %add3A_297, %mul3A_296 : i32
          %add3A_299 = arith.constant 2 : i32
          %add3A_300 = arith.addi %add3A_298, %add3A_299 : i32
          %get3A_301 = arith.index_cast %add3A_300 : i32 to index
          %get3A_302 = arith.constant 0 : index
          %get3A_303 = tpu.vector_load %arg11[%get3A_301, %get3A_302] {strides = array<i32>} : memref<240x32xf32, #tpu.memory_space<vmem>>, vector<1x16xf32>,
          %get3A_304 = vector.shape_cast %get3A_303 : vector<1x16xf32> to vector<16xf32>
          %get3A_305 = arith.index_cast %add3A_196 : i32 to index
          %get3A_306 = arith.constant 64 : index
          %get3A_307 = tpu.vector_load %arg12[%get3A_305, %get3A_306] {strides = array<i32>} : memref<60x128xf32, #tpu.memory_space<vmem>>, vector<1x16xf32>,
          %get3A_308 = vector.shape_cast %get3A_307 : vector<1x16xf32> to vector<16xf32>
          %mul3A_309 = arith.mulf %get3A_304, %get3A_308 : vector<16xf32>
          %get3A_310 = arith.index_cast %add3A_196 : i32 to index
          %get3A_311 = arith.constant 64 : index
          %get3A_312 = tpu.vector_load %arg13[%get3A_310, %get3A_311] {strides = array<i32>} : memref<60x128xf32, #tpu.memory_space<vmem>>, vector<1x16xf32>,
          %get3A_313 = vector.shape_cast %get3A_312 : vector<1x16xf32> to vector<16xf32>
          %add3A_314 = arith.addf %mul3A_309, %get3A_313 : vector<16xf32>
          %swap3A_315 = arith.index_cast %add3A_300 : i32 to index
          %swap3A_316 = arith.constant 0 : index
          %swap3A_317 = tpu.vector_load %arg11[%swap3A_315, %swap3A_316] {strides = array<i32>} : memref<240x32xf32, #tpu.memory_space<vmem>>, vector<1x16xf32>,
          %swap3A_318 = vector.shape_cast %swap3A_317 : vector<1x16xf32> to vector<16xf32>
          %swap3A_319 = vector.shape_cast %add3A_314 : vector<16xf32> to vector<1x16xf32>
          tpu.vector_store %arg11[%swap3A_315, %swap3A_316], %swap3A_319 {strides = array<i32>} : memref<240x32xf32, #tpu.memory_space<vmem>>, vector<1x16xf32>,
          %mul3A_320 = arith.constant 4 : i32
          %mul3A_321 = arith.muli %scan3A_193, %mul3A_320 : i32
          %add3A_322 = arith.constant 80 : i32
          %add3A_323 = arith.addi %add3A_322, %mul3A_321 : i32
          %add3A_324 = arith.constant 2 : i32
          %add3A_325 = arith.addi %add3A_323, %add3A_324 : i32
          %get3A_326 = arith.index_cast %add3A_325 : i32 to index
          %get3A_327 = arith.constant 16 : index
          %get3A_328 = tpu.vector_load %arg11[%get3A_326, %get3A_327] {strides = array<i32>} : memref<240x32xf32, #tpu.memory_space<vmem>>, vector<1x16xf32>,
          %get3A_329 = vector.shape_cast %get3A_328 : vector<1x16xf32> to vector<16xf32>
          %get3A_330 = arith.index_cast %add3A_196 : i32 to index
          %get3A_331 = arith.constant 80 : index
          %get3A_332 = tpu.vector_load %arg12[%get3A_330, %get3A_331] {strides = array<i32>} : memref<60x128xf32, #tpu.memory_space<vmem>>, vector<1x16xf32>,
          %get3A_333 = vector.shape_cast %get3A_332 : vector<1x16xf32> to vector<16xf32>
          %mul3A_334 = arith.mulf %get3A_329, %get3A_333 : vector<16xf32>
          %get3A_335 = arith.index_cast %add3A_196 : i32 to index
          %get3A_336 = arith.constant 80 : index
          %get3A_337 = tpu.vector_load %arg13[%get3A_335, %get3A_336] {strides = array<i32>} : memref<60x128xf32, #tpu.memory_space<vmem>>, vector<1x16xf32>,
          %get3A_338 = vector.shape_cast %get3A_337 : vector<1x16xf32> to vector<16xf32>
          %add3A_339 = arith.addf %mul3A_334, %get3A_338 : vector<16xf32>
          %swap3A_340 = arith.index_cast %add3A_325 : i32 to index
          %swap3A_341 = arith.constant 16 : index
          %swap3A_342 = tpu.vector_load %arg11[%swap3A_340, %swap3A_341] {strides = array<i32>} : memref<240x32xf32, #tpu.memory_space<vmem>>, vector<1x16xf32>,
          %swap3A_343 = vector.shape_cast %swap3A_342 : vector<1x16xf32> to vector<16xf32>
          %swap3A_344 = vector.shape_cast %add3A_339 : vector<16xf32> to vector<1x16xf32>
          tpu.vector_store %arg11[%swap3A_340, %swap3A_341], %swap3A_344 {strides = array<i32>} : memref<240x32xf32, #tpu.memory_space<vmem>>, vector<1x16xf32>,
          %mul3A_345 = arith.constant 4 : i32
          %mul3A_346 = arith.muli %scan3A_193, %mul3A_345 : i32
          %add3A_347 = arith.constant 80 : i32
          %add3A_348 = arith.addi %add3A_347, %mul3A_346 : i32
          %add3A_349 = arith.constant 3 : i32
          %add3A_350 = arith.addi %add3A_348, %add3A_349 : i32
          %get3A_351 = arith.index_cast %add3A_350 : i32 to index
          %get3A_352 = arith.constant 0 : index
          %get3A_353 = tpu.vector_load %arg11[%get3A_351, %get3A_352] {strides = array<i32>} : memref<240x32xf32, #tpu.memory_space<vmem>>, vector<1x16xf32>,
          %get3A_354 = vector.shape_cast %get3A_353 : vector<1x16xf32> to vector<16xf32>
          %get3A_355 = arith.index_cast %add3A_196 : i32 to index
          %get3A_356 = arith.constant 96 : index
          %get3A_357 = tpu.vector_load %arg12[%get3A_355, %get3A_356] {strides = array<i32>} : memref<60x128xf32, #tpu.memory_space<vmem>>, vector<1x16xf32>,
          %get3A_358 = vector.shape_cast %get3A_357 : vector<1x16xf32> to vector<16xf32>
          %mul3A_359 = arith.mulf %get3A_354, %get3A_358 : vector<16xf32>
          %get3A_360 = arith.index_cast %add3A_196 : i32 to index
          %get3A_361 = arith.constant 96 : index
          %get3A_362 = tpu.vector_load %arg13[%get3A_360, %get3A_361] {strides = array<i32>} : memref<60x128xf32, #tpu.memory_space<vmem>>, vector<1x16xf32>,
          %get3A_363 = vector.shape_cast %get3A_362 : vector<1x16xf32> to vector<16xf32>
          %add3A_364 = arith.addf %mul3A_359, %get3A_363 : vector<16xf32>
          %swap3A_365 = arith.index_cast %add3A_350 : i32 to index
          %swap3A_366 = arith.constant 0 : index
          %swap3A_367 = tpu.vector_load %arg11[%swap3A_365, %swap3A_366] {strides = array<i32>} : memref<240x32xf32, #tpu.memory_space<vmem>>, vector<1x16xf32>,
          %swap3A_368 = vector.shape_cast %swap3A_367 : vector<1x16xf32> to vector<16xf32>
          %swap3A_369 = vector.shape_cast %add3A_364 : vector<16xf32> to vector<1x16xf32>
          tpu.vector_store %arg11[%swap3A_365, %swap3A_366], %swap3A_369 {strides = array<i32>} : memref<240x32xf32, #tpu.memory_space<vmem>>, vector<1x16xf32>,
          %mul3A_370 = arith.constant 4 : i32
          %mul3A_371 = arith.muli %scan3A_193, %mul3A_370 : i32
          %add3A_372 = arith.constant 80 : i32
          %add3A_373 = arith.addi %add3A_372, %mul3A_371 : i32
          %add3A_374 = arith.constant 3 : i32
          %add3A_375 = arith.addi %add3A_373, %add3A_374 : i32
          %get3A_376 = arith.index_cast %add3A_375 : i32 to index
          %get3A_377 = arith.constant 16 : index
          %get3A_378 = tpu.vector_load %arg11[%get3A_376, %get3A_377] {strides = array<i32>} : memref<240x32xf32, #tpu.memory_space<vmem>>, vector<1x16xf32>,
          %get3A_379 = vector.shape_cast %get3A_378 : vector<1x16xf32> to vector<16xf32>
          %get3A_380 = arith.index_cast %add3A_196 : i32 to index
          %get3A_381 = arith.constant 112 : index
          %get3A_382 = tpu.vector_load %arg12[%get3A_380, %get3A_381] {strides = array<i32>} : memref<60x128xf32, #tpu.memory_space<vmem>>, vector<1x16xf32>,
          %get3A_383 = vector.shape_cast %get3A_382 : vector<1x16xf32> to vector<16xf32>
          %mul3A_384 = arith.mulf %get3A_379, %get3A_383 : vector<16xf32>
          %get3A_385 = arith.index_cast %add3A_196 : i32 to index
          %get3A_386 = arith.constant 112 : index
          %get3A_387 = tpu.vector_load %arg13[%get3A_385, %get3A_386] {strides = array<i32>} : memref<60x128xf32, #tpu.memory_space<vmem>>, vector<1x16xf32>,
          %get3A_388 = vector.shape_cast %get3A_387 : vector<1x16xf32> to vector<16xf32>
          %add3A_389 = arith.addf %mul3A_384, %get3A_388 : vector<16xf32>
          %swap3A_390 = arith.index_cast %add3A_375 : i32 to index
          %swap3A_391 = arith.constant 16 : index
          %swap3A_392 = tpu.vector_load %arg11[%swap3A_390, %swap3A_391] {strides = array<i32>} : memref<240x32xf32, #tpu.memory_space<vmem>>, vector<1x16xf32>,
          %swap3A_393 = vector.shape_cast %swap3A_392 : vector<1x16xf32> to vector<16xf32>
          %swap3A_394 = vector.shape_cast %add3A_389 : vector<16xf32> to vector<1x16xf32>
          tpu.vector_store %arg11[%swap3A_390, %swap3A_391], %swap3A_394 {strides = array<i32>} : memref<240x32xf32, #tpu.memory_space<vmem>>, vector<1x16xf32>,
          %scan3A_395 = arith.constant 0 : i32
          scf.yield %scan3A_395 : i32
        }
        %scan3A_183 = arith.constant 20 : i32
        %dma_start3A = arith.constant 1 : i32
        %dma_start3A_184 = arith.constant 80 : i32
        %dma_start3A_185 = arith.constant 0 : i32
        %dma_start3A_186 = tpu.memref_slice %arg11[%dma_start3A_184, %dma_start3A_185] : memref<240x32xf32, #tpu.memory_space<vmem>> -> memref<80x32xf32, #tpu.memory_space<vmem>>
        %dma_start3A_187 = arith.constant 0 : i32
        %dma_start3A_188 = tpu.memref_slice %arg10[%dma_start3A, %dma_start3A_187] : memref<3x80xi32, #tpu.memory_space<vmem>> -> memref<1x80xi32, #tpu.memory_space<vmem>>
        %dma_start3A_189 = tpu.memref_squeeze %dma_start3A_188 : memref<1x80xi32, #tpu.memory_space<vmem>> -> memref<80xi32, #tpu.memory_space<vmem>>
        %dma_start3A_190 = arith.constant 0 : i32
        %dma_start3A_191 = arith.constant 0 : i32
        %dma_start3A_192 = tpu.memref_slice %arg8[%dma_start3A_190, %dma_start3A_191] : memref<50176x32xf32, #tpu.memory_space<vmem_shared>> -> memref<50176x32xf32, #tpu.memory_space<vmem_shared>>
        tpu.enqueue_indirect_dma source(%dma_start3A_186 : memref<80x32xf32, #tpu.memory_space<vmem>>) target(%dma_start3A_192 : memref<50176x32xf32, #tpu.memory_space<vmem_shared>>) offsets(%dma_start3A_189 : memref<80xi32, #tpu.memory_space<vmem>>) semaphore(%arg21 : memref<!tpu.dma_semaphore, #tpu.memory_space<semaphore_mem>>) {add = true}
      } else {
      }
      %mul3A_94 = arith.constant 3 : i32
      %mul3A_95 = arith.muli %scan3A_62, %mul3A_94 : i32
      %add3A_96 = arith.constant 1 : i32
      %add3A_97 = arith.addi %mul3A_95, %add3A_96 : i32
      %ge3A_98 = arith.constant 3 : i32
      %ge3A_99 = arith.cmpi sge, %add3A_97, %ge3A_98 : i32
      %lt3A_100 = arith.constant 625 : i32
      %lt3A_101 = arith.cmpi slt, %add3A_97, %lt3A_100 : i32
      %and3A_102 = arith.andi %ge3A_99, %lt3A_101 : i1
      %convert_element_type3A_103 = arith.extui %and3A_102 : i1 to i32
      %cond3A_104 = arith.constant 0 : i32
      %cond3A_105 = arith.cmpi ne, %convert_element_type3A_103, %cond3A_104 : i32
      scf.if %cond3A_105 {
        %dma_wait3A_169 = arith.constant 1 : i32
        %dma_wait3A_170 = arith.constant 80 : i32
        %dma_wait3A_171 = arith.constant 0 : i32
        %dma_wait3A_172 = tpu.memref_slice %arg11[%dma_wait3A_170, %dma_wait3A_171] : memref<240x32xf32, #tpu.memory_space<vmem>> -> memref<80x32xf32, #tpu.memory_space<vmem>>
        %dma_wait3A_173 = arith.constant 0 : i32
        %dma_wait3A_174 = tpu.memref_slice %arg10[%dma_wait3A_169, %dma_wait3A_173] : memref<3x80xi32, #tpu.memory_space<vmem>> -> memref<1x80xi32, #tpu.memory_space<vmem>>
        %dma_wait3A_175 = tpu.memref_squeeze %dma_wait3A_174 : memref<1x80xi32, #tpu.memory_space<vmem>> -> memref<80xi32, #tpu.memory_space<vmem>>
        %dma_wait3A_176 = arith.constant 0 : i32
        %dma_wait3A_177 = arith.constant 0 : i32
        %dma_wait3A_178 = tpu.memref_slice %arg8[%dma_wait3A_176, %dma_wait3A_177] : memref<50176x32xf32, #tpu.memory_space<vmem_shared>> -> memref<50176x32xf32, #tpu.memory_space<vmem_shared>>
        tpu.wait_indirect_dma semaphore(%arg21 : memref<!tpu.dma_semaphore, #tpu.memory_space<semaphore_mem>>) src(%dma_wait3A_172 : memref<80x32xf32, #tpu.memory_space<vmem>>) dst(%dma_wait3A_178 : memref<50176x32xf32, #tpu.memory_space<vmem_shared>>)
      } else {
      }
      %lt3A_106 = arith.constant 625 : i32
      %lt3A_107 = arith.cmpi slt, %add3A_97, %lt3A_106 : i32
      %convert_element_type3A_108 = arith.extui %lt3A_107 : i1 to i32
      %cond3A_109 = arith.constant 0 : i32
      %cond3A_110 = arith.cmpi ne, %convert_element_type3A_108, %cond3A_109 : i32
      scf.if %cond3A_110 {
        %mul3A_169 = arith.constant 80 : i32
        %mul3A_170 = arith.muli %add3A_97, %mul3A_169 : i32
        %add3A_171 = arith.addi %mul3A_13, %mul3A_170 : i32
        %add3A_172 = arith.addi %mul3A_15, %add3A_171 : i32
        %jit3A = arith.constant 4 : i32
        %div3A = arith.divsi %add3A_172, %jit3A : i32
        %sign3A = arith.constant 0 : i32
        %sign3A_173 = arith.cmpi sgt, %add3A_172, %sign3A : i32
        %sign3A_174 = arith.extui %sign3A_173 : i1 to i32
        %sign3A_175 = arith.constant 0 : i32
        %sign3A_176 = arith.cmpi slt, %add3A_172, %sign3A_175 : i32
        %sign3A_177 = arith.extui %sign3A_176 : i1 to i32
        %sign3A_178 = arith.subi %sign3A_174, %sign3A_177 : i32
        %sign3A_179 = arith.constant 0 : i32
        %sign3A_180 = arith.cmpi sgt, %jit3A, %sign3A_179 : i32
        %sign3A_181 = arith.extui %sign3A_180 : i1 to i32
        %sign3A_182 = arith.constant 0 : i32
        %sign3A_183 = arith.cmpi slt, %jit3A, %sign3A_182 : i32
        %sign3A_184 = arith.extui %sign3A_183 : i1 to i32
        %sign3A_185 = arith.subi %sign3A_181, %sign3A_184 : i32
        %ne3A = arith.cmpi ne, %sign3A_178, %sign3A_185 : i32
        %rem3A = arith.remsi %add3A_172, %jit3A : i32
        %ne3A_186 = arith.constant 0 : i32
        %ne3A_187 = arith.cmpi ne, %rem3A, %ne3A_186 : i32
        %and3A_188 = arith.andi %ne3A, %ne3A_187 : i1
        %sub3A_189 = arith.constant 1 : i32
        %sub3A_190 = arith.subi %div3A, %sub3A_189 : i32
        %select_n3A = arith.select %and3A_188, %sub3A_190, %div3A : i32
        %mul3A_191 = arith.constant 625 : i32
        %mul3A_192 = arith.muli %arg1, %mul3A_191 : i32
        %add3A_193 = arith.addi %mul3A_192, %add3A_97 : i32
        %dma_start3A = arith.constant 80 : i32
        %dma_start3A_194 = tpu.memref_slice %arg9[%dma_start3A] : memref<240xi32, #tpu.memory_space<vmem>> -> memref<80xi32, #tpu.memory_space<vmem>>
        %dma_start3A_195 = tpu.memref_slice %arg5[%add3A_171] : memref<800000xi32, #tpu.memory_space<hbm>> -> memref<80xi32, #tpu.memory_space<hbm>>
        %dma_start3A_196 = arith.constant 80 : i32
        %dma_start3A_197 = tpu.memref_slice %arg9[%dma_start3A_196] : memref<240xi32, #tpu.memory_space<vmem>> -> memref<80xi32, #tpu.memory_space<vmem>>
        %dma_start3A_198 = tpu.memref_slice %arg5[%add3A_171] : memref<800000xi32, #tpu.memory_space<hbm>> -> memref<80xi32, #tpu.memory_space<hbm>>
        tpu.enqueue_dma source(%dma_start3A_198 : memref<80xi32, #tpu.memory_space<hbm>>) target(%dma_start3A_197 : memref<80xi32, #tpu.memory_space<vmem>>) target_semaphore(%arg15 : memref<!tpu.dma_semaphore, #tpu.memory_space<semaphore_mem>>)
        %dma_start3A_199 = arith.constant 1 : i32
        %dma_start3A_200 = arith.constant 0 : i32
        %dma_start3A_201 = tpu.memref_slice %arg10[%dma_start3A_199, %dma_start3A_200] : memref<3x80xi32, #tpu.memory_space<vmem>> -> memref<1x80xi32, #tpu.memory_space<vmem>>
        %dma_start3A_202 = arith.constant 0 : i32
        %dma_start3A_203 = tpu.memref_slice %arg6[%add3A_193, %dma_start3A_202] : memref<10000x80xi32, #tpu.memory_space<hbm>> -> memref<1x80xi32, #tpu.memory_space<hbm>>
        %dma_start3A_204 = arith.constant 1 : i32
        %dma_start3A_205 = arith.constant 0 : i32
        %dma_start3A_206 = tpu.memref_slice %arg10[%dma_start3A_204, %dma_start3A_205] : memref<3x80xi32, #tpu.memory_space<vmem>> -> memref<1x80xi32, #tpu.memory_space<vmem>>
        %dma_start3A_207 = arith.constant 0 : i32
        %dma_start3A_208 = tpu.memref_slice %arg6[%add3A_193, %dma_start3A_207] : memref<10000x80xi32, #tpu.memory_space<hbm>> -> memref<1x80xi32, #tpu.memory_space<hbm>>
        tpu.enqueue_dma source(%dma_start3A_208 : memref<1x80xi32, #tpu.memory_space<hbm>>) target(%dma_start3A_206 : memref<1x80xi32, #tpu.memory_space<vmem>>) target_semaphore(%arg15 : memref<!tpu.dma_semaphore, #tpu.memory_space<semaphore_mem>>)
        %dma_start3A_209 = arith.constant 20 : i32
        %dma_start3A_210 = arith.constant 0 : i32
        %dma_start3A_211 = tpu.memref_slice %arg12[%dma_start3A_209, %dma_start3A_210] : memref<60x128xf32, #tpu.memory_space<vmem>> -> memref<20x128xf32, #tpu.memory_space<vmem>>
        %dma_start3A_212 = arith.constant 0 : i32
        %dma_start3A_213 = tpu.memref_slice %arg3[%select_n3A, %dma_start3A_212] : memref<400000x128xf32, #tpu.memory_space<hbm>> -> memref<20x128xf32, #tpu.memory_space<hbm>>
        %dma_start3A_214 = arith.constant 20 : i32
        %dma_start3A_215 = arith.constant 0 : i32
        %dma_start3A_216 = tpu.memref_slice %arg12[%dma_start3A_214, %dma_start3A_215] : memref<60x128xf32, #tpu.memory_space<vmem>> -> memref<20x128xf32, #tpu.memory_space<vmem>>
        %dma_start3A_217 = arith.constant 0 : i32
        %dma_start3A_218 = tpu.memref_slice %arg3[%select_n3A, %dma_start3A_217] : memref<400000x128xf32, #tpu.memory_space<hbm>> -> memref<20x128xf32, #tpu.memory_space<hbm>>
        tpu.enqueue_dma source(%dma_start3A_218 : memref<20x128xf32, #tpu.memory_space<hbm>>) target(%dma_start3A_216 : memref<20x128xf32, #tpu.memory_space<vmem>>) target_semaphore(%arg15 : memref<!tpu.dma_semaphore, #tpu.memory_space<semaphore_mem>>)
        %dma_start3A_219 = arith.constant 20 : i32
        %dma_start3A_220 = arith.constant 0 : i32
        %dma_start3A_221 = tpu.memref_slice %arg13[%dma_start3A_219, %dma_start3A_220] : memref<60x128xf32, #tpu.memory_space<vmem>> -> memref<20x128xf32, #tpu.memory_space<vmem>>
        %dma_start3A_222 = arith.constant 0 : i32
        %dma_start3A_223 = tpu.memref_slice %arg4[%select_n3A, %dma_start3A_222] : memref<400000x128xf32, #tpu.memory_space<hbm>> -> memref<20x128xf32, #tpu.memory_space<hbm>>
        %dma_start3A_224 = arith.constant 20 : i32
        %dma_start3A_225 = arith.constant 0 : i32
        %dma_start3A_226 = tpu.memref_slice %arg13[%dma_start3A_224, %dma_start3A_225] : memref<60x128xf32, #tpu.memory_space<vmem>> -> memref<20x128xf32, #tpu.memory_space<vmem>>
        %dma_start3A_227 = arith.constant 0 : i32
        %dma_start3A_228 = tpu.memref_slice %arg4[%select_n3A, %dma_start3A_227] : memref<400000x128xf32, #tpu.memory_space<hbm>> -> memref<20x128xf32, #tpu.memory_space<hbm>>
        tpu.enqueue_dma source(%dma_start3A_228 : memref<20x128xf32, #tpu.memory_space<hbm>>) target(%dma_start3A_226 : memref<20x128xf32, #tpu.memory_space<vmem>>) target_semaphore(%arg15 : memref<!tpu.dma_semaphore, #tpu.memory_space<semaphore_mem>>)
      } else {
      }
      %sub3A_111 = arith.constant 1 : i32
      %sub3A_112 = arith.subi %add3A_97, %sub3A_111 : i32
      %ge3A_113 = arith.constant 0 : i32
      %ge3A_114 = arith.cmpi sge, %sub3A_112, %ge3A_113 : i32
      %lt3A_115 = arith.constant 625 : i32
      %lt3A_116 = arith.cmpi slt, %sub3A_112, %lt3A_115 : i32
      %and3A_117 = arith.andi %ge3A_114, %lt3A_116 : i1
      %convert_element_type3A_118 = arith.extui %and3A_117 : i1 to i32
      %cond3A_119 = arith.constant 0 : i32
      %cond3A_120 = arith.cmpi ne, %convert_element_type3A_118, %cond3A_119 : i32
      scf.if %cond3A_120 {
        %mul3A_169 = arith.constant 80 : i32
        %mul3A_170 = arith.muli %sub3A_112, %mul3A_169 : i32
        %add3A_171 = arith.addi %mul3A_13, %mul3A_170 : i32
        %add3A_172 = arith.addi %mul3A_15, %add3A_171 : i32
        %jit3A = arith.constant 4 : i32
        %div3A = arith.divsi %add3A_172, %jit3A : i32
        %sign3A = arith.constant 0 : i32
        %sign3A_173 = arith.cmpi sgt, %add3A_172, %sign3A : i32
        %sign3A_174 = arith.extui %sign3A_173 : i1 to i32
        %sign3A_175 = arith.constant 0 : i32
        %sign3A_176 = arith.cmpi slt, %add3A_172, %sign3A_175 : i32
        %sign3A_177 = arith.extui %sign3A_176 : i1 to i32
        %sign3A_178 = arith.subi %sign3A_174, %sign3A_177 : i32
        %sign3A_179 = arith.constant 0 : i32
        %sign3A_180 = arith.cmpi sgt, %jit3A, %sign3A_179 : i32
        %sign3A_181 = arith.extui %sign3A_180 : i1 to i32
        %sign3A_182 = arith.constant 0 : i32
        %sign3A_183 = arith.cmpi slt, %jit3A, %sign3A_182 : i32
        %sign3A_184 = arith.extui %sign3A_183 : i1 to i32
        %sign3A_185 = arith.subi %sign3A_181, %sign3A_184 : i32
        %ne3A = arith.cmpi ne, %sign3A_178, %sign3A_185 : i32
        %rem3A = arith.remsi %add3A_172, %jit3A : i32
        %ne3A_186 = arith.constant 0 : i32
        %ne3A_187 = arith.cmpi ne, %rem3A, %ne3A_186 : i32
        %and3A_188 = arith.andi %ne3A, %ne3A_187 : i1
        %sub3A_189 = arith.constant 1 : i32
        %sub3A_190 = arith.subi %div3A, %sub3A_189 : i32
        %select_n3A = arith.select %and3A_188, %sub3A_190, %div3A : i32
        %mul3A_191 = arith.constant 625 : i32
        %mul3A_192 = arith.muli %arg1, %mul3A_191 : i32
        %add3A_193 = arith.addi %mul3A_192, %sub3A_112 : i32
        %dma_wait3A_194 = arith.constant 0 : i32
        %dma_wait3A_195 = tpu.memref_slice %arg9[%dma_wait3A_194] : memref<240xi32, #tpu.memory_space<vmem>> -> memref<80xi32, #tpu.memory_space<vmem>>
        %dma_wait3A_196 = tpu.memref_slice %arg5[%add3A_171] : memref<800000xi32, #tpu.memory_space<hbm>> -> memref<80xi32, #tpu.memory_space<hbm>>
        %dma_wait3A_197 = arith.constant 0 : i32
        %dma_wait3A_198 = tpu.memref_slice %arg9[%dma_wait3A_197] : memref<240xi32, #tpu.memory_space<vmem>> -> memref<80xi32, #tpu.memory_space<vmem>>
        %dma_wait3A_199 = tpu.memref_slice %arg5[%add3A_171] : memref<800000xi32, #tpu.memory_space<hbm>> -> memref<80xi32, #tpu.memory_space<hbm>>
        tpu.wait_dma2 semaphore(%arg14 : memref<!tpu.dma_semaphore, #tpu.memory_space<semaphore_mem>>) src(%dma_wait3A_199 : memref<80xi32, #tpu.memory_space<hbm>>) dst(%dma_wait3A_198 : memref<80xi32, #tpu.memory_space<vmem>>)
        %dma_wait3A_200 = arith.constant 0 : i32
        %dma_wait3A_201 = arith.constant 0 : i32
        %dma_wait3A_202 = tpu.memref_slice %arg10[%dma_wait3A_200, %dma_wait3A_201] : memref<3x80xi32, #tpu.memory_space<vmem>> -> memref<1x80xi32, #tpu.memory_space<vmem>>
        %dma_wait3A_203 = arith.constant 0 : i32
        %dma_wait3A_204 = tpu.memref_slice %arg6[%add3A_193, %dma_wait3A_203] : memref<10000x80xi32, #tpu.memory_space<hbm>> -> memref<1x80xi32, #tpu.memory_space<hbm>>
        %dma_wait3A_205 = arith.constant 0 : i32
        %dma_wait3A_206 = arith.constant 0 : i32
        %dma_wait3A_207 = tpu.memref_slice %arg10[%dma_wait3A_205, %dma_wait3A_206] : memref<3x80xi32, #tpu.memory_space<vmem>> -> memref<1x80xi32, #tpu.memory_space<vmem>>
        %dma_wait3A_208 = arith.constant 0 : i32
        %dma_wait3A_209 = tpu.memref_slice %arg6[%add3A_193, %dma_wait3A_208] : memref<10000x80xi32, #tpu.memory_space<hbm>> -> memref<1x80xi32, #tpu.memory_space<hbm>>
        tpu.wait_dma2 semaphore(%arg14 : memref<!tpu.dma_semaphore, #tpu.memory_space<semaphore_mem>>) src(%dma_wait3A_209 : memref<1x80xi32, #tpu.memory_space<hbm>>) dst(%dma_wait3A_207 : memref<1x80xi32, #tpu.memory_space<vmem>>)
        %dma_wait3A_210 = arith.constant 0 : i32
        %dma_wait3A_211 = arith.constant 0 : i32
        %dma_wait3A_212 = tpu.memref_slice %arg12[%dma_wait3A_210, %dma_wait3A_211] : memref<60x128xf32, #tpu.memory_space<vmem>> -> memref<20x128xf32, #tpu.memory_space<vmem>>
        %dma_wait3A_213 = arith.constant 0 : i32
        %dma_wait3A_214 = tpu.memref_slice %arg3[%select_n3A, %dma_wait3A_213] : memref<400000x128xf32, #tpu.memory_space<hbm>> -> memref<20x128xf32, #tpu.memory_space<hbm>>
        %dma_wait3A_215 = arith.constant 0 : i32
        %dma_wait3A_216 = arith.constant 0 : i32
        %dma_wait3A_217 = tpu.memref_slice %arg12[%dma_wait3A_215, %dma_wait3A_216] : memref<60x128xf32, #tpu.memory_space<vmem>> -> memref<20x128xf32, #tpu.memory_space<vmem>>
        %dma_wait3A_218 = arith.constant 0 : i32
        %dma_wait3A_219 = tpu.memref_slice %arg3[%select_n3A, %dma_wait3A_218] : memref<400000x128xf32, #tpu.memory_space<hbm>> -> memref<20x128xf32, #tpu.memory_space<hbm>>
        tpu.wait_dma2 semaphore(%arg14 : memref<!tpu.dma_semaphore, #tpu.memory_space<semaphore_mem>>) src(%dma_wait3A_219 : memref<20x128xf32, #tpu.memory_space<hbm>>) dst(%dma_wait3A_217 : memref<20x128xf32, #tpu.memory_space<vmem>>)
        %dma_wait3A_220 = arith.constant 0 : i32
        %dma_wait3A_221 = arith.constant 0 : i32
        %dma_wait3A_222 = tpu.memref_slice %arg13[%dma_wait3A_220, %dma_wait3A_221] : memref<60x128xf32, #tpu.memory_space<vmem>> -> memref<20x128xf32, #tpu.memory_space<vmem>>
        %dma_wait3A_223 = arith.constant 0 : i32
        %dma_wait3A_224 = tpu.memref_slice %arg4[%select_n3A, %dma_wait3A_223] : memref<400000x128xf32, #tpu.memory_space<hbm>> -> memref<20x128xf32, #tpu.memory_space<hbm>>
        %dma_wait3A_225 = arith.constant 0 : i32
        %dma_wait3A_226 = arith.constant 0 : i32
        %dma_wait3A_227 = tpu.memref_slice %arg13[%dma_wait3A_225, %dma_wait3A_226] : memref<60x128xf32, #tpu.memory_space<vmem>> -> memref<20x128xf32, #tpu.memory_space<vmem>>
        %dma_wait3A_228 = arith.constant 0 : i32
        %dma_wait3A_229 = tpu.memref_slice %arg4[%select_n3A, %dma_wait3A_228] : memref<400000x128xf32, #tpu.memory_space<hbm>> -> memref<20x128xf32, #tpu.memory_space<hbm>>
        tpu.wait_dma2 semaphore(%arg14 : memref<!tpu.dma_semaphore, #tpu.memory_space<semaphore_mem>>) src(%dma_wait3A_229 : memref<20x128xf32, #tpu.memory_space<hbm>>) dst(%dma_wait3A_227 : memref<20x128xf32, #tpu.memory_space<vmem>>)
        %get3A = arith.constant 0 : index
        %get3A_230 = tpu.vector_load %arg9[%get3A] {strides = array<i32>} : memref<240xi32, #tpu.memory_space<vmem>>, vector<16xi32>,
        %get3A_231 = vector.shape_cast %get3A_230 : vector<16xi32> to vector<16xi32>
        %add3A_232 = vector.broadcast %mul3A_17 : i32 to vector<16xi32>
        %add3A_233 = arith.addi %get3A_231, %add3A_232 : vector<16xi32>
        %swap3A = arith.constant 0 : index
        %swap3A_234 = tpu.vector_load %arg9[%swap3A] {strides = array<i32>} : memref<240xi32, #tpu.memory_space<vmem>>, vector<16xi32>,
        %swap3A_235 = vector.shape_cast %swap3A_234 : vector<16xi32> to vector<16xi32>
        %swap3A_236 = vector.shape_cast %add3A_233 : vector<16xi32> to vector<16xi32>
        tpu.vector_store %arg9[%swap3A], %swap3A_236 {strides = array<i32>} : memref<240xi32, #tpu.memory_space<vmem>>, vector<16xi32>,
        %get3A_237 = arith.constant 16 : index
        %get3A_238 = tpu.vector_load %arg9[%get3A_237] {strides = array<i32>} : memref<240xi32, #tpu.memory_space<vmem>>, vector<16xi32>,
        %get3A_239 = vector.shape_cast %get3A_238 : vector<16xi32> to vector<16xi32>
        %add3A_240 = vector.broadcast %mul3A_17 : i32 to vector<16xi32>
        %add3A_241 = arith.addi %get3A_239, %add3A_240 : vector<16xi32>
        %swap3A_242 = arith.constant 16 : index
        %swap3A_243 = tpu.vector_load %arg9[%swap3A_242] {strides = array<i32>} : memref<240xi32, #tpu.memory_space<vmem>>, vector<16xi32>,
        %swap3A_244 = vector.shape_cast %swap3A_243 : vector<16xi32> to vector<16xi32>
        %swap3A_245 = vector.shape_cast %add3A_241 : vector<16xi32> to vector<16xi32>
        tpu.vector_store %arg9[%swap3A_242], %swap3A_245 {strides = array<i32>} : memref<240xi32, #tpu.memory_space<vmem>>, vector<16xi32>,
        %get3A_246 = arith.constant 32 : index
        %get3A_247 = tpu.vector_load %arg9[%get3A_246] {strides = array<i32>} : memref<240xi32, #tpu.memory_space<vmem>>, vector<16xi32>,
        %get3A_248 = vector.shape_cast %get3A_247 : vector<16xi32> to vector<16xi32>
        %add3A_249 = vector.broadcast %mul3A_17 : i32 to vector<16xi32>
        %add3A_250 = arith.addi %get3A_248, %add3A_249 : vector<16xi32>
        %swap3A_251 = arith.constant 32 : index
        %swap3A_252 = tpu.vector_load %arg9[%swap3A_251] {strides = array<i32>} : memref<240xi32, #tpu.memory_space<vmem>>, vector<16xi32>,
        %swap3A_253 = vector.shape_cast %swap3A_252 : vector<16xi32> to vector<16xi32>
        %swap3A_254 = vector.shape_cast %add3A_250 : vector<16xi32> to vector<16xi32>
        tpu.vector_store %arg9[%swap3A_251], %swap3A_254 {strides = array<i32>} : memref<240xi32, #tpu.memory_space<vmem>>, vector<16xi32>,
        %get3A_255 = arith.constant 48 : index
        %get3A_256 = tpu.vector_load %arg9[%get3A_255] {strides = array<i32>} : memref<240xi32, #tpu.memory_space<vmem>>, vector<16xi32>,
        %get3A_257 = vector.shape_cast %get3A_256 : vector<16xi32> to vector<16xi32>
        %add3A_258 = vector.broadcast %mul3A_17 : i32 to vector<16xi32>
        %add3A_259 = arith.addi %get3A_257, %add3A_258 : vector<16xi32>
        %swap3A_260 = arith.constant 48 : index
        %swap3A_261 = tpu.vector_load %arg9[%swap3A_260] {strides = array<i32>} : memref<240xi32, #tpu.memory_space<vmem>>, vector<16xi32>,
        %swap3A_262 = vector.shape_cast %swap3A_261 : vector<16xi32> to vector<16xi32>
        %swap3A_263 = vector.shape_cast %add3A_259 : vector<16xi32> to vector<16xi32>
        tpu.vector_store %arg9[%swap3A_260], %swap3A_263 {strides = array<i32>} : memref<240xi32, #tpu.memory_space<vmem>>, vector<16xi32>,
        %get3A_264 = arith.constant 64 : index
        %get3A_265 = tpu.vector_load %arg9[%get3A_264] {strides = array<i32>} : memref<240xi32, #tpu.memory_space<vmem>>, vector<16xi32>,
        %get3A_266 = vector.shape_cast %get3A_265 : vector<16xi32> to vector<16xi32>
        %add3A_267 = vector.broadcast %mul3A_17 : i32 to vector<16xi32>
        %add3A_268 = arith.addi %get3A_266, %add3A_267 : vector<16xi32>
        %swap3A_269 = arith.constant 64 : index
        %swap3A_270 = tpu.vector_load %arg9[%swap3A_269] {strides = array<i32>} : memref<240xi32, #tpu.memory_space<vmem>>, vector<16xi32>,
        %swap3A_271 = vector.shape_cast %swap3A_270 : vector<16xi32> to vector<16xi32>
        %swap3A_272 = vector.shape_cast %add3A_268 : vector<16xi32> to vector<16xi32>
        tpu.vector_store %arg9[%swap3A_269], %swap3A_272 {strides = array<i32>} : memref<240xi32, #tpu.memory_space<vmem>>, vector<16xi32>,
        %dma_start3A = arith.constant 0 : i32
        %dma_start3A_273 = arith.constant 0 : i32
        %dma_start3A_274 = tpu.memref_slice %arg11[%dma_start3A, %dma_start3A_273] : memref<240x32xf32, #tpu.memory_space<vmem>> -> memref<80x32xf32, #tpu.memory_space<vmem>>
        %dma_start3A_275 = arith.constant 0 : i32
        %dma_start3A_276 = tpu.memref_slice %arg9[%dma_start3A_275] : memref<240xi32, #tpu.memory_space<vmem>> -> memref<80xi32, #tpu.memory_space<vmem>>
        %dma_start3A_277 = arith.constant 0 : i32
        %dma_start3A_278 = arith.constant 0 : i32
        %dma_start3A_279 = tpu.memref_slice %arg2[%dma_start3A_277, %dma_start3A_278] : memref<100000x32xf32, #tpu.memory_space<hbm>> -> memref<100000x32xf32, #tpu.memory_space<hbm>>
        tpu.enqueue_indirect_dma source(%dma_start3A_279 : memref<100000x32xf32, #tpu.memory_space<hbm>>) target(%dma_start3A_274 : memref<80x32xf32, #tpu.memory_space<vmem>>) offsets(%dma_start3A_276 : memref<80xi32, #tpu.memory_space<vmem>>) semaphore(%arg17 : memref<!tpu.dma_semaphore, #tpu.memory_space<semaphore_mem>>)
      } else {
      }
      %sub3A_121 = arith.constant 2 : i32
      %sub3A_122 = arith.subi %add3A_97, %sub3A_121 : i32
      %ge3A_123 = arith.constant 0 : i32
      %ge3A_124 = arith.cmpi sge, %sub3A_122, %ge3A_123 : i32
      %lt3A_125 = arith.constant 625 : i32
      %lt3A_126 = arith.cmpi slt, %sub3A_122, %lt3A_125 : i32
      %and3A_127 = arith.andi %ge3A_124, %lt3A_126 : i1
      %convert_element_type3A_128 = arith.extui %and3A_127 : i1 to i32
      %cond3A_129 = arith.constant 0 : i32
      %cond3A_130 = arith.cmpi ne, %convert_element_type3A_128, %cond3A_129 : i32
      scf.if %cond3A_130 {
        %dma_wait3A_169 = arith.constant 160 : i32
        %dma_wait3A_170 = arith.constant 0 : i32
        %dma_wait3A_171 = tpu.memref_slice %arg11[%dma_wait3A_169, %dma_wait3A_170] : memref<240x32xf32, #tpu.memory_space<vmem>> -> memref<80x32xf32, #tpu.memory_space<vmem>>
        %dma_wait3A_172 = arith.constant 160 : i32
        %dma_wait3A_173 = tpu.memref_slice %arg9[%dma_wait3A_172] : memref<240xi32, #tpu.memory_space<vmem>> -> memref<80xi32, #tpu.memory_space<vmem>>
        %dma_wait3A_174 = arith.constant 0 : i32
        %dma_wait3A_175 = arith.constant 0 : i32
        %dma_wait3A_176 = tpu.memref_slice %arg2[%dma_wait3A_174, %dma_wait3A_175] : memref<100000x32xf32, #tpu.memory_space<hbm>> -> memref<100000x32xf32, #tpu.memory_space<hbm>>
        tpu.wait_indirect_dma semaphore(%arg19 : memref<!tpu.dma_semaphore, #tpu.memory_space<semaphore_mem>>) src(%dma_wait3A_176 : memref<100000x32xf32, #tpu.memory_space<hbm>>) dst(%dma_wait3A_171 : memref<80x32xf32, #tpu.memory_space<vmem>>)
        %scan3A_177 = arith.constant 0 : i32
        %scan3A_178 = arith.constant 0 : i32
        %scan3A_179 = arith.constant 20 : i32
        %scan3A_180 = arith.addi %scan3A_178, %scan3A_179 : i32
        %scan3A_181 = arith.constant 1 : i32
        %scan3A_182 = scf.for %scan3A_193 = %scan3A_178 to %scan3A_180 step %scan3A_181 iter_args(%scan3A_194 = %scan3A_177) -> (i32)  : i32 {
          %add3A_195 = arith.constant 40 : i32
          %add3A_196 = arith.addi %add3A_195, %scan3A_193 : i32
          %mul3A_197 = arith.constant 4 : i32
          %mul3A_198 = arith.muli %scan3A_193, %mul3A_197 : i32
          %add3A_199 = arith.constant 160 : i32
          %add3A_200 = arith.addi %add3A_199, %mul3A_198 : i32
          %add3A_201 = arith.constant 0 : i32
          %add3A_202 = arith.addi %add3A_200, %add3A_201 : i32
          %get3A = arith.index_cast %add3A_202 : i32 to index
          %get3A_203 = arith.constant 0 : index
          %get3A_204 = tpu.vector_load %arg11[%get3A, %get3A_203] {strides = array<i32>} : memref<240x32xf32, #tpu.memory_space<vmem>>, vector<1x16xf32>,
          %get3A_205 = vector.shape_cast %get3A_204 : vector<1x16xf32> to vector<16xf32>
          %get3A_206 = arith.index_cast %add3A_196 : i32 to index
          %get3A_207 = arith.constant 0 : index
          %get3A_208 = tpu.vector_load %arg12[%get3A_206, %get3A_207] {strides = array<i32>} : memref<60x128xf32, #tpu.memory_space<vmem>>, vector<1x16xf32>,
          %get3A_209 = vector.shape_cast %get3A_208 : vector<1x16xf32> to vector<16xf32>
          %mul3A_210 = arith.mulf %get3A_205, %get3A_209 : vector<16xf32>
          %get3A_211 = arith.index_cast %add3A_196 : i32 to index
          %get3A_212 = arith.constant 0 : index
          %get3A_213 = tpu.vector_load %arg13[%get3A_211, %get3A_212] {strides = array<i32>} : memref<60x128xf32, #tpu.memory_space<vmem>>, vector<1x16xf32>,
          %get3A_214 = vector.shape_cast %get3A_213 : vector<1x16xf32> to vector<16xf32>
          %add3A_215 = arith.addf %mul3A_210, %get3A_214 : vector<16xf32>
          %swap3A = arith.index_cast %add3A_202 : i32 to index
          %swap3A_216 = arith.constant 0 : index
          %swap3A_217 = tpu.vector_load %arg11[%swap3A, %swap3A_216] {strides = array<i32>} : memref<240x32xf32, #tpu.memory_space<vmem>>, vector<1x16xf32>,
          %swap3A_218 = vector.shape_cast %swap3A_217 : vector<1x16xf32> to vector<16xf32>
          %swap3A_219 = vector.shape_cast %add3A_215 : vector<16xf32> to vector<1x16xf32>
          tpu.vector_store %arg11[%swap3A, %swap3A_216], %swap3A_219 {strides = array<i32>} : memref<240x32xf32, #tpu.memory_space<vmem>>, vector<1x16xf32>,
          %mul3A_220 = arith.constant 4 : i32
          %mul3A_221 = arith.muli %scan3A_193, %mul3A_220 : i32
          %add3A_222 = arith.constant 160 : i32
          %add3A_223 = arith.addi %add3A_222, %mul3A_221 : i32
          %add3A_224 = arith.constant 0 : i32
          %add3A_225 = arith.addi %add3A_223, %add3A_224 : i32
          %get3A_226 = arith.index_cast %add3A_225 : i32 to index
          %get3A_227 = arith.constant 16 : index
          %get3A_228 = tpu.vector_load %arg11[%get3A_226, %get3A_227] {strides = array<i32>} : memref<240x32xf32, #tpu.memory_space<vmem>>, vector<1x16xf32>,
          %get3A_229 = vector.shape_cast %get3A_228 : vector<1x16xf32> to vector<16xf32>
          %get3A_230 = arith.index_cast %add3A_196 : i32 to index
          %get3A_231 = arith.constant 16 : index
          %get3A_232 = tpu.vector_load %arg12[%get3A_230, %get3A_231] {strides = array<i32>} : memref<60x128xf32, #tpu.memory_space<vmem>>, vector<1x16xf32>,
          %get3A_233 = vector.shape_cast %get3A_232 : vector<1x16xf32> to vector<16xf32>
          %mul3A_234 = arith.mulf %get3A_229, %get3A_233 : vector<16xf32>
          %get3A_235 = arith.index_cast %add3A_196 : i32 to index
          %get3A_236 = arith.constant 16 : index
          %get3A_237 = tpu.vector_load %arg13[%get3A_235, %get3A_236] {strides = array<i32>} : memref<60x128xf32, #tpu.memory_space<vmem>>, vector<1x16xf32>,
          %get3A_238 = vector.shape_cast %get3A_237 : vector<1x16xf32> to vector<16xf32>
          %add3A_239 = arith.addf %mul3A_234, %get3A_238 : vector<16xf32>
          %swap3A_240 = arith.index_cast %add3A_225 : i32 to index
          %swap3A_241 = arith.constant 16 : index
          %swap3A_242 = tpu.vector_load %arg11[%swap3A_240, %swap3A_241] {strides = array<i32>} : memref<240x32xf32, #tpu.memory_space<vmem>>, vector<1x16xf32>,
          %swap3A_243 = vector.shape_cast %swap3A_242 : vector<1x16xf32> to vector<16xf32>
          %swap3A_244 = vector.shape_cast %add3A_239 : vector<16xf32> to vector<1x16xf32>
          tpu.vector_store %arg11[%swap3A_240, %swap3A_241], %swap3A_244 {strides = array<i32>} : memref<240x32xf32, #tpu.memory_space<vmem>>, vector<1x16xf32>,
          %mul3A_245 = arith.constant 4 : i32
          %mul3A_246 = arith.muli %scan3A_193, %mul3A_245 : i32
          %add3A_247 = arith.constant 160 : i32
          %add3A_248 = arith.addi %add3A_247, %mul3A_246 : i32
          %add3A_249 = arith.constant 1 : i32
          %add3A_250 = arith.addi %add3A_248, %add3A_249 : i32
          %get3A_251 = arith.index_cast %add3A_250 : i32 to index
          %get3A_252 = arith.constant 0 : index
          %get3A_253 = tpu.vector_load %arg11[%get3A_251, %get3A_252] {strides = array<i32>} : memref<240x32xf32, #tpu.memory_space<vmem>>, vector<1x16xf32>,
          %get3A_254 = vector.shape_cast %get3A_253 : vector<1x16xf32> to vector<16xf32>
          %get3A_255 = arith.index_cast %add3A_196 : i32 to index
          %get3A_256 = arith.constant 32 : index
          %get3A_257 = tpu.vector_load %arg12[%get3A_255, %get3A_256] {strides = array<i32>} : memref<60x128xf32, #tpu.memory_space<vmem>>, vector<1x16xf32>,
          %get3A_258 = vector.shape_cast %get3A_257 : vector<1x16xf32> to vector<16xf32>
          %mul3A_259 = arith.mulf %get3A_254, %get3A_258 : vector<16xf32>
          %get3A_260 = arith.index_cast %add3A_196 : i32 to index
          %get3A_261 = arith.constant 32 : index
          %get3A_262 = tpu.vector_load %arg13[%get3A_260, %get3A_261] {strides = array<i32>} : memref<60x128xf32, #tpu.memory_space<vmem>>, vector<1x16xf32>,
          %get3A_263 = vector.shape_cast %get3A_262 : vector<1x16xf32> to vector<16xf32>
          %add3A_264 = arith.addf %mul3A_259, %get3A_263 : vector<16xf32>
          %swap3A_265 = arith.index_cast %add3A_250 : i32 to index
          %swap3A_266 = arith.constant 0 : index
          %swap3A_267 = tpu.vector_load %arg11[%swap3A_265, %swap3A_266] {strides = array<i32>} : memref<240x32xf32, #tpu.memory_space<vmem>>, vector<1x16xf32>,
          %swap3A_268 = vector.shape_cast %swap3A_267 : vector<1x16xf32> to vector<16xf32>
          %swap3A_269 = vector.shape_cast %add3A_264 : vector<16xf32> to vector<1x16xf32>
          tpu.vector_store %arg11[%swap3A_265, %swap3A_266], %swap3A_269 {strides = array<i32>} : memref<240x32xf32, #tpu.memory_space<vmem>>, vector<1x16xf32>,
          %mul3A_270 = arith.constant 4 : i32
          %mul3A_271 = arith.muli %scan3A_193, %mul3A_270 : i32
          %add3A_272 = arith.constant 160 : i32
          %add3A_273 = arith.addi %add3A_272, %mul3A_271 : i32
          %add3A_274 = arith.constant 1 : i32
          %add3A_275 = arith.addi %add3A_273, %add3A_274 : i32
          %get3A_276 = arith.index_cast %add3A_275 : i32 to index
          %get3A_277 = arith.constant 16 : index
          %get3A_278 = tpu.vector_load %arg11[%get3A_276, %get3A_277] {strides = array<i32>} : memref<240x32xf32, #tpu.memory_space<vmem>>, vector<1x16xf32>,
          %get3A_279 = vector.shape_cast %get3A_278 : vector<1x16xf32> to vector<16xf32>
          %get3A_280 = arith.index_cast %add3A_196 : i32 to index
          %get3A_281 = arith.constant 48 : index
          %get3A_282 = tpu.vector_load %arg12[%get3A_280, %get3A_281] {strides = array<i32>} : memref<60x128xf32, #tpu.memory_space<vmem>>, vector<1x16xf32>,
          %get3A_283 = vector.shape_cast %get3A_282 : vector<1x16xf32> to vector<16xf32>
          %mul3A_284 = arith.mulf %get3A_279, %get3A_283 : vector<16xf32>
          %get3A_285 = arith.index_cast %add3A_196 : i32 to index
          %get3A_286 = arith.constant 48 : index
          %get3A_287 = tpu.vector_load %arg13[%get3A_285, %get3A_286] {strides = array<i32>} : memref<60x128xf32, #tpu.memory_space<vmem>>, vector<1x16xf32>,
          %get3A_288 = vector.shape_cast %get3A_287 : vector<1x16xf32> to vector<16xf32>
          %add3A_289 = arith.addf %mul3A_284, %get3A_288 : vector<16xf32>
          %swap3A_290 = arith.index_cast %add3A_275 : i32 to index
          %swap3A_291 = arith.constant 16 : index
          %swap3A_292 = tpu.vector_load %arg11[%swap3A_290, %swap3A_291] {strides = array<i32>} : memref<240x32xf32, #tpu.memory_space<vmem>>, vector<1x16xf32>,
          %swap3A_293 = vector.shape_cast %swap3A_292 : vector<1x16xf32> to vector<16xf32>
          %swap3A_294 = vector.shape_cast %add3A_289 : vector<16xf32> to vector<1x16xf32>
          tpu.vector_store %arg11[%swap3A_290, %swap3A_291], %swap3A_294 {strides = array<i32>} : memref<240x32xf32, #tpu.memory_space<vmem>>, vector<1x16xf32>,
          %mul3A_295 = arith.constant 4 : i32
          %mul3A_296 = arith.muli %scan3A_193, %mul3A_295 : i32
          %add3A_297 = arith.constant 160 : i32
          %add3A_298 = arith.addi %add3A_297, %mul3A_296 : i32
          %add3A_299 = arith.constant 2 : i32
          %add3A_300 = arith.addi %add3A_298, %add3A_299 : i32
          %get3A_301 = arith.index_cast %add3A_300 : i32 to index
          %get3A_302 = arith.constant 0 : index
          %get3A_303 = tpu.vector_load %arg11[%get3A_301, %get3A_302] {strides = array<i32>} : memref<240x32xf32, #tpu.memory_space<vmem>>, vector<1x16xf32>,
          %get3A_304 = vector.shape_cast %get3A_303 : vector<1x16xf32> to vector<16xf32>
          %get3A_305 = arith.index_cast %add3A_196 : i32 to index
          %get3A_306 = arith.constant 64 : index
          %get3A_307 = tpu.vector_load %arg12[%get3A_305, %get3A_306] {strides = array<i32>} : memref<60x128xf32, #tpu.memory_space<vmem>>, vector<1x16xf32>,
          %get3A_308 = vector.shape_cast %get3A_307 : vector<1x16xf32> to vector<16xf32>
          %mul3A_309 = arith.mulf %get3A_304, %get3A_308 : vector<16xf32>
          %get3A_310 = arith.index_cast %add3A_196 : i32 to index
          %get3A_311 = arith.constant 64 : index
          %get3A_312 = tpu.vector_load %arg13[%get3A_310, %get3A_311] {strides = array<i32>} : memref<60x128xf32, #tpu.memory_space<vmem>>, vector<1x16xf32>,
          %get3A_313 = vector.shape_cast %get3A_312 : vector<1x16xf32> to vector<16xf32>
          %add3A_314 = arith.addf %mul3A_309, %get3A_313 : vector<16xf32>
          %swap3A_315 = arith.index_cast %add3A_300 : i32 to index
          %swap3A_316 = arith.constant 0 : index
          %swap3A_317 = tpu.vector_load %arg11[%swap3A_315, %swap3A_316] {strides = array<i32>} : memref<240x32xf32, #tpu.memory_space<vmem>>, vector<1x16xf32>,
          %swap3A_318 = vector.shape_cast %swap3A_317 : vector<1x16xf32> to vector<16xf32>
          %swap3A_319 = vector.shape_cast %add3A_314 : vector<16xf32> to vector<1x16xf32>
          tpu.vector_store %arg11[%swap3A_315, %swap3A_316], %swap3A_319 {strides = array<i32>} : memref<240x32xf32, #tpu.memory_space<vmem>>, vector<1x16xf32>,
          %mul3A_320 = arith.constant 4 : i32
          %mul3A_321 = arith.muli %scan3A_193, %mul3A_320 : i32
          %add3A_322 = arith.constant 160 : i32
          %add3A_323 = arith.addi %add3A_322, %mul3A_321 : i32
          %add3A_324 = arith.constant 2 : i32
          %add3A_325 = arith.addi %add3A_323, %add3A_324 : i32
          %get3A_326 = arith.index_cast %add3A_325 : i32 to index
          %get3A_327 = arith.constant 16 : index
          %get3A_328 = tpu.vector_load %arg11[%get3A_326, %get3A_327] {strides = array<i32>} : memref<240x32xf32, #tpu.memory_space<vmem>>, vector<1x16xf32>,
          %get3A_329 = vector.shape_cast %get3A_328 : vector<1x16xf32> to vector<16xf32>
          %get3A_330 = arith.index_cast %add3A_196 : i32 to index
          %get3A_331 = arith.constant 80 : index
          %get3A_332 = tpu.vector_load %arg12[%get3A_330, %get3A_331] {strides = array<i32>} : memref<60x128xf32, #tpu.memory_space<vmem>>, vector<1x16xf32>,
          %get3A_333 = vector.shape_cast %get3A_332 : vector<1x16xf32> to vector<16xf32>
          %mul3A_334 = arith.mulf %get3A_329, %get3A_333 : vector<16xf32>
          %get3A_335 = arith.index_cast %add3A_196 : i32 to index
          %get3A_336 = arith.constant 80 : index
          %get3A_337 = tpu.vector_load %arg13[%get3A_335, %get3A_336] {strides = array<i32>} : memref<60x128xf32, #tpu.memory_space<vmem>>, vector<1x16xf32>,
          %get3A_338 = vector.shape_cast %get3A_337 : vector<1x16xf32> to vector<16xf32>
          %add3A_339 = arith.addf %mul3A_334, %get3A_338 : vector<16xf32>
          %swap3A_340 = arith.index_cast %add3A_325 : i32 to index
          %swap3A_341 = arith.constant 16 : index
          %swap3A_342 = tpu.vector_load %arg11[%swap3A_340, %swap3A_341] {strides = array<i32>} : memref<240x32xf32, #tpu.memory_space<vmem>>, vector<1x16xf32>,
          %swap3A_343 = vector.shape_cast %swap3A_342 : vector<1x16xf32> to vector<16xf32>
          %swap3A_344 = vector.shape_cast %add3A_339 : vector<16xf32> to vector<1x16xf32>
          tpu.vector_store %arg11[%swap3A_340, %swap3A_341], %swap3A_344 {strides = array<i32>} : memref<240x32xf32, #tpu.memory_space<vmem>>, vector<1x16xf32>,
          %mul3A_345 = arith.constant 4 : i32
          %mul3A_346 = arith.muli %scan3A_193, %mul3A_345 : i32
          %add3A_347 = arith.constant 160 : i32
          %add3A_348 = arith.addi %add3A_347, %mul3A_346 : i32
          %add3A_349 = arith.constant 3 : i32
          %add3A_350 = arith.addi %add3A_348, %add3A_349 : i32
          %get3A_351 = arith.index_cast %add3A_350 : i32 to index
          %get3A_352 = arith.constant 0 : index
          %get3A_353 = tpu.vector_load %arg11[%get3A_351, %get3A_352] {strides = array<i32>} : memref<240x32xf32, #tpu.memory_space<vmem>>, vector<1x16xf32>,
          %get3A_354 = vector.shape_cast %get3A_353 : vector<1x16xf32> to vector<16xf32>
          %get3A_355 = arith.index_cast %add3A_196 : i32 to index
          %get3A_356 = arith.constant 96 : index
          %get3A_357 = tpu.vector_load %arg12[%get3A_355, %get3A_356] {strides = array<i32>} : memref<60x128xf32, #tpu.memory_space<vmem>>, vector<1x16xf32>,
          %get3A_358 = vector.shape_cast %get3A_357 : vector<1x16xf32> to vector<16xf32>
          %mul3A_359 = arith.mulf %get3A_354, %get3A_358 : vector<16xf32>
          %get3A_360 = arith.index_cast %add3A_196 : i32 to index
          %get3A_361 = arith.constant 96 : index
          %get3A_362 = tpu.vector_load %arg13[%get3A_360, %get3A_361] {strides = array<i32>} : memref<60x128xf32, #tpu.memory_space<vmem>>, vector<1x16xf32>,
          %get3A_363 = vector.shape_cast %get3A_362 : vector<1x16xf32> to vector<16xf32>
          %add3A_364 = arith.addf %mul3A_359, %get3A_363 : vector<16xf32>
          %swap3A_365 = arith.index_cast %add3A_350 : i32 to index
          %swap3A_366 = arith.constant 0 : index
          %swap3A_367 = tpu.vector_load %arg11[%swap3A_365, %swap3A_366] {strides = array<i32>} : memref<240x32xf32, #tpu.memory_space<vmem>>, vector<1x16xf32>,
          %swap3A_368 = vector.shape_cast %swap3A_367 : vector<1x16xf32> to vector<16xf32>
          %swap3A_369 = vector.shape_cast %add3A_364 : vector<16xf32> to vector<1x16xf32>
          tpu.vector_store %arg11[%swap3A_365, %swap3A_366], %swap3A_369 {strides = array<i32>} : memref<240x32xf32, #tpu.memory_space<vmem>>, vector<1x16xf32>,
          %mul3A_370 = arith.constant 4 : i32
          %mul3A_371 = arith.muli %scan3A_193, %mul3A_370 : i32
          %add3A_372 = arith.constant 160 : i32
          %add3A_373 = arith.addi %add3A_372, %mul3A_371 : i32
          %add3A_374 = arith.constant 3 : i32
          %add3A_375 = arith.addi %add3A_373, %add3A_374 : i32
          %get3A_376 = arith.index_cast %add3A_375 : i32 to index
          %get3A_377 = arith.constant 16 : index
          %get3A_378 = tpu.vector_load %arg11[%get3A_376, %get3A_377] {strides = array<i32>} : memref<240x32xf32, #tpu.memory_space<vmem>>, vector<1x16xf32>,
          %get3A_379 = vector.shape_cast %get3A_378 : vector<1x16xf32> to vector<16xf32>
          %get3A_380 = arith.index_cast %add3A_196 : i32 to index
          %get3A_381 = arith.constant 112 : index
          %get3A_382 = tpu.vector_load %arg12[%get3A_380, %get3A_381] {strides = array<i32>} : memref<60x128xf32, #tpu.memory_space<vmem>>, vector<1x16xf32>,
          %get3A_383 = vector.shape_cast %get3A_382 : vector<1x16xf32> to vector<16xf32>
          %mul3A_384 = arith.mulf %get3A_379, %get3A_383 : vector<16xf32>
          %get3A_385 = arith.index_cast %add3A_196 : i32 to index
          %get3A_386 = arith.constant 112 : index
          %get3A_387 = tpu.vector_load %arg13[%get3A_385, %get3A_386] {strides = array<i32>} : memref<60x128xf32, #tpu.memory_space<vmem>>, vector<1x16xf32>,
          %get3A_388 = vector.shape_cast %get3A_387 : vector<1x16xf32> to vector<16xf32>
          %add3A_389 = arith.addf %mul3A_384, %get3A_388 : vector<16xf32>
          %swap3A_390 = arith.index_cast %add3A_375 : i32 to index
          %swap3A_391 = arith.constant 16 : index
          %swap3A_392 = tpu.vector_load %arg11[%swap3A_390, %swap3A_391] {strides = array<i32>} : memref<240x32xf32, #tpu.memory_space<vmem>>, vector<1x16xf32>,
          %swap3A_393 = vector.shape_cast %swap3A_392 : vector<1x16xf32> to vector<16xf32>
          %swap3A_394 = vector.shape_cast %add3A_389 : vector<16xf32> to vector<1x16xf32>
          tpu.vector_store %arg11[%swap3A_390, %swap3A_391], %swap3A_394 {strides = array<i32>} : memref<240x32xf32, #tpu.memory_space<vmem>>, vector<1x16xf32>,
          %scan3A_395 = arith.constant 0 : i32
          scf.yield %scan3A_395 : i32
        }
        %scan3A_183 = arith.constant 20 : i32
        %dma_start3A = arith.constant 2 : i32
        %dma_start3A_184 = arith.constant 160 : i32
        %dma_start3A_185 = arith.constant 0 : i32
        %dma_start3A_186 = tpu.memref_slice %arg11[%dma_start3A_184, %dma_start3A_185] : memref<240x32xf32, #tpu.memory_space<vmem>> -> memref<80x32xf32, #tpu.memory_space<vmem>>
        %dma_start3A_187 = arith.constant 0 : i32
        %dma_start3A_188 = tpu.memref_slice %arg10[%dma_start3A, %dma_start3A_187] : memref<3x80xi32, #tpu.memory_space<vmem>> -> memref<1x80xi32, #tpu.memory_space<vmem>>
        %dma_start3A_189 = tpu.memref_squeeze %dma_start3A_188 : memref<1x80xi32, #tpu.memory_space<vmem>> -> memref<80xi32, #tpu.memory_space<vmem>>
        %dma_start3A_190 = arith.constant 0 : i32
        %dma_start3A_191 = arith.constant 0 : i32
        %dma_start3A_192 = tpu.memref_slice %arg8[%dma_start3A_190, %dma_start3A_191] : memref<50176x32xf32, #tpu.memory_space<vmem_shared>> -> memref<50176x32xf32, #tpu.memory_space<vmem_shared>>
        tpu.enqueue_indirect_dma source(%dma_start3A_186 : memref<80x32xf32, #tpu.memory_space<vmem>>) target(%dma_start3A_192 : memref<50176x32xf32, #tpu.memory_space<vmem_shared>>) offsets(%dma_start3A_189 : memref<80xi32, #tpu.memory_space<vmem>>) semaphore(%arg22 : memref<!tpu.dma_semaphore, #tpu.memory_space<semaphore_mem>>) {add = true}
      } else {
      }
      %mul3A_131 = arith.constant 3 : i32
      %mul3A_132 = arith.muli %scan3A_62, %mul3A_131 : i32
      %add3A_133 = arith.constant 2 : i32
      %add3A_134 = arith.addi %mul3A_132, %add3A_133 : i32
      %ge3A_135 = arith.constant 3 : i32
      %ge3A_136 = arith.cmpi sge, %add3A_134, %ge3A_135 : i32
      %lt3A_137 = arith.constant 625 : i32
      %lt3A_138 = arith.cmpi slt, %add3A_134, %lt3A_137 : i32
      %and3A_139 = arith.andi %ge3A_136, %lt3A_138 : i1
      %convert_element_type3A_140 = arith.extui %and3A_139 : i1 to i32
      %cond3A_141 = arith.constant 0 : i32
      %cond3A_142 = arith.cmpi ne, %convert_element_type3A_140, %cond3A_141 : i32
      scf.if %cond3A_142 {
        %dma_wait3A_169 = arith.constant 2 : i32
        %dma_wait3A_170 = arith.constant 160 : i32
        %dma_wait3A_171 = arith.constant 0 : i32
        %dma_wait3A_172 = tpu.memref_slice %arg11[%dma_wait3A_170, %dma_wait3A_171] : memref<240x32xf32, #tpu.memory_space<vmem>> -> memref<80x32xf32, #tpu.memory_space<vmem>>
        %dma_wait3A_173 = arith.constant 0 : i32
        %dma_wait3A_174 = tpu.memref_slice %arg10[%dma_wait3A_169, %dma_wait3A_173] : memref<3x80xi32, #tpu.memory_space<vmem>> -> memref<1x80xi32, #tpu.memory_space<vmem>>
        %dma_wait3A_175 = tpu.memref_squeeze %dma_wait3A_174 : memref<1x80xi32, #tpu.memory_space<vmem>> -> memref<80xi32, #tpu.memory_space<vmem>>
        %dma_wait3A_176 = arith.constant 0 : i32
        %dma_wait3A_177 = arith.constant 0 : i32
        %dma_wait3A_178 = tpu.memref_slice %arg8[%dma_wait3A_176, %dma_wait3A_177] : memref<50176x32xf32, #tpu.memory_space<vmem_shared>> -> memref<50176x32xf32, #tpu.memory_space<vmem_shared>>
        tpu.wait_indirect_dma semaphore(%arg22 : memref<!tpu.dma_semaphore, #tpu.memory_space<semaphore_mem>>) src(%dma_wait3A_172 : memref<80x32xf32, #tpu.memory_space<vmem>>) dst(%dma_wait3A_178 : memref<50176x32xf32, #tpu.memory_space<vmem_shared>>)
      } else {
      }
      %lt3A_143 = arith.constant 625 : i32
      %lt3A_144 = arith.cmpi slt, %add3A_134, %lt3A_143 : i32
      %convert_element_type3A_145 = arith.extui %lt3A_144 : i1 to i32
      %cond3A_146 = arith.constant 0 : i32
      %cond3A_147 = arith.cmpi ne, %convert_element_type3A_145, %cond3A_146 : i32
      scf.if %cond3A_147 {
        %mul3A_169 = arith.constant 80 : i32
        %mul3A_170 = arith.muli %add3A_134, %mul3A_169 : i32
        %add3A_171 = arith.addi %mul3A_13, %mul3A_170 : i32
        %add3A_172 = arith.addi %mul3A_15, %add3A_171 : i32
        %jit3A = arith.constant 4 : i32
        %div3A = arith.divsi %add3A_172, %jit3A : i32
        %sign3A = arith.constant 0 : i32
        %sign3A_173 = arith.cmpi sgt, %add3A_172, %sign3A : i32
        %sign3A_174 = arith.extui %sign3A_173 : i1 to i32
        %sign3A_175 = arith.constant 0 : i32
        %sign3A_176 = arith.cmpi slt, %add3A_172, %sign3A_175 : i32
        %sign3A_177 = arith.extui %sign3A_176 : i1 to i32
        %sign3A_178 = arith.subi %sign3A_174, %sign3A_177 : i32
        %sign3A_179 = arith.constant 0 : i32
        %sign3A_180 = arith.cmpi sgt, %jit3A, %sign3A_179 : i32
        %sign3A_181 = arith.extui %sign3A_180 : i1 to i32
        %sign3A_182 = arith.constant 0 : i32
        %sign3A_183 = arith.cmpi slt, %jit3A, %sign3A_182 : i32
        %sign3A_184 = arith.extui %sign3A_183 : i1 to i32
        %sign3A_185 = arith.subi %sign3A_181, %sign3A_184 : i32
        %ne3A = arith.cmpi ne, %sign3A_178, %sign3A_185 : i32
        %rem3A = arith.remsi %add3A_172, %jit3A : i32
        %ne3A_186 = arith.constant 0 : i32
        %ne3A_187 = arith.cmpi ne, %rem3A, %ne3A_186 : i32
        %and3A_188 = arith.andi %ne3A, %ne3A_187 : i1
        %sub3A_189 = arith.constant 1 : i32
        %sub3A_190 = arith.subi %div3A, %sub3A_189 : i32
        %select_n3A = arith.select %and3A_188, %sub3A_190, %div3A : i32
        %mul3A_191 = arith.constant 625 : i32
        %mul3A_192 = arith.muli %arg1, %mul3A_191 : i32
        %add3A_193 = arith.addi %mul3A_192, %add3A_134 : i32
        %dma_start3A = arith.constant 160 : i32
        %dma_start3A_194 = tpu.memref_slice %arg9[%dma_start3A] : memref<240xi32, #tpu.memory_space<vmem>> -> memref<80xi32, #tpu.memory_space<vmem>>
        %dma_start3A_195 = tpu.memref_slice %arg5[%add3A_171] : memref<800000xi32, #tpu.memory_space<hbm>> -> memref<80xi32, #tpu.memory_space<hbm>>
        %dma_start3A_196 = arith.constant 160 : i32
        %dma_start3A_197 = tpu.memref_slice %arg9[%dma_start3A_196] : memref<240xi32, #tpu.memory_space<vmem>> -> memref<80xi32, #tpu.memory_space<vmem>>
        %dma_start3A_198 = tpu.memref_slice %arg5[%add3A_171] : memref<800000xi32, #tpu.memory_space<hbm>> -> memref<80xi32, #tpu.memory_space<hbm>>
        tpu.enqueue_dma source(%dma_start3A_198 : memref<80xi32, #tpu.memory_space<hbm>>) target(%dma_start3A_197 : memref<80xi32, #tpu.memory_space<vmem>>) target_semaphore(%arg16 : memref<!tpu.dma_semaphore, #tpu.memory_space<semaphore_mem>>)
        %dma_start3A_199 = arith.constant 2 : i32
        %dma_start3A_200 = arith.constant 0 : i32
        %dma_start3A_201 = tpu.memref_slice %arg10[%dma_start3A_199, %dma_start3A_200] : memref<3x80xi32, #tpu.memory_space<vmem>> -> memref<1x80xi32, #tpu.memory_space<vmem>>
        %dma_start3A_202 = arith.constant 0 : i32
        %dma_start3A_203 = tpu.memref_slice %arg6[%add3A_193, %dma_start3A_202] : memref<10000x80xi32, #tpu.memory_space<hbm>> -> memref<1x80xi32, #tpu.memory_space<hbm>>
        %dma_start3A_204 = arith.constant 2 : i32
        %dma_start3A_205 = arith.constant 0 : i32
        %dma_start3A_206 = tpu.memref_slice %arg10[%dma_start3A_204, %dma_start3A_205] : memref<3x80xi32, #tpu.memory_space<vmem>> -> memref<1x80xi32, #tpu.memory_space<vmem>>
        %dma_start3A_207 = arith.constant 0 : i32
        %dma_start3A_208 = tpu.memref_slice %arg6[%add3A_193, %dma_start3A_207] : memref<10000x80xi32, #tpu.memory_space<hbm>> -> memref<1x80xi32, #tpu.memory_space<hbm>>
        tpu.enqueue_dma source(%dma_start3A_208 : memref<1x80xi32, #tpu.memory_space<hbm>>) target(%dma_start3A_206 : memref<1x80xi32, #tpu.memory_space<vmem>>) target_semaphore(%arg16 : memref<!tpu.dma_semaphore, #tpu.memory_space<semaphore_mem>>)
        %dma_start3A_209 = arith.constant 40 : i32
        %dma_start3A_210 = arith.constant 0 : i32
        %dma_start3A_211 = tpu.memref_slice %arg12[%dma_start3A_209, %dma_start3A_210] : memref<60x128xf32, #tpu.memory_space<vmem>> -> memref<20x128xf32, #tpu.memory_space<vmem>>
        %dma_start3A_212 = arith.constant 0 : i32
        %dma_start3A_213 = tpu.memref_slice %arg3[%select_n3A, %dma_start3A_212] : memref<400000x128xf32, #tpu.memory_space<hbm>> -> memref<20x128xf32, #tpu.memory_space<hbm>>
        %dma_start3A_214 = arith.constant 40 : i32
        %dma_start3A_215 = arith.constant 0 : i32
        %dma_start3A_216 = tpu.memref_slice %arg12[%dma_start3A_214, %dma_start3A_215] : memref<60x128xf32, #tpu.memory_space<vmem>> -> memref<20x128xf32, #tpu.memory_space<vmem>>
        %dma_start3A_217 = arith.constant 0 : i32
        %dma_start3A_218 = tpu.memref_slice %arg3[%select_n3A, %dma_start3A_217] : memref<400000x128xf32, #tpu.memory_space<hbm>> -> memref<20x128xf32, #tpu.memory_space<hbm>>
        tpu.enqueue_dma source(%dma_start3A_218 : memref<20x128xf32, #tpu.memory_space<hbm>>) target(%dma_start3A_216 : memref<20x128xf32, #tpu.memory_space<vmem>>) target_semaphore(%arg16 : memref<!tpu.dma_semaphore, #tpu.memory_space<semaphore_mem>>)
        %dma_start3A_219 = arith.constant 40 : i32
        %dma_start3A_220 = arith.constant 0 : i32
        %dma_start3A_221 = tpu.memref_slice %arg13[%dma_start3A_219, %dma_start3A_220] : memref<60x128xf32, #tpu.memory_space<vmem>> -> memref<20x128xf32, #tpu.memory_space<vmem>>
        %dma_start3A_222 = arith.constant 0 : i32
        %dma_start3A_223 = tpu.memref_slice %arg4[%select_n3A, %dma_start3A_222] : memref<400000x128xf32, #tpu.memory_space<hbm>> -> memref<20x128xf32, #tpu.memory_space<hbm>>
        %dma_start3A_224 = arith.constant 40 : i32
        %dma_start3A_225 = arith.constant 0 : i32
        %dma_start3A_226 = tpu.memref_slice %arg13[%dma_start3A_224, %dma_start3A_225] : memref<60x128xf32, #tpu.memory_space<vmem>> -> memref<20x128xf32, #tpu.memory_space<vmem>>
        %dma_start3A_227 = arith.constant 0 : i32
        %dma_start3A_228 = tpu.memref_slice %arg4[%select_n3A, %dma_start3A_227] : memref<400000x128xf32, #tpu.memory_space<hbm>> -> memref<20x128xf32, #tpu.memory_space<hbm>>
        tpu.enqueue_dma source(%dma_start3A_228 : memref<20x128xf32, #tpu.memory_space<hbm>>) target(%dma_start3A_226 : memref<20x128xf32, #tpu.memory_space<vmem>>) target_semaphore(%arg16 : memref<!tpu.dma_semaphore, #tpu.memory_space<semaphore_mem>>)
      } else {
      }
      %sub3A_148 = arith.constant 1 : i32
      %sub3A_149 = arith.subi %add3A_134, %sub3A_148 : i32
      %ge3A_150 = arith.constant 0 : i32
      %ge3A_151 = arith.cmpi sge, %sub3A_149, %ge3A_150 : i32
      %lt3A_152 = arith.constant 625 : i32
      %lt3A_153 = arith.cmpi slt, %sub3A_149, %lt3A_152 : i32
      %and3A_154 = arith.andi %ge3A_151, %lt3A_153 : i1
      %convert_element_type3A_155 = arith.extui %and3A_154 : i1 to i32
      %cond3A_156 = arith.constant 0 : i32
      %cond3A_157 = arith.cmpi ne, %convert_element_type3A_155, %cond3A_156 : i32
      scf.if %cond3A_157 {
        %mul3A_169 = arith.constant 80 : i32
        %mul3A_170 = arith.muli %sub3A_149, %mul3A_169 : i32
        %add3A_171 = arith.addi %mul3A_13, %mul3A_170 : i32
        %add3A_172 = arith.addi %mul3A_15, %add3A_171 : i32
        %jit3A = arith.constant 4 : i32
        %div3A = arith.divsi %add3A_172, %jit3A : i32
        %sign3A = arith.constant 0 : i32
        %sign3A_173 = arith.cmpi sgt, %add3A_172, %sign3A : i32
        %sign3A_174 = arith.extui %sign3A_173 : i1 to i32
        %sign3A_175 = arith.constant 0 : i32
        %sign3A_176 = arith.cmpi slt, %add3A_172, %sign3A_175 : i32
        %sign3A_177 = arith.extui %sign3A_176 : i1 to i32
        %sign3A_178 = arith.subi %sign3A_174, %sign3A_177 : i32
        %sign3A_179 = arith.constant 0 : i32
        %sign3A_180 = arith.cmpi sgt, %jit3A, %sign3A_179 : i32
        %sign3A_181 = arith.extui %sign3A_180 : i1 to i32
        %sign3A_182 = arith.constant 0 : i32
        %sign3A_183 = arith.cmpi slt, %jit3A, %sign3A_182 : i32
        %sign3A_184 = arith.extui %sign3A_183 : i1 to i32
        %sign3A_185 = arith.subi %sign3A_181, %sign3A_184 : i32
        %ne3A = arith.cmpi ne, %sign3A_178, %sign3A_185 : i32
        %rem3A = arith.remsi %add3A_172, %jit3A : i32
        %ne3A_186 = arith.constant 0 : i32
        %ne3A_187 = arith.cmpi ne, %rem3A, %ne3A_186 : i32
        %and3A_188 = arith.andi %ne3A, %ne3A_187 : i1
        %sub3A_189 = arith.constant 1 : i32
        %sub3A_190 = arith.subi %div3A, %sub3A_189 : i32
        %select_n3A = arith.select %and3A_188, %sub3A_190, %div3A : i32
        %mul3A_191 = arith.constant 625 : i32
        %mul3A_192 = arith.muli %arg1, %mul3A_191 : i32
        %add3A_193 = arith.addi %mul3A_192, %sub3A_149 : i32
        %dma_wait3A_194 = arith.constant 80 : i32
        %dma_wait3A_195 = tpu.memref_slice %arg9[%dma_wait3A_194] : memref<240xi32, #tpu.memory_space<vmem>> -> memref<80xi32, #tpu.memory_space<vmem>>
        %dma_wait3A_196 = tpu.memref_slice %arg5[%add3A_171] : memref<800000xi32, #tpu.memory_space<hbm>> -> memref<80xi32, #tpu.memory_space<hbm>>
        %dma_wait3A_197 = arith.constant 80 : i32
        %dma_wait3A_198 = tpu.memref_slice %arg9[%dma_wait3A_197] : memref<240xi32, #tpu.memory_space<vmem>> -> memref<80xi32, #tpu.memory_space<vmem>>
        %dma_wait3A_199 = tpu.memref_slice %arg5[%add3A_171] : memref<800000xi32, #tpu.memory_space<hbm>> -> memref<80xi32, #tpu.memory_space<hbm>>
        tpu.wait_dma2 semaphore(%arg15 : memref<!tpu.dma_semaphore, #tpu.memory_space<semaphore_mem>>) src(%dma_wait3A_199 : memref<80xi32, #tpu.memory_space<hbm>>) dst(%dma_wait3A_198 : memref<80xi32, #tpu.memory_space<vmem>>)
        %dma_wait3A_200 = arith.constant 1 : i32
        %dma_wait3A_201 = arith.constant 0 : i32
        %dma_wait3A_202 = tpu.memref_slice %arg10[%dma_wait3A_200, %dma_wait3A_201] : memref<3x80xi32, #tpu.memory_space<vmem>> -> memref<1x80xi32, #tpu.memory_space<vmem>>
        %dma_wait3A_203 = arith.constant 0 : i32
        %dma_wait3A_204 = tpu.memref_slice %arg6[%add3A_193, %dma_wait3A_203] : memref<10000x80xi32, #tpu.memory_space<hbm>> -> memref<1x80xi32, #tpu.memory_space<hbm>>
        %dma_wait3A_205 = arith.constant 1 : i32
        %dma_wait3A_206 = arith.constant 0 : i32
        %dma_wait3A_207 = tpu.memref_slice %arg10[%dma_wait3A_205, %dma_wait3A_206] : memref<3x80xi32, #tpu.memory_space<vmem>> -> memref<1x80xi32, #tpu.memory_space<vmem>>
        %dma_wait3A_208 = arith.constant 0 : i32
        %dma_wait3A_209 = tpu.memref_slice %arg6[%add3A_193, %dma_wait3A_208] : memref<10000x80xi32, #tpu.memory_space<hbm>> -> memref<1x80xi32, #tpu.memory_space<hbm>>
        tpu.wait_dma2 semaphore(%arg15 : memref<!tpu.dma_semaphore, #tpu.memory_space<semaphore_mem>>) src(%dma_wait3A_209 : memref<1x80xi32, #tpu.memory_space<hbm>>) dst(%dma_wait3A_207 : memref<1x80xi32, #tpu.memory_space<vmem>>)
        %dma_wait3A_210 = arith.constant 20 : i32
        %dma_wait3A_211 = arith.constant 0 : i32
        %dma_wait3A_212 = tpu.memref_slice %arg12[%dma_wait3A_210, %dma_wait3A_211] : memref<60x128xf32, #tpu.memory_space<vmem>> -> memref<20x128xf32, #tpu.memory_space<vmem>>
        %dma_wait3A_213 = arith.constant 0 : i32
        %dma_wait3A_214 = tpu.memref_slice %arg3[%select_n3A, %dma_wait3A_213] : memref<400000x128xf32, #tpu.memory_space<hbm>> -> memref<20x128xf32, #tpu.memory_space<hbm>>
        %dma_wait3A_215 = arith.constant 20 : i32
        %dma_wait3A_216 = arith.constant 0 : i32
        %dma_wait3A_217 = tpu.memref_slice %arg12[%dma_wait3A_215, %dma_wait3A_216] : memref<60x128xf32, #tpu.memory_space<vmem>> -> memref<20x128xf32, #tpu.memory_space<vmem>>
        %dma_wait3A_218 = arith.constant 0 : i32
        %dma_wait3A_219 = tpu.memref_slice %arg3[%select_n3A, %dma_wait3A_218] : memref<400000x128xf32, #tpu.memory_space<hbm>> -> memref<20x128xf32, #tpu.memory_space<hbm>>
        tpu.wait_dma2 semaphore(%arg15 : memref<!tpu.dma_semaphore, #tpu.memory_space<semaphore_mem>>) src(%dma_wait3A_219 : memref<20x128xf32, #tpu.memory_space<hbm>>) dst(%dma_wait3A_217 : memref<20x128xf32, #tpu.memory_space<vmem>>)
        %dma_wait3A_220 = arith.constant 20 : i32
        %dma_wait3A_221 = arith.constant 0 : i32
        %dma_wait3A_222 = tpu.memref_slice %arg13[%dma_wait3A_220, %dma_wait3A_221] : memref<60x128xf32, #tpu.memory_space<vmem>> -> memref<20x128xf32, #tpu.memory_space<vmem>>
        %dma_wait3A_223 = arith.constant 0 : i32
        %dma_wait3A_224 = tpu.memref_slice %arg4[%select_n3A, %dma_wait3A_223] : memref<400000x128xf32, #tpu.memory_space<hbm>> -> memref<20x128xf32, #tpu.memory_space<hbm>>
        %dma_wait3A_225 = arith.constant 20 : i32
        %dma_wait3A_226 = arith.constant 0 : i32
        %dma_wait3A_227 = tpu.memref_slice %arg13[%dma_wait3A_225, %dma_wait3A_226] : memref<60x128xf32, #tpu.memory_space<vmem>> -> memref<20x128xf32, #tpu.memory_space<vmem>>
        %dma_wait3A_228 = arith.constant 0 : i32
        %dma_wait3A_229 = tpu.memref_slice %arg4[%select_n3A, %dma_wait3A_228] : memref<400000x128xf32, #tpu.memory_space<hbm>> -> memref<20x128xf32, #tpu.memory_space<hbm>>
        tpu.wait_dma2 semaphore(%arg15 : memref<!tpu.dma_semaphore, #tpu.memory_space<semaphore_mem>>) src(%dma_wait3A_229 : memref<20x128xf32, #tpu.memory_space<hbm>>) dst(%dma_wait3A_227 : memref<20x128xf32, #tpu.memory_space<vmem>>)
        %get3A = arith.constant 80 : index
        %get3A_230 = tpu.vector_load %arg9[%get3A] {strides = array<i32>} : memref<240xi32, #tpu.memory_space<vmem>>, vector<16xi32>,
        %get3A_231 = vector.shape_cast %get3A_230 : vector<16xi32> to vector<16xi32>
        %add3A_232 = vector.broadcast %mul3A_17 : i32 to vector<16xi32>
        %add3A_233 = arith.addi %get3A_231, %add3A_232 : vector<16xi32>
        %swap3A = arith.constant 80 : index
        %swap3A_234 = tpu.vector_load %arg9[%swap3A] {strides = array<i32>} : memref<240xi32, #tpu.memory_space<vmem>>, vector<16xi32>,
        %swap3A_235 = vector.shape_cast %swap3A_234 : vector<16xi32> to vector<16xi32>
        %swap3A_236 = vector.shape_cast %add3A_233 : vector<16xi32> to vector<16xi32>
        tpu.vector_store %arg9[%swap3A], %swap3A_236 {strides = array<i32>} : memref<240xi32, #tpu.memory_space<vmem>>, vector<16xi32>,
        %get3A_237 = arith.constant 96 : index
        %get3A_238 = tpu.vector_load %arg9[%get3A_237] {strides = array<i32>} : memref<240xi32, #tpu.memory_space<vmem>>, vector<16xi32>,
        %get3A_239 = vector.shape_cast %get3A_238 : vector<16xi32> to vector<16xi32>
        %add3A_240 = vector.broadcast %mul3A_17 : i32 to vector<16xi32>
        %add3A_241 = arith.addi %get3A_239, %add3A_240 : vector<16xi32>
        %swap3A_242 = arith.constant 96 : index
        %swap3A_243 = tpu.vector_load %arg9[%swap3A_242] {strides = array<i32>} : memref<240xi32, #tpu.memory_space<vmem>>, vector<16xi32>,
        %swap3A_244 = vector.shape_cast %swap3A_243 : vector<16xi32> to vector<16xi32>
        %swap3A_245 = vector.shape_cast %add3A_241 : vector<16xi32> to vector<16xi32>
        tpu.vector_store %arg9[%swap3A_242], %swap3A_245 {strides = array<i32>} : memref<240xi32, #tpu.memory_space<vmem>>, vector<16xi32>,
        %get3A_246 = arith.constant 112 : index
        %get3A_247 = tpu.vector_load %arg9[%get3A_246] {strides = array<i32>} : memref<240xi32, #tpu.memory_space<vmem>>, vector<16xi32>,
        %get3A_248 = vector.shape_cast %get3A_247 : vector<16xi32> to vector<16xi32>
        %add3A_249 = vector.broadcast %mul3A_17 : i32 to vector<16xi32>
        %add3A_250 = arith.addi %get3A_248, %add3A_249 : vector<16xi32>
        %swap3A_251 = arith.constant 112 : index
        %swap3A_252 = tpu.vector_load %arg9[%swap3A_251] {strides = array<i32>} : memref<240xi32, #tpu.memory_space<vmem>>, vector<16xi32>,
        %swap3A_253 = vector.shape_cast %swap3A_252 : vector<16xi32> to vector<16xi32>
        %swap3A_254 = vector.shape_cast %add3A_250 : vector<16xi32> to vector<16xi32>
        tpu.vector_store %arg9[%swap3A_251], %swap3A_254 {strides = array<i32>} : memref<240xi32, #tpu.memory_space<vmem>>, vector<16xi32>,
        %get3A_255 = arith.constant 128 : index
        %get3A_256 = tpu.vector_load %arg9[%get3A_255] {strides = array<i32>} : memref<240xi32, #tpu.memory_space<vmem>>, vector<16xi32>,
        %get3A_257 = vector.shape_cast %get3A_256 : vector<16xi32> to vector<16xi32>
        %add3A_258 = vector.broadcast %mul3A_17 : i32 to vector<16xi32>
        %add3A_259 = arith.addi %get3A_257, %add3A_258 : vector<16xi32>
        %swap3A_260 = arith.constant 128 : index
        %swap3A_261 = tpu.vector_load %arg9[%swap3A_260] {strides = array<i32>} : memref<240xi32, #tpu.memory_space<vmem>>, vector<16xi32>,
        %swap3A_262 = vector.shape_cast %swap3A_261 : vector<16xi32> to vector<16xi32>
        %swap3A_263 = vector.shape_cast %add3A_259 : vector<16xi32> to vector<16xi32>
        tpu.vector_store %arg9[%swap3A_260], %swap3A_263 {strides = array<i32>} : memref<240xi32, #tpu.memory_space<vmem>>, vector<16xi32>,
        %get3A_264 = arith.constant 144 : index
        %get3A_265 = tpu.vector_load %arg9[%get3A_264] {strides = array<i32>} : memref<240xi32, #tpu.memory_space<vmem>>, vector<16xi32>,
        %get3A_266 = vector.shape_cast %get3A_265 : vector<16xi32> to vector<16xi32>
        %add3A_267 = vector.broadcast %mul3A_17 : i32 to vector<16xi32>
        %add3A_268 = arith.addi %get3A_266, %add3A_267 : vector<16xi32>
        %swap3A_269 = arith.constant 144 : index
        %swap3A_270 = tpu.vector_load %arg9[%swap3A_269] {strides = array<i32>} : memref<240xi32, #tpu.memory_space<vmem>>, vector<16xi32>,
        %swap3A_271 = vector.shape_cast %swap3A_270 : vector<16xi32> to vector<16xi32>
        %swap3A_272 = vector.shape_cast %add3A_268 : vector<16xi32> to vector<16xi32>
        tpu.vector_store %arg9[%swap3A_269], %swap3A_272 {strides = array<i32>} : memref<240xi32, #tpu.memory_space<vmem>>, vector<16xi32>,
        %dma_start3A = arith.constant 80 : i32
        %dma_start3A_273 = arith.constant 0 : i32
        %dma_start3A_274 = tpu.memref_slice %arg11[%dma_start3A, %dma_start3A_273] : memref<240x32xf32, #tpu.memory_space<vmem>> -> memref<80x32xf32, #tpu.memory_space<vmem>>
        %dma_start3A_275 = arith.constant 80 : i32
        %dma_start3A_276 = tpu.memref_slice %arg9[%dma_start3A_275] : memref<240xi32, #tpu.memory_space<vmem>> -> memref<80xi32, #tpu.memory_space<vmem>>
        %dma_start3A_277 = arith.constant 0 : i32
        %dma_start3A_278 = arith.constant 0 : i32
        %dma_start3A_279 = tpu.memref_slice %arg2[%dma_start3A_277, %dma_start3A_278] : memref<100000x32xf32, #tpu.memory_space<hbm>> -> memref<100000x32xf32, #tpu.memory_space<hbm>>
        tpu.enqueue_indirect_dma source(%dma_start3A_279 : memref<100000x32xf32, #tpu.memory_space<hbm>>) target(%dma_start3A_274 : memref<80x32xf32, #tpu.memory_space<vmem>>) offsets(%dma_start3A_276 : memref<80xi32, #tpu.memory_space<vmem>>) semaphore(%arg18 : memref<!tpu.dma_semaphore, #tpu.memory_space<semaphore_mem>>)
      } else {
      }
      %sub3A_158 = arith.constant 2 : i32
      %sub3A_159 = arith.subi %add3A_134, %sub3A_158 : i32
      %ge3A_160 = arith.constant 0 : i32
      %ge3A_161 = arith.cmpi sge, %sub3A_159, %ge3A_160 : i32
      %lt3A_162 = arith.constant 625 : i32
      %lt3A_163 = arith.cmpi slt, %sub3A_159, %lt3A_162 : i32
      %and3A_164 = arith.andi %ge3A_161, %lt3A_163 : i1
      %convert_element_type3A_165 = arith.extui %and3A_164 : i1 to i32
      %cond3A_166 = arith.constant 0 : i32
      %cond3A_167 = arith.cmpi ne, %convert_element_type3A_165, %cond3A_166 : i32
      scf.if %cond3A_167 {
        %dma_wait3A_169 = arith.constant 0 : i32
        %dma_wait3A_170 = arith.constant 0 : i32
        %dma_wait3A_171 = tpu.memref_slice %arg11[%dma_wait3A_169, %dma_wait3A_170] : memref<240x32xf32, #tpu.memory_space<vmem>> -> memref<80x32xf32, #tpu.memory_space<vmem>>
        %dma_wait3A_172 = arith.constant 0 : i32
        %dma_wait3A_173 = tpu.memref_slice %arg9[%dma_wait3A_172] : memref<240xi32, #tpu.memory_space<vmem>> -> memref<80xi32, #tpu.memory_space<vmem>>
        %dma_wait3A_174 = arith.constant 0 : i32
        %dma_wait3A_175 = arith.constant 0 : i32
        %dma_wait3A_176 = tpu.memref_slice %arg2[%dma_wait3A_174, %dma_wait3A_175] : memref<100000x32xf32, #tpu.memory_space<hbm>> -> memref<100000x32xf32, #tpu.memory_space<hbm>>
        tpu.wait_indirect_dma semaphore(%arg17 : memref<!tpu.dma_semaphore, #tpu.memory_space<semaphore_mem>>) src(%dma_wait3A_176 : memref<100000x32xf32, #tpu.memory_space<hbm>>) dst(%dma_wait3A_171 : memref<80x32xf32, #tpu.memory_space<vmem>>)
        %scan3A_177 = arith.constant 0 : i32
        %scan3A_178 = arith.constant 0 : i32
        %scan3A_179 = arith.constant 20 : i32
        %scan3A_180 = arith.addi %scan3A_178, %scan3A_179 : i32
        %scan3A_181 = arith.constant 1 : i32
        %scan3A_182 = scf.for %scan3A_193 = %scan3A_178 to %scan3A_180 step %scan3A_181 iter_args(%scan3A_194 = %scan3A_177) -> (i32)  : i32 {
          %add3A_195 = arith.constant 0 : i32
          %add3A_196 = arith.addi %add3A_195, %scan3A_193 : i32
          %mul3A_197 = arith.constant 4 : i32
          %mul3A_198 = arith.muli %scan3A_193, %mul3A_197 : i32
          %add3A_199 = arith.constant 0 : i32
          %add3A_200 = arith.addi %add3A_199, %mul3A_198 : i32
          %add3A_201 = arith.constant 0 : i32
          %add3A_202 = arith.addi %add3A_200, %add3A_201 : i32
          %get3A = arith.index_cast %add3A_202 : i32 to index
          %get3A_203 = arith.constant 0 : index
          %get3A_204 = tpu.vector_load %arg11[%get3A, %get3A_203] {strides = array<i32>} : memref<240x32xf32, #tpu.memory_space<vmem>>, vector<1x16xf32>,
          %get3A_205 = vector.shape_cast %get3A_204 : vector<1x16xf32> to vector<16xf32>
          %get3A_206 = arith.index_cast %add3A_196 : i32 to index
          %get3A_207 = arith.constant 0 : index
          %get3A_208 = tpu.vector_load %arg12[%get3A_206, %get3A_207] {strides = array<i32>} : memref<60x128xf32, #tpu.memory_space<vmem>>, vector<1x16xf32>,
          %get3A_209 = vector.shape_cast %get3A_208 : vector<1x16xf32> to vector<16xf32>
          %mul3A_210 = arith.mulf %get3A_205, %get3A_209 : vector<16xf32>
          %get3A_211 = arith.index_cast %add3A_196 : i32 to index
          %get3A_212 = arith.constant 0 : index
          %get3A_213 = tpu.vector_load %arg13[%get3A_211, %get3A_212] {strides = array<i32>} : memref<60x128xf32, #tpu.memory_space<vmem>>, vector<1x16xf32>,
          %get3A_214 = vector.shape_cast %get3A_213 : vector<1x16xf32> to vector<16xf32>
          %add3A_215 = arith.addf %mul3A_210, %get3A_214 : vector<16xf32>
          %swap3A = arith.index_cast %add3A_202 : i32 to index
          %swap3A_216 = arith.constant 0 : index
          %swap3A_217 = tpu.vector_load %arg11[%swap3A, %swap3A_216] {strides = array<i32>} : memref<240x32xf32, #tpu.memory_space<vmem>>, vector<1x16xf32>,
          %swap3A_218 = vector.shape_cast %swap3A_217 : vector<1x16xf32> to vector<16xf32>
          %swap3A_219 = vector.shape_cast %add3A_215 : vector<16xf32> to vector<1x16xf32>
          tpu.vector_store %arg11[%swap3A, %swap3A_216], %swap3A_219 {strides = array<i32>} : memref<240x32xf32, #tpu.memory_space<vmem>>, vector<1x16xf32>,
          %mul3A_220 = arith.constant 4 : i32
          %mul3A_221 = arith.muli %scan3A_193, %mul3A_220 : i32
          %add3A_222 = arith.constant 0 : i32
          %add3A_223 = arith.addi %add3A_222, %mul3A_221 : i32
          %add3A_224 = arith.constant 0 : i32
          %add3A_225 = arith.addi %add3A_223, %add3A_224 : i32
          %get3A_226 = arith.index_cast %add3A_225 : i32 to index
          %get3A_227 = arith.constant 16 : index
          %get3A_228 = tpu.vector_load %arg11[%get3A_226, %get3A_227] {strides = array<i32>} : memref<240x32xf32, #tpu.memory_space<vmem>>, vector<1x16xf32>,
          %get3A_229 = vector.shape_cast %get3A_228 : vector<1x16xf32> to vector<16xf32>
          %get3A_230 = arith.index_cast %add3A_196 : i32 to index
          %get3A_231 = arith.constant 16 : index
          %get3A_232 = tpu.vector_load %arg12[%get3A_230, %get3A_231] {strides = array<i32>} : memref<60x128xf32, #tpu.memory_space<vmem>>, vector<1x16xf32>,
          %get3A_233 = vector.shape_cast %get3A_232 : vector<1x16xf32> to vector<16xf32>
          %mul3A_234 = arith.mulf %get3A_229, %get3A_233 : vector<16xf32>
          %get3A_235 = arith.index_cast %add3A_196 : i32 to index
          %get3A_236 = arith.constant 16 : index
          %get3A_237 = tpu.vector_load %arg13[%get3A_235, %get3A_236] {strides = array<i32>} : memref<60x128xf32, #tpu.memory_space<vmem>>, vector<1x16xf32>,
          %get3A_238 = vector.shape_cast %get3A_237 : vector<1x16xf32> to vector<16xf32>
          %add3A_239 = arith.addf %mul3A_234, %get3A_238 : vector<16xf32>
          %swap3A_240 = arith.index_cast %add3A_225 : i32 to index
          %swap3A_241 = arith.constant 16 : index
          %swap3A_242 = tpu.vector_load %arg11[%swap3A_240, %swap3A_241] {strides = array<i32>} : memref<240x32xf32, #tpu.memory_space<vmem>>, vector<1x16xf32>,
          %swap3A_243 = vector.shape_cast %swap3A_242 : vector<1x16xf32> to vector<16xf32>
          %swap3A_244 = vector.shape_cast %add3A_239 : vector<16xf32> to vector<1x16xf32>
          tpu.vector_store %arg11[%swap3A_240, %swap3A_241], %swap3A_244 {strides = array<i32>} : memref<240x32xf32, #tpu.memory_space<vmem>>, vector<1x16xf32>,
          %mul3A_245 = arith.constant 4 : i32
          %mul3A_246 = arith.muli %scan3A_193, %mul3A_245 : i32
          %add3A_247 = arith.constant 0 : i32
          %add3A_248 = arith.addi %add3A_247, %mul3A_246 : i32
          %add3A_249 = arith.constant 1 : i32
          %add3A_250 = arith.addi %add3A_248, %add3A_249 : i32
          %get3A_251 = arith.index_cast %add3A_250 : i32 to index
          %get3A_252 = arith.constant 0 : index
          %get3A_253 = tpu.vector_load %arg11[%get3A_251, %get3A_252] {strides = array<i32>} : memref<240x32xf32, #tpu.memory_space<vmem>>, vector<1x16xf32>,
          %get3A_254 = vector.shape_cast %get3A_253 : vector<1x16xf32> to vector<16xf32>
          %get3A_255 = arith.index_cast %add3A_196 : i32 to index
          %get3A_256 = arith.constant 32 : index
          %get3A_257 = tpu.vector_load %arg12[%get3A_255, %get3A_256] {strides = array<i32>} : memref<60x128xf32, #tpu.memory_space<vmem>>, vector<1x16xf32>,
          %get3A_258 = vector.shape_cast %get3A_257 : vector<1x16xf32> to vector<16xf32>
          %mul3A_259 = arith.mulf %get3A_254, %get3A_258 : vector<16xf32>
          %get3A_260 = arith.index_cast %add3A_196 : i32 to index
          %get3A_261 = arith.constant 32 : index
          %get3A_262 = tpu.vector_load %arg13[%get3A_260, %get3A_261] {strides = array<i32>} : memref<60x128xf32, #tpu.memory_space<vmem>>, vector<1x16xf32>,
          %get3A_263 = vector.shape_cast %get3A_262 : vector<1x16xf32> to vector<16xf32>
          %add3A_264 = arith.addf %mul3A_259, %get3A_263 : vector<16xf32>
          %swap3A_265 = arith.index_cast %add3A_250 : i32 to index
          %swap3A_266 = arith.constant 0 : index
          %swap3A_267 = tpu.vector_load %arg11[%swap3A_265, %swap3A_266] {strides = array<i32>} : memref<240x32xf32, #tpu.memory_space<vmem>>, vector<1x16xf32>,
          %swap3A_268 = vector.shape_cast %swap3A_267 : vector<1x16xf32> to vector<16xf32>
          %swap3A_269 = vector.shape_cast %add3A_264 : vector<16xf32> to vector<1x16xf32>
          tpu.vector_store %arg11[%swap3A_265, %swap3A_266], %swap3A_269 {strides = array<i32>} : memref<240x32xf32, #tpu.memory_space<vmem>>, vector<1x16xf32>,
          %mul3A_270 = arith.constant 4 : i32
          %mul3A_271 = arith.muli %scan3A_193, %mul3A_270 : i32
          %add3A_272 = arith.constant 0 : i32
          %add3A_273 = arith.addi %add3A_272, %mul3A_271 : i32
          %add3A_274 = arith.constant 1 : i32
          %add3A_275 = arith.addi %add3A_273, %add3A_274 : i32
          %get3A_276 = arith.index_cast %add3A_275 : i32 to index
          %get3A_277 = arith.constant 16 : index
          %get3A_278 = tpu.vector_load %arg11[%get3A_276, %get3A_277] {strides = array<i32>} : memref<240x32xf32, #tpu.memory_space<vmem>>, vector<1x16xf32>,
          %get3A_279 = vector.shape_cast %get3A_278 : vector<1x16xf32> to vector<16xf32>
          %get3A_280 = arith.index_cast %add3A_196 : i32 to index
          %get3A_281 = arith.constant 48 : index
          %get3A_282 = tpu.vector_load %arg12[%get3A_280, %get3A_281] {strides = array<i32>} : memref<60x128xf32, #tpu.memory_space<vmem>>, vector<1x16xf32>,
          %get3A_283 = vector.shape_cast %get3A_282 : vector<1x16xf32> to vector<16xf32>
          %mul3A_284 = arith.mulf %get3A_279, %get3A_283 : vector<16xf32>
          %get3A_285 = arith.index_cast %add3A_196 : i32 to index
          %get3A_286 = arith.constant 48 : index
          %get3A_287 = tpu.vector_load %arg13[%get3A_285, %get3A_286] {strides = array<i32>} : memref<60x128xf32, #tpu.memory_space<vmem>>, vector<1x16xf32>,
          %get3A_288 = vector.shape_cast %get3A_287 : vector<1x16xf32> to vector<16xf32>
          %add3A_289 = arith.addf %mul3A_284, %get3A_288 : vector<16xf32>
          %swap3A_290 = arith.index_cast %add3A_275 : i32 to index
          %swap3A_291 = arith.constant 16 : index
          %swap3A_292 = tpu.vector_load %arg11[%swap3A_290, %swap3A_291] {strides = array<i32>} : memref<240x32xf32, #tpu.memory_space<vmem>>, vector<1x16xf32>,
          %swap3A_293 = vector.shape_cast %swap3A_292 : vector<1x16xf32> to vector<16xf32>
          %swap3A_294 = vector.shape_cast %add3A_289 : vector<16xf32> to vector<1x16xf32>
          tpu.vector_store %arg11[%swap3A_290, %swap3A_291], %swap3A_294 {strides = array<i32>} : memref<240x32xf32, #tpu.memory_space<vmem>>, vector<1x16xf32>,
          %mul3A_295 = arith.constant 4 : i32
          %mul3A_296 = arith.muli %scan3A_193, %mul3A_295 : i32
          %add3A_297 = arith.constant 0 : i32
          %add3A_298 = arith.addi %add3A_297, %mul3A_296 : i32
          %add3A_299 = arith.constant 2 : i32
          %add3A_300 = arith.addi %add3A_298, %add3A_299 : i32
          %get3A_301 = arith.index_cast %add3A_300 : i32 to index
          %get3A_302 = arith.constant 0 : index
          %get3A_303 = tpu.vector_load %arg11[%get3A_301, %get3A_302] {strides = array<i32>} : memref<240x32xf32, #tpu.memory_space<vmem>>, vector<1x16xf32>,
          %get3A_304 = vector.shape_cast %get3A_303 : vector<1x16xf32> to vector<16xf32>
          %get3A_305 = arith.index_cast %add3A_196 : i32 to index
          %get3A_306 = arith.constant 64 : index
          %get3A_307 = tpu.vector_load %arg12[%get3A_305, %get3A_306] {strides = array<i32>} : memref<60x128xf32, #tpu.memory_space<vmem>>, vector<1x16xf32>,
          %get3A_308 = vector.shape_cast %get3A_307 : vector<1x16xf32> to vector<16xf32>
          %mul3A_309 = arith.mulf %get3A_304, %get3A_308 : vector<16xf32>
          %get3A_310 = arith.index_cast %add3A_196 : i32 to index
          %get3A_311 = arith.constant 64 : index
          %get3A_312 = tpu.vector_load %arg13[%get3A_310, %get3A_311] {strides = array<i32>} : memref<60x128xf32, #tpu.memory_space<vmem>>, vector<1x16xf32>,
          %get3A_313 = vector.shape_cast %get3A_312 : vector<1x16xf32> to vector<16xf32>
          %add3A_314 = arith.addf %mul3A_309, %get3A_313 : vector<16xf32>
          %swap3A_315 = arith.index_cast %add3A_300 : i32 to index
          %swap3A_316 = arith.constant 0 : index
          %swap3A_317 = tpu.vector_load %arg11[%swap3A_315, %swap3A_316] {strides = array<i32>} : memref<240x32xf32, #tpu.memory_space<vmem>>, vector<1x16xf32>,
          %swap3A_318 = vector.shape_cast %swap3A_317 : vector<1x16xf32> to vector<16xf32>
          %swap3A_319 = vector.shape_cast %add3A_314 : vector<16xf32> to vector<1x16xf32>
          tpu.vector_store %arg11[%swap3A_315, %swap3A_316], %swap3A_319 {strides = array<i32>} : memref<240x32xf32, #tpu.memory_space<vmem>>, vector<1x16xf32>,
          %mul3A_320 = arith.constant 4 : i32
          %mul3A_321 = arith.muli %scan3A_193, %mul3A_320 : i32
          %add3A_322 = arith.constant 0 : i32
          %add3A_323 = arith.addi %add3A_322, %mul3A_321 : i32
          %add3A_324 = arith.constant 2 : i32
          %add3A_325 = arith.addi %add3A_323, %add3A_324 : i32
          %get3A_326 = arith.index_cast %add3A_325 : i32 to index
          %get3A_327 = arith.constant 16 : index
          %get3A_328 = tpu.vector_load %arg11[%get3A_326, %get3A_327] {strides = array<i32>} : memref<240x32xf32, #tpu.memory_space<vmem>>, vector<1x16xf32>,
          %get3A_329 = vector.shape_cast %get3A_328 : vector<1x16xf32> to vector<16xf32>
          %get3A_330 = arith.index_cast %add3A_196 : i32 to index
          %get3A_331 = arith.constant 80 : index
          %get3A_332 = tpu.vector_load %arg12[%get3A_330, %get3A_331] {strides = array<i32>} : memref<60x128xf32, #tpu.memory_space<vmem>>, vector<1x16xf32>,
          %get3A_333 = vector.shape_cast %get3A_332 : vector<1x16xf32> to vector<16xf32>
          %mul3A_334 = arith.mulf %get3A_329, %get3A_333 : vector<16xf32>
          %get3A_335 = arith.index_cast %add3A_196 : i32 to index
          %get3A_336 = arith.constant 80 : index
          %get3A_337 = tpu.vector_load %arg13[%get3A_335, %get3A_336] {strides = array<i32>} : memref<60x128xf32, #tpu.memory_space<vmem>>, vector<1x16xf32>,
          %get3A_338 = vector.shape_cast %get3A_337 : vector<1x16xf32> to vector<16xf32>
          %add3A_339 = arith.addf %mul3A_334, %get3A_338 : vector<16xf32>
          %swap3A_340 = arith.index_cast %add3A_325 : i32 to index
          %swap3A_341 = arith.constant 16 : index
          %swap3A_342 = tpu.vector_load %arg11[%swap3A_340, %swap3A_341] {strides = array<i32>} : memref<240x32xf32, #tpu.memory_space<vmem>>, vector<1x16xf32>,
          %swap3A_343 = vector.shape_cast %swap3A_342 : vector<1x16xf32> to vector<16xf32>
          %swap3A_344 = vector.shape_cast %add3A_339 : vector<16xf32> to vector<1x16xf32>
          tpu.vector_store %arg11[%swap3A_340, %swap3A_341], %swap3A_344 {strides = array<i32>} : memref<240x32xf32, #tpu.memory_space<vmem>>, vector<1x16xf32>,
          %mul3A_345 = arith.constant 4 : i32
          %mul3A_346 = arith.muli %scan3A_193, %mul3A_345 : i32
          %add3A_347 = arith.constant 0 : i32
          %add3A_348 = arith.addi %add3A_347, %mul3A_346 : i32
          %add3A_349 = arith.constant 3 : i32
          %add3A_350 = arith.addi %add3A_348, %add3A_349 : i32
          %get3A_351 = arith.index_cast %add3A_350 : i32 to index
          %get3A_352 = arith.constant 0 : index
          %get3A_353 = tpu.vector_load %arg11[%get3A_351, %get3A_352] {strides = array<i32>} : memref<240x32xf32, #tpu.memory_space<vmem>>, vector<1x16xf32>,
          %get3A_354 = vector.shape_cast %get3A_353 : vector<1x16xf32> to vector<16xf32>
          %get3A_355 = arith.index_cast %add3A_196 : i32 to index
          %get3A_356 = arith.constant 96 : index
          %get3A_357 = tpu.vector_load %arg12[%get3A_355, %get3A_356] {strides = array<i32>} : memref<60x128xf32, #tpu.memory_space<vmem>>, vector<1x16xf32>,
          %get3A_358 = vector.shape_cast %get3A_357 : vector<1x16xf32> to vector<16xf32>
          %mul3A_359 = arith.mulf %get3A_354, %get3A_358 : vector<16xf32>
          %get3A_360 = arith.index_cast %add3A_196 : i32 to index
          %get3A_361 = arith.constant 96 : index
          %get3A_362 = tpu.vector_load %arg13[%get3A_360, %get3A_361] {strides = array<i32>} : memref<60x128xf32, #tpu.memory_space<vmem>>, vector<1x16xf32>,
          %get3A_363 = vector.shape_cast %get3A_362 : vector<1x16xf32> to vector<16xf32>
          %add3A_364 = arith.addf %mul3A_359, %get3A_363 : vector<16xf32>
          %swap3A_365 = arith.index_cast %add3A_350 : i32 to index
          %swap3A_366 = arith.constant 0 : index
          %swap3A_367 = tpu.vector_load %arg11[%swap3A_365, %swap3A_366] {strides = array<i32>} : memref<240x32xf32, #tpu.memory_space<vmem>>, vector<1x16xf32>,
          %swap3A_368 = vector.shape_cast %swap3A_367 : vector<1x16xf32> to vector<16xf32>
          %swap3A_369 = vector.shape_cast %add3A_364 : vector<16xf32> to vector<1x16xf32>
          tpu.vector_store %arg11[%swap3A_365, %swap3A_366], %swap3A_369 {strides = array<i32>} : memref<240x32xf32, #tpu.memory_space<vmem>>, vector<1x16xf32>,
          %mul3A_370 = arith.constant 4 : i32
          %mul3A_371 = arith.muli %scan3A_193, %mul3A_370 : i32
          %add3A_372 = arith.constant 0 : i32
          %add3A_373 = arith.addi %add3A_372, %mul3A_371 : i32
          %add3A_374 = arith.constant 3 : i32
          %add3A_375 = arith.addi %add3A_373, %add3A_374 : i32
          %get3A_376 = arith.index_cast %add3A_375 : i32 to index
          %get3A_377 = arith.constant 16 : index
          %get3A_378 = tpu.vector_load %arg11[%get3A_376, %get3A_377] {strides = array<i32>} : memref<240x32xf32, #tpu.memory_space<vmem>>, vector<1x16xf32>,
          %get3A_379 = vector.shape_cast %get3A_378 : vector<1x16xf32> to vector<16xf32>
          %get3A_380 = arith.index_cast %add3A_196 : i32 to index
          %get3A_381 = arith.constant 112 : index
          %get3A_382 = tpu.vector_load %arg12[%get3A_380, %get3A_381] {strides = array<i32>} : memref<60x128xf32, #tpu.memory_space<vmem>>, vector<1x16xf32>,
          %get3A_383 = vector.shape_cast %get3A_382 : vector<1x16xf32> to vector<16xf32>
          %mul3A_384 = arith.mulf %get3A_379, %get3A_383 : vector<16xf32>
          %get3A_385 = arith.index_cast %add3A_196 : i32 to index
          %get3A_386 = arith.constant 112 : index
          %get3A_387 = tpu.vector_load %arg13[%get3A_385, %get3A_386] {strides = array<i32>} : memref<60x128xf32, #tpu.memory_space<vmem>>, vector<1x16xf32>,
          %get3A_388 = vector.shape_cast %get3A_387 : vector<1x16xf32> to vector<16xf32>
          %add3A_389 = arith.addf %mul3A_384, %get3A_388 : vector<16xf32>
          %swap3A_390 = arith.index_cast %add3A_375 : i32 to index
          %swap3A_391 = arith.constant 16 : index
          %swap3A_392 = tpu.vector_load %arg11[%swap3A_390, %swap3A_391] {strides = array<i32>} : memref<240x32xf32, #tpu.memory_space<vmem>>, vector<1x16xf32>,
          %swap3A_393 = vector.shape_cast %swap3A_392 : vector<1x16xf32> to vector<16xf32>
          %swap3A_394 = vector.shape_cast %add3A_389 : vector<16xf32> to vector<1x16xf32>
          tpu.vector_store %arg11[%swap3A_390, %swap3A_391], %swap3A_394 {strides = array<i32>} : memref<240x32xf32, #tpu.memory_space<vmem>>, vector<1x16xf32>,
          %scan3A_395 = arith.constant 0 : i32
          scf.yield %scan3A_395 : i32
        }
        %scan3A_183 = arith.constant 20 : i32
        %dma_start3A = arith.constant 0 : i32
        %dma_start3A_184 = arith.constant 0 : i32
        %dma_start3A_185 = arith.constant 0 : i32
        %dma_start3A_186 = tpu.memref_slice %arg11[%dma_start3A_184, %dma_start3A_185] : memref<240x32xf32, #tpu.memory_space<vmem>> -> memref<80x32xf32, #tpu.memory_space<vmem>>
        %dma_start3A_187 = arith.constant 0 : i32
        %dma_start3A_188 = tpu.memref_slice %arg10[%dma_start3A, %dma_start3A_187] : memref<3x80xi32, #tpu.memory_space<vmem>> -> memref<1x80xi32, #tpu.memory_space<vmem>>
        %dma_start3A_189 = tpu.memref_squeeze %dma_start3A_188 : memref<1x80xi32, #tpu.memory_space<vmem>> -> memref<80xi32, #tpu.memory_space<vmem>>
        %dma_start3A_190 = arith.constant 0 : i32
        %dma_start3A_191 = arith.constant 0 : i32
        %dma_start3A_192 = tpu.memref_slice %arg8[%dma_start3A_190, %dma_start3A_191] : memref<50176x32xf32, #tpu.memory_space<vmem_shared>> -> memref<50176x32xf32, #tpu.memory_space<vmem_shared>>
        tpu.enqueue_indirect_dma source(%dma_start3A_186 : memref<80x32xf32, #tpu.memory_space<vmem>>) target(%dma_start3A_192 : memref<50176x32xf32, #tpu.memory_space<vmem_shared>>) offsets(%dma_start3A_189 : memref<80xi32, #tpu.memory_space<vmem>>) semaphore(%arg20 : memref<!tpu.dma_semaphore, #tpu.memory_space<semaphore_mem>>) {add = true}
      } else {
      }
      %scan3A_168 = arith.constant 0 : i32
      scf.yield %scan3A_168 : i32
    }
    %scan3A_24 = arith.constant 209 : i32
    %dma_wait3A = arith.constant 0 : i32
    %dma_wait3A_25 = arith.constant 0 : i32
    %dma_wait3A_26 = arith.constant 0 : i32
    %dma_wait3A_27 = tpu.memref_slice %arg11[%dma_wait3A_25, %dma_wait3A_26] : memref<240x32xf32, #tpu.memory_space<vmem>> -> memref<80x32xf32, #tpu.memory_space<vmem>>
    %dma_wait3A_28 = arith.constant 0 : i32
    %dma_wait3A_29 = tpu.memref_slice %arg10[%dma_wait3A, %dma_wait3A_28] : memref<3x80xi32, #tpu.memory_space<vmem>> -> memref<1x80xi32, #tpu.memory_space<vmem>>
    %dma_wait3A_30 = tpu.memref_squeeze %dma_wait3A_29 : memref<1x80xi32, #tpu.memory_space<vmem>> -> memref<80xi32, #tpu.memory_space<vmem>>
    %dma_wait3A_31 = arith.constant 0 : i32
    %dma_wait3A_32 = arith.constant 0 : i32
    %dma_wait3A_33 = tpu.memref_slice %arg8[%dma_wait3A_31, %dma_wait3A_32] : memref<50176x32xf32, #tpu.memory_space<vmem_shared>> -> memref<50176x32xf32, #tpu.memory_space<vmem_shared>>
    tpu.wait_indirect_dma semaphore(%arg20 : memref<!tpu.dma_semaphore, #tpu.memory_space<semaphore_mem>>) src(%dma_wait3A_27 : memref<80x32xf32, #tpu.memory_space<vmem>>) dst(%dma_wait3A_33 : memref<50176x32xf32, #tpu.memory_space<vmem_shared>>)
    %dma_wait3A_34 = arith.constant 1 : i32
    %dma_wait3A_35 = arith.constant 80 : i32
    %dma_wait3A_36 = arith.constant 0 : i32
    %dma_wait3A_37 = tpu.memref_slice %arg11[%dma_wait3A_35, %dma_wait3A_36] : memref<240x32xf32, #tpu.memory_space<vmem>> -> memref<80x32xf32, #tpu.memory_space<vmem>>
    %dma_wait3A_38 = arith.constant 0 : i32
    %dma_wait3A_39 = tpu.memref_slice %arg10[%dma_wait3A_34, %dma_wait3A_38] : memref<3x80xi32, #tpu.memory_space<vmem>> -> memref<1x80xi32, #tpu.memory_space<vmem>>
    %dma_wait3A_40 = tpu.memref_squeeze %dma_wait3A_39 : memref<1x80xi32, #tpu.memory_space<vmem>> -> memref<80xi32, #tpu.memory_space<vmem>>
    %dma_wait3A_41 = arith.constant 0 : i32
    %dma_wait3A_42 = arith.constant 0 : i32
    %dma_wait3A_43 = tpu.memref_slice %arg8[%dma_wait3A_41, %dma_wait3A_42] : memref<50176x32xf32, #tpu.memory_space<vmem_shared>> -> memref<50176x32xf32, #tpu.memory_space<vmem_shared>>
    tpu.wait_indirect_dma semaphore(%arg21 : memref<!tpu.dma_semaphore, #tpu.memory_space<semaphore_mem>>) src(%dma_wait3A_37 : memref<80x32xf32, #tpu.memory_space<vmem>>) dst(%dma_wait3A_43 : memref<50176x32xf32, #tpu.memory_space<vmem_shared>>)
    %dma_wait3A_44 = arith.constant 2 : i32
    %dma_wait3A_45 = arith.constant 160 : i32
    %dma_wait3A_46 = arith.constant 0 : i32
    %dma_wait3A_47 = tpu.memref_slice %arg11[%dma_wait3A_45, %dma_wait3A_46] : memref<240x32xf32, #tpu.memory_space<vmem>> -> memref<80x32xf32, #tpu.memory_space<vmem>>
    %dma_wait3A_48 = arith.constant 0 : i32
    %dma_wait3A_49 = tpu.memref_slice %arg10[%dma_wait3A_44, %dma_wait3A_48] : memref<3x80xi32, #tpu.memory_space<vmem>> -> memref<1x80xi32, #tpu.memory_space<vmem>>
    %dma_wait3A_50 = tpu.memref_squeeze %dma_wait3A_49 : memref<1x80xi32, #tpu.memory_space<vmem>> -> memref<80xi32, #tpu.memory_space<vmem>>
    %dma_wait3A_51 = arith.constant 0 : i32
    %dma_wait3A_52 = arith.constant 0 : i32
    %dma_wait3A_53 = tpu.memref_slice %arg8[%dma_wait3A_51, %dma_wait3A_52] : memref<50176x32xf32, #tpu.memory_space<vmem_shared>> -> memref<50176x32xf32, #tpu.memory_space<vmem_shared>>
    tpu.wait_indirect_dma semaphore(%arg22 : memref<!tpu.dma_semaphore, #tpu.memory_space<semaphore_mem>>) src(%dma_wait3A_47 : memref<80x32xf32, #tpu.memory_space<vmem>>) dst(%dma_wait3A_53 : memref<50176x32xf32, #tpu.memory_space<vmem_shared>>)
    %barrier3A_54 = arith.constant 0 : index
    tpu.barrier barrier_id(%barrier3A_54)
    %scan3A_55 = arith.constant 0 : i32
    %scan3A_56 = arith.constant 0 : i32
    %scan3A_57 = arith.constant 14 : i32
    %scan3A_58 = arith.addi %scan3A_56, %scan3A_57 : i32
    %scan3A_59 = arith.constant 1 : i32
    %scan3A_60 = scf.for %scan3A_62 = %scan3A_56 to %scan3A_58 step %scan3A_59 iter_args(%scan3A_63 = %scan3A_55) -> (i32)  : i32 {
      %mul3A_64 = arith.constant 3136 : i32
      %mul3A_65 = arith.muli %arg1, %mul3A_64 : i32
      %mul3A_66 = arith.constant 224 : i32
      %mul3A_67 = arith.muli %scan3A_62, %mul3A_66 : i32
      %add3A = arith.addi %mul3A_65, %mul3A_67 : i32
      "tpu.region"() ({
        %run_scoped3A = tpu.sem_alloc : memref<!tpu.dma_semaphore, #tpu.memory_space<semaphore_mem>>
        %dma_start3A = arith.constant 0 : i32
        %dma_start3A_97 = arith.constant 0 : i32
        %dma_start3A_98 = tpu.memref_slice %arg11[%dma_start3A, %dma_start3A_97] : memref<240x32xf32, #tpu.memory_space<vmem>> -> memref<224x32xf32, #tpu.memory_space<vmem>>
        %dma_start3A_99 = arith.constant 0 : i32
        %dma_start3A_100 = tpu.memref_slice %arg8[%add3A, %dma_start3A_99] : memref<50176x32xf32, #tpu.memory_space<vmem_shared>> -> memref<224x32xf32, #tpu.memory_space<vmem_shared>>
        %dma_start3A_101 = arith.constant 0 : i32
        %dma_start3A_102 = arith.constant 0 : i32
        %dma_start3A_103 = tpu.memref_slice %arg11[%dma_start3A_101, %dma_start3A_102] : memref<240x32xf32, #tpu.memory_space<vmem>> -> memref<224x32xf32, #tpu.memory_space<vmem>>
        %dma_start3A_104 = arith.constant 0 : i32
        %dma_start3A_105 = tpu.memref_slice %arg8[%add3A, %dma_start3A_104] : memref<50176x32xf32, #tpu.memory_space<vmem_shared>> -> memref<224x32xf32, #tpu.memory_space<vmem_shared>>
        tpu.enqueue_dma source(%dma_start3A_105 : memref<224x32xf32, #tpu.memory_space<vmem_shared>>) target(%dma_start3A_103 : memref<224x32xf32, #tpu.memory_space<vmem>>) target_semaphore(%run_scoped3A : memref<!tpu.dma_semaphore, #tpu.memory_space<semaphore_mem>>)
        %dma_wait3A_106 = arith.constant 0 : i32
        %dma_wait3A_107 = arith.constant 0 : i32
        %dma_wait3A_108 = tpu.memref_slice %arg11[%dma_wait3A_106, %dma_wait3A_107] : memref<240x32xf32, #tpu.memory_space<vmem>> -> memref<224x32xf32, #tpu.memory_space<vmem>>
        %dma_wait3A_109 = arith.constant 0 : i32
        %dma_wait3A_110 = tpu.memref_slice %arg8[%add3A, %dma_wait3A_109] : memref<50176x32xf32, #tpu.memory_space<vmem_shared>> -> memref<224x32xf32, #tpu.memory_space<vmem_shared>>
        %dma_wait3A_111 = arith.constant 0 : i32
        %dma_wait3A_112 = arith.constant 0 : i32
        %dma_wait3A_113 = tpu.memref_slice %arg11[%dma_wait3A_111, %dma_wait3A_112] : memref<240x32xf32, #tpu.memory_space<vmem>> -> memref<224x32xf32, #tpu.memory_space<vmem>>
        %dma_wait3A_114 = arith.constant 0 : i32
        %dma_wait3A_115 = tpu.memref_slice %arg8[%add3A, %dma_wait3A_114] : memref<50176x32xf32, #tpu.memory_space<vmem_shared>> -> memref<224x32xf32, #tpu.memory_space<vmem_shared>>
        tpu.wait_dma2 semaphore(%run_scoped3A : memref<!tpu.dma_semaphore, #tpu.memory_space<semaphore_mem>>) src(%dma_wait3A_115 : memref<224x32xf32, #tpu.memory_space<vmem_shared>>) dst(%dma_wait3A_113 : memref<224x32xf32, #tpu.memory_space<vmem>>)
        tpu.yield
      }) : () -> ()
      %scan3A_68 = arith.constant 0 : i32
      %scan3A_69 = arith.constant 0 : i32
      %scan3A_70 = arith.constant 448 : i32
      %scan3A_71 = arith.addi %scan3A_69, %scan3A_70 : i32
      %scan3A_72 = arith.constant 1 : i32
      %scan3A_73 = scf.for %scan3A_97 = %scan3A_69 to %scan3A_71 step %scan3A_72 iter_args(%scan3A_98 = %scan3A_68) -> (i32)  : i32 {
        %jit3A_99 = arith.constant 2 : i32
        %div3A_100 = arith.divsi %scan3A_97, %jit3A_99 : i32
        %sign3A_101 = arith.constant 0 : i32
        %sign3A_102 = arith.cmpi sgt, %scan3A_97, %sign3A_101 : i32
        %sign3A_103 = arith.extui %sign3A_102 : i1 to i32
        %sign3A_104 = arith.constant 0 : i32
        %sign3A_105 = arith.cmpi slt, %scan3A_97, %sign3A_104 : i32
        %sign3A_106 = arith.extui %sign3A_105 : i1 to i32
        %sign3A_107 = arith.subi %sign3A_103, %sign3A_106 : i32
        %sign3A_108 = arith.constant 0 : i32
        %sign3A_109 = arith.cmpi sgt, %jit3A_99, %sign3A_108 : i32
        %sign3A_110 = arith.extui %sign3A_109 : i1 to i32
        %sign3A_111 = arith.constant 0 : i32
        %sign3A_112 = arith.cmpi slt, %jit3A_99, %sign3A_111 : i32
        %sign3A_113 = arith.extui %sign3A_112 : i1 to i32
        %sign3A_114 = arith.subi %sign3A_110, %sign3A_113 : i32
        %ne3A_115 = arith.cmpi ne, %sign3A_107, %sign3A_114 : i32
        %rem3A_116 = arith.remsi %scan3A_97, %jit3A_99 : i32
        %ne3A_117 = arith.constant 0 : i32
        %ne3A_118 = arith.cmpi ne, %rem3A_116, %ne3A_117 : i32
        %and3A_119 = arith.andi %ne3A_115, %ne3A_118 : i1
        %sub3A_120 = arith.constant 1 : i32
        %sub3A_121 = arith.subi %div3A_100, %sub3A_120 : i32
        %select_n3A_122 = arith.select %and3A_119, %sub3A_121, %div3A_100 : i32
        %jit3A_123 = arith.constant 2 : i32
        %eq3A = arith.constant 0 : i32
        %eq3A_124 = arith.cmpi eq, %jit3A_123, %eq3A : i32
        %jit3A_125 = arith.constant 1 : i32
        %select_n3A_126 = arith.select %eq3A_124, %jit3A_125, %jit3A_123 : i32
        %rem3A_127 = arith.remsi %scan3A_97, %select_n3A_126 : i32
        %ne3A_128 = arith.constant 0 : i32
        %ne3A_129 = arith.cmpi ne, %rem3A_127, %ne3A_128 : i32
        %lt3A = arith.constant 0 : i32
        %lt3A_130 = arith.cmpi slt, %rem3A_127, %lt3A : i32
        %lt3A_131 = arith.constant 0 : i32
        %lt3A_132 = arith.cmpi slt, %select_n3A_126, %lt3A_131 : i32
        %ne3A_133 = arith.xori %lt3A_130, %lt3A_132 : i1
        %and3A_134 = arith.andi %ne3A_133, %ne3A_129 : i1
        %add3A_135 = arith.addi %rem3A_127, %select_n3A_126 : i32
        %select_n3A_136 = arith.select %and3A_134, %add3A_135, %rem3A_127 : i32
        %mul3A_137 = arith.constant 16 : i32
        %mul3A_138 = arith.muli %select_n3A_136, %mul3A_137 : i32
        %get3A = arith.index_cast %select_n3A_122 : i32 to index
        %get3A_139 = arith.index_cast %mul3A_138 : i32 to index
        %get3A_140 = tpu.vector_load %arg11[%get3A, %get3A_139] {strides = array<i32>} : memref<240x32xf32, #tpu.memory_space<vmem>>, vector<1x16xf32>,
        %get3A_141 = vector.shape_cast %get3A_140 : vector<1x16xf32> to vector<16xf32>
        %jit3A_142 = arith.constant 8 : i32
        %div3A_143 = arith.divsi %scan3A_97, %jit3A_142 : i32
        %sign3A_144 = arith.constant 0 : i32
        %sign3A_145 = arith.cmpi sgt, %scan3A_97, %sign3A_144 : i32
        %sign3A_146 = arith.extui %sign3A_145 : i1 to i32
        %sign3A_147 = arith.constant 0 : i32
        %sign3A_148 = arith.cmpi slt, %scan3A_97, %sign3A_147 : i32
        %sign3A_149 = arith.extui %sign3A_148 : i1 to i32
        %sign3A_150 = arith.subi %sign3A_146, %sign3A_149 : i32
        %sign3A_151 = arith.constant 0 : i32
        %sign3A_152 = arith.cmpi sgt, %jit3A_142, %sign3A_151 : i32
        %sign3A_153 = arith.extui %sign3A_152 : i1 to i32
        %sign3A_154 = arith.constant 0 : i32
        %sign3A_155 = arith.cmpi slt, %jit3A_142, %sign3A_154 : i32
        %sign3A_156 = arith.extui %sign3A_155 : i1 to i32
        %sign3A_157 = arith.subi %sign3A_153, %sign3A_156 : i32
        %ne3A_158 = arith.cmpi ne, %sign3A_150, %sign3A_157 : i32
        %rem3A_159 = arith.remsi %scan3A_97, %jit3A_142 : i32
        %ne3A_160 = arith.constant 0 : i32
        %ne3A_161 = arith.cmpi ne, %rem3A_159, %ne3A_160 : i32
        %and3A_162 = arith.andi %ne3A_158, %ne3A_161 : i1
        %sub3A_163 = arith.constant 1 : i32
        %sub3A_164 = arith.subi %div3A_143, %sub3A_163 : i32
        %select_n3A_165 = arith.select %and3A_162, %sub3A_164, %div3A_143 : i32
        %jit3A_166 = arith.constant 8 : i32
        %eq3A_167 = arith.constant 0 : i32
        %eq3A_168 = arith.cmpi eq, %jit3A_166, %eq3A_167 : i32
        %jit3A_169 = arith.constant 1 : i32
        %select_n3A_170 = arith.select %eq3A_168, %jit3A_169, %jit3A_166 : i32
        %rem3A_171 = arith.remsi %scan3A_97, %select_n3A_170 : i32
        %ne3A_172 = arith.constant 0 : i32
        %ne3A_173 = arith.cmpi ne, %rem3A_171, %ne3A_172 : i32
        %lt3A_174 = arith.constant 0 : i32
        %lt3A_175 = arith.cmpi slt, %rem3A_171, %lt3A_174 : i32
        %lt3A_176 = arith.constant 0 : i32
        %lt3A_177 = arith.cmpi slt, %select_n3A_170, %lt3A_176 : i32
        %ne3A_178 = arith.xori %lt3A_175, %lt3A_177 : i1
        %and3A_179 = arith.andi %ne3A_178, %ne3A_173 : i1
        %add3A_180 = arith.addi %rem3A_171, %select_n3A_170 : i32
        %select_n3A_181 = arith.select %and3A_179, %add3A_180, %rem3A_171 : i32
        %mul3A_182 = arith.constant 16 : i32
        %mul3A_183 = arith.muli %select_n3A_181, %mul3A_182 : i32
        %swap3A = arith.index_cast %select_n3A_165 : i32 to index
        %swap3A_184 = arith.index_cast %mul3A_183 : i32 to index
        %swap3A_185 = tpu.vector_load %arg12[%swap3A, %swap3A_184] {strides = array<i32>} : memref<60x128xf32, #tpu.memory_space<vmem>>, vector<1x16xf32>,
        %swap3A_186 = vector.shape_cast %swap3A_185 : vector<1x16xf32> to vector<16xf32>
        %swap3A_187 = vector.shape_cast %get3A_141 : vector<16xf32> to vector<1x16xf32>
        tpu.vector_store %arg12[%swap3A, %swap3A_184], %swap3A_187 {strides = array<i32>} : memref<60x128xf32, #tpu.memory_space<vmem>>, vector<1x16xf32>,
        %scan3A_188 = arith.constant 0 : i32
        scf.yield %scan3A_188 : i32
      }
      %scan3A_74 = arith.constant 448 : i32
      %mul3A_75 = arith.constant 3136 : i32
      %mul3A_76 = arith.muli %arg1, %mul3A_75 : i32
      %mul3A_77 = arith.constant 224 : i32
      %mul3A_78 = arith.muli %scan3A_62, %mul3A_77 : i32
      %add3A_79 = arith.addi %mul3A_76, %mul3A_78 : i32
      %jit3A = arith.constant 4 : i32
      %div3A = arith.divsi %add3A_79, %jit3A : i32
      %sign3A = arith.constant 0 : i32
      %sign3A_80 = arith.cmpi sgt, %add3A_79, %sign3A : i32
      %sign3A_81 = arith.extui %sign3A_80 : i1 to i32
      %sign3A_82 = arith.constant 0 : i32
      %sign3A_83 = arith.cmpi slt, %add3A_79, %sign3A_82 : i32
      %sign3A_84 = arith.extui %sign3A_83 : i1 to i32
      %sign3A_85 = arith.subi %sign3A_81, %sign3A_84 : i32
      %sign3A_86 = arith.constant 0 : i32
      %sign3A_87 = arith.cmpi sgt, %jit3A, %sign3A_86 : i32
      %sign3A_88 = arith.extui %sign3A_87 : i1 to i32
      %sign3A_89 = arith.constant 0 : i32
      %sign3A_90 = arith.cmpi slt, %jit3A, %sign3A_89 : i32
      %sign3A_91 = arith.extui %sign3A_90 : i1 to i32
      %sign3A_92 = arith.subi %sign3A_88, %sign3A_91 : i32
      %ne3A = arith.cmpi ne, %sign3A_85, %sign3A_92 : i32
      %rem3A = arith.remsi %add3A_79, %jit3A : i32
      %ne3A_93 = arith.constant 0 : i32
      %ne3A_94 = arith.cmpi ne, %rem3A, %ne3A_93 : i32
      %and3A = arith.andi %ne3A, %ne3A_94 : i1
      %sub3A = arith.constant 1 : i32
      %sub3A_95 = arith.subi %div3A, %sub3A : i32
      %select_n3A = arith.select %and3A, %sub3A_95, %div3A : i32
      "tpu.region"() ({
        %run_scoped3A = tpu.sem_alloc : memref<!tpu.dma_semaphore, #tpu.memory_space<semaphore_mem>>
        %dma_start3A = arith.constant 0 : i32
        %dma_start3A_97 = arith.constant 0 : i32
        %dma_start3A_98 = tpu.memref_slice %arg12[%dma_start3A, %dma_start3A_97] : memref<60x128xf32, #tpu.memory_space<vmem>> -> memref<56x128xf32, #tpu.memory_space<vmem>>
        %dma_start3A_99 = arith.constant 0 : i32
        %dma_start3A_100 = tpu.memref_slice %arg7[%arg0, %select_n3A, %dma_start3A_99] : memref<2x12544x128xf32, #tpu.memory_space<hbm>> -> memref<1x56x128xf32, #tpu.memory_space<hbm>>
        %dma_start3A_101 = tpu.memref_squeeze %dma_start3A_100 : memref<1x56x128xf32, #tpu.memory_space<hbm>> -> memref<56x128xf32, #tpu.memory_space<hbm>>
        %dma_start3A_102 = arith.constant 0 : i32
        %dma_start3A_103 = tpu.memref_slice %arg7[%arg0, %select_n3A, %dma_start3A_102] : memref<2x12544x128xf32, #tpu.memory_space<hbm>> -> memref<1x56x128xf32, #tpu.memory_space<hbm>>
        %dma_start3A_104 = tpu.memref_squeeze %dma_start3A_103 : memref<1x56x128xf32, #tpu.memory_space<hbm>> -> memref<56x128xf32, #tpu.memory_space<hbm>>
        %dma_start3A_105 = arith.constant 0 : i32
        %dma_start3A_106 = arith.constant 0 : i32
        %dma_start3A_107 = tpu.memref_slice %arg12[%dma_start3A_105, %dma_start3A_106] : memref<60x128xf32, #tpu.memory_space<vmem>> -> memref<56x128xf32, #tpu.memory_space<vmem>>
        tpu.enqueue_dma source(%dma_start3A_107 : memref<56x128xf32, #tpu.memory_space<vmem>>) target(%dma_start3A_104 : memref<56x128xf32, #tpu.memory_space<hbm>>) target_semaphore(%run_scoped3A : memref<!tpu.dma_semaphore, #tpu.memory_space<semaphore_mem>>)
        %dma_wait3A_108 = arith.constant 0 : i32
        %dma_wait3A_109 = arith.constant 0 : i32
        %dma_wait3A_110 = tpu.memref_slice %arg12[%dma_wait3A_108, %dma_wait3A_109] : memref<60x128xf32, #tpu.memory_space<vmem>> -> memref<56x128xf32, #tpu.memory_space<vmem>>
        %dma_wait3A_111 = arith.constant 0 : i32
        %dma_wait3A_112 = tpu.memref_slice %arg7[%arg0, %select_n3A, %dma_wait3A_111] : memref<2x12544x128xf32, #tpu.memory_space<hbm>> -> memref<1x56x128xf32, #tpu.memory_space<hbm>>
        %dma_wait3A_113 = tpu.memref_squeeze %dma_wait3A_112 : memref<1x56x128xf32, #tpu.memory_space<hbm>> -> memref<56x128xf32, #tpu.memory_space<hbm>>
        %dma_wait3A_114 = arith.constant 0 : i32
        %dma_wait3A_115 = tpu.memref_slice %arg7[%arg0, %select_n3A, %dma_wait3A_114] : memref<2x12544x128xf32, #tpu.memory_space<hbm>> -> memref<1x56x128xf32, #tpu.memory_space<hbm>>
        %dma_wait3A_116 = tpu.memref_squeeze %dma_wait3A_115 : memref<1x56x128xf32, #tpu.memory_space<hbm>> -> memref<56x128xf32, #tpu.memory_space<hbm>>
        %dma_wait3A_117 = arith.constant 0 : i32
        %dma_wait3A_118 = arith.constant 0 : i32
        %dma_wait3A_119 = tpu.memref_slice %arg12[%dma_wait3A_117, %dma_wait3A_118] : memref<60x128xf32, #tpu.memory_space<vmem>> -> memref<56x128xf32, #tpu.memory_space<vmem>>
        tpu.wait_dma2 semaphore(%run_scoped3A : memref<!tpu.dma_semaphore, #tpu.memory_space<semaphore_mem>>) src(%dma_wait3A_119 : memref<56x128xf32, #tpu.memory_space<vmem>>) dst(%dma_wait3A_116 : memref<56x128xf32, #tpu.memory_space<hbm>>)
        tpu.yield
      }) : () -> ()
      %scan3A_96 = arith.constant 0 : i32
      scf.yield %scan3A_96 : i32
    }
    %scan3A_61 = arith.constant 14 : i32
    return
  }
}

module attributes {stable_mosaic.version = 14 : i64} {
  func.func @_mlp_body(%arg0: i32, %arg1: memref<3200x128xf32, #tpu.memory_space<vmem>>, %arg2: memref<64x3200xf32, #tpu.memory_space<vmem>>, %arg3: memref<128x64xf32, #tpu.memory_space<vmem>>, %arg4: memref<1x64xf32, #tpu.memory_space<vmem>>, %arg5: memref<64x64xf32, #tpu.memory_space<vmem>>, %arg6: memref<1x64xf32, #tpu.memory_space<vmem>>, %arg7: memref<2x800x128xf32, #tpu.memory_space<vmem>>, %arg8: memref<2x800x128xf32, #tpu.memory_space<vmem>>) attributes {dimension_semantics = [#tpu.dimension_semantics<arbitrary>], iteration_bounds = array<i64: 250>, scalar_prefetch = 0 : i64, scratch_operands = 0 : i64, tpu.core_type = #tpu.core_type<tc>, window_params = [{transform_indices = @transform_0, window_bounds = array<i64: 3200, 128>}, {transform_indices = @transform_1, window_bounds = array<i64: 64, 3200>}, {pipeline_mode = #tpu.pipeline_mode<synchronous>, transform_indices = @transform_2, window_bounds = array<i64: 128, 64>}, {pipeline_mode = #tpu.pipeline_mode<synchronous>, transform_indices = @transform_3, window_bounds = array<i64: 1, 64>}, {pipeline_mode = #tpu.pipeline_mode<synchronous>, transform_indices = @transform_4, window_bounds = array<i64: 64, 64>}, {pipeline_mode = #tpu.pipeline_mode<synchronous>, transform_indices = @transform_5, window_bounds = array<i64: 1, 64>}, {transform_indices = @transform_6, window_bounds = array<i64: 2, 800, 128>}, {transform_indices = @transform_7, window_bounds = array<i64: 2, 800, 128>}]} {
    %get3A = arith.constant 0 : index
    %get3A_0 = arith.constant 0 : index
    %get3A_1 = vector.load %arg1[%get3A, %get3A_0] : memref<3200x128xf32, #tpu.memory_space<vmem>>, vector<3200x128xf32>
    %get3A_2 = arith.constant 0 : index
    %get3A_3 = arith.constant 0 : index
    %get3A_4 = vector.load %arg3[%get3A_2, %get3A_3] : memref<128x64xf32, #tpu.memory_space<vmem>>, vector<128x64xf32>
    %dot_general3A = arith.constant dense<0.000000e+00> : vector<3200x64xf32>
    %dot_general3A_5 = tpu.matmul %get3A_1, %get3A_4, %dot_general3A {dimension_numbers = #tpu.dot_dimension_numbers<[1], [0], [0], [1], [0, 0, 1, 1], [], []>, transpose_lhs_hint = false} : vector<3200x128xf32>, vector<128x64xf32>, vector<3200x64xf32> -> vector<3200x64xf32>
    %get3A_6 = arith.constant 0 : index
    %get3A_7 = arith.constant 0 : index
    %get3A_8 = vector.load %arg4[%get3A_6, %get3A_7] : memref<1x64xf32, #tpu.memory_space<vmem>>, vector<1x64xf32>
    %add3A = vector.broadcast %get3A_8 : vector<1x64xf32> to vector<3200x64xf32>
    %add3A_9 = arith.addf %dot_general3A_5, %add3A : vector<3200x64xf32>
    %mul3A = arith.constant 5.000000e-01 : f32
    %mul3A_10 = vector.broadcast %mul3A : f32 to vector<3200x64xf32>
    %mul3A_11 = arith.mulf %mul3A_10, %add3A_9 : vector<3200x64xf32>
    %max3A = arith.constant 0.000000e+00 : f32
    %max3A_12 = vector.broadcast %max3A : f32 to vector<3200x64xf32>
    %max3A_13 = arith.maximumf %mul3A_11, %max3A_12 : vector<3200x64xf32>
    %abs3A = math.absf %mul3A_11 : vector<3200x64xf32>
    %neg3A = arith.constant 0.000000e+00 : f32
    %neg3A_14 = vector.broadcast %neg3A : f32 to vector<3200x64xf32>
    %neg3A_15 = arith.subf %neg3A_14, %abs3A : vector<3200x64xf32>
    %exp3A = math.exp %neg3A_15 : vector<3200x64xf32>
    %log1p3A = math.log1p %exp3A : vector<3200x64xf32>
    %add3A_16 = arith.addf %max3A_13, %log1p3A : vector<3200x64xf32>
    %mul3A_17 = arith.constant 2.000000e+00 : f32
    %mul3A_18 = vector.broadcast %mul3A_17 : f32 to vector<3200x64xf32>
    %mul3A_19 = arith.mulf %mul3A_18, %add3A_16 : vector<3200x64xf32>
    %gt3A = arith.constant 1.400000e+01 : f32
    %gt3A_20 = vector.broadcast %gt3A : f32 to vector<3200x64xf32>
    %gt3A_21 = arith.cmpf ogt, %mul3A_11, %gt3A_20 : vector<3200x64xf32>
    %select_n3A = arith.select %gt3A_21, %add3A_9, %mul3A_19 : vector<3200x64xi1>, vector<3200x64xf32>
    %get3A_22 = arith.constant 0 : index
    %get3A_23 = arith.constant 0 : index
    %get3A_24 = vector.load %arg5[%get3A_22, %get3A_23] : memref<64x64xf32, #tpu.memory_space<vmem>>, vector<64x64xf32>
    %dot_general3A_25 = arith.constant dense<0.000000e+00> : vector<3200x64xf32>
    %dot_general3A_26 = tpu.matmul %select_n3A, %get3A_24, %dot_general3A_25 {dimension_numbers = #tpu.dot_dimension_numbers<[1], [0], [0], [1], [0, 0, 1, 1], [], []>, transpose_lhs_hint = false} : vector<3200x64xf32>, vector<64x64xf32>, vector<3200x64xf32> -> vector<3200x64xf32>
    %get3A_27 = arith.constant 0 : index
    %get3A_28 = arith.constant 0 : index
    %get3A_29 = vector.load %arg6[%get3A_27, %get3A_28] : memref<1x64xf32, #tpu.memory_space<vmem>>, vector<1x64xf32>
    %add3A_30 = vector.broadcast %get3A_29 : vector<1x64xf32> to vector<3200x64xf32>
    %add3A_31 = arith.addf %dot_general3A_26, %add3A_30 : vector<3200x64xf32>
    %slice3A = vector.extract_strided_slice %add3A_31 {offsets = [0, 0], sizes = [800, 32], strides = [1, 1]} : vector<3200x64xf32> to vector<800x32xf32>
    %slice3A_32 = vector.extract_strided_slice %add3A_31 {offsets = [800, 0], sizes = [800, 32], strides = [1, 1]} : vector<3200x64xf32> to vector<800x32xf32>
    %slice3A_33 = vector.extract_strided_slice %add3A_31 {offsets = [1600, 0], sizes = [800, 32], strides = [1, 1]} : vector<3200x64xf32> to vector<800x32xf32>
    %slice3A_34 = vector.extract_strided_slice %add3A_31 {offsets = [2400, 0], sizes = [800, 32], strides = [1, 1]} : vector<3200x64xf32> to vector<800x32xf32>
    %concatenate3A = tpu.concatenate %slice3A, %slice3A_32, %slice3A_33, %slice3A_34 in 1 : vector<800x32xf32>, vector<800x32xf32>, vector<800x32xf32>, vector<800x32xf32> -> vector<800x128xf32>
    %swap3A = arith.constant 0 : index
    %swap3A_35 = arith.constant 0 : index
    %swap3A_36 = arith.constant 0 : index
    %swap3A_37 = vector.load %arg7[%swap3A, %swap3A_35, %swap3A_36] : memref<2x800x128xf32, #tpu.memory_space<vmem>>, vector<1x800x128xf32>
    %swap3A_38 = vector.shape_cast %swap3A_37 : vector<1x800x128xf32> to vector<800x128xf32>
    %swap3A_39 = vector.shape_cast %concatenate3A : vector<800x128xf32> to vector<1x800x128xf32>
    tpu.vector_store %arg7[%swap3A, %swap3A_35, %swap3A_36], %swap3A_39 {strides = array<i32>} : memref<2x800x128xf32, #tpu.memory_space<vmem>>, vector<1x800x128xf32>,
    %slice3A_40 = vector.extract_strided_slice %add3A_31 {offsets = [0, 32], sizes = [800, 32], strides = [1, 1]} : vector<3200x64xf32> to vector<800x32xf32>
    %slice3A_41 = vector.extract_strided_slice %add3A_31 {offsets = [800, 32], sizes = [800, 32], strides = [1, 1]} : vector<3200x64xf32> to vector<800x32xf32>
    %slice3A_42 = vector.extract_strided_slice %add3A_31 {offsets = [1600, 32], sizes = [800, 32], strides = [1, 1]} : vector<3200x64xf32> to vector<800x32xf32>
    %slice3A_43 = vector.extract_strided_slice %add3A_31 {offsets = [2400, 32], sizes = [800, 32], strides = [1, 1]} : vector<3200x64xf32> to vector<800x32xf32>
    %concatenate3A_44 = tpu.concatenate %slice3A_40, %slice3A_41, %slice3A_42, %slice3A_43 in 1 : vector<800x32xf32>, vector<800x32xf32>, vector<800x32xf32>, vector<800x32xf32> -> vector<800x128xf32>
    %swap3A_45 = arith.constant 1 : index
    %swap3A_46 = arith.constant 0 : index
    %swap3A_47 = arith.constant 0 : index
    %swap3A_48 = vector.load %arg7[%swap3A_45, %swap3A_46, %swap3A_47] : memref<2x800x128xf32, #tpu.memory_space<vmem>>, vector<1x800x128xf32>
    %swap3A_49 = vector.shape_cast %swap3A_48 : vector<1x800x128xf32> to vector<800x128xf32>
    %swap3A_50 = vector.shape_cast %concatenate3A_44 : vector<800x128xf32> to vector<1x800x128xf32>
    tpu.vector_store %arg7[%swap3A_45, %swap3A_46, %swap3A_47], %swap3A_50 {strides = array<i32>} : memref<2x800x128xf32, #tpu.memory_space<vmem>>, vector<1x800x128xf32>,
    %get3A_51 = arith.constant 0 : index
    %get3A_52 = arith.constant 0 : index
    %get3A_53 = vector.load %arg2[%get3A_51, %get3A_52] : memref<64x3200xf32, #tpu.memory_space<vmem>>, vector<64x3200xf32>
    %transpose3A = tpu.transpose %get3A_53, [1, 0] : vector<64x3200xf32> -> vector<3200x64xf32>
    %slice3A_54 = vector.extract_strided_slice %transpose3A {offsets = [0, 0], sizes = [800, 32], strides = [1, 1]} : vector<3200x64xf32> to vector<800x32xf32>
    %slice3A_55 = vector.extract_strided_slice %transpose3A {offsets = [800, 0], sizes = [800, 32], strides = [1, 1]} : vector<3200x64xf32> to vector<800x32xf32>
    %slice3A_56 = vector.extract_strided_slice %transpose3A {offsets = [1600, 0], sizes = [800, 32], strides = [1, 1]} : vector<3200x64xf32> to vector<800x32xf32>
    %slice3A_57 = vector.extract_strided_slice %transpose3A {offsets = [2400, 0], sizes = [800, 32], strides = [1, 1]} : vector<3200x64xf32> to vector<800x32xf32>
    %concatenate3A_58 = tpu.concatenate %slice3A_54, %slice3A_55, %slice3A_56, %slice3A_57 in 1 : vector<800x32xf32>, vector<800x32xf32>, vector<800x32xf32>, vector<800x32xf32> -> vector<800x128xf32>
    %swap3A_59 = arith.constant 0 : index
    %swap3A_60 = arith.constant 0 : index
    %swap3A_61 = arith.constant 0 : index
    %swap3A_62 = vector.load %arg8[%swap3A_59, %swap3A_60, %swap3A_61] : memref<2x800x128xf32, #tpu.memory_space<vmem>>, vector<1x800x128xf32>
    %swap3A_63 = vector.shape_cast %swap3A_62 : vector<1x800x128xf32> to vector<800x128xf32>
    %swap3A_64 = vector.shape_cast %concatenate3A_58 : vector<800x128xf32> to vector<1x800x128xf32>
    tpu.vector_store %arg8[%swap3A_59, %swap3A_60, %swap3A_61], %swap3A_64 {strides = array<i32>} : memref<2x800x128xf32, #tpu.memory_space<vmem>>, vector<1x800x128xf32>,
    %slice3A_65 = vector.extract_strided_slice %transpose3A {offsets = [0, 32], sizes = [800, 32], strides = [1, 1]} : vector<3200x64xf32> to vector<800x32xf32>
    %slice3A_66 = vector.extract_strided_slice %transpose3A {offsets = [800, 32], sizes = [800, 32], strides = [1, 1]} : vector<3200x64xf32> to vector<800x32xf32>
    %slice3A_67 = vector.extract_strided_slice %transpose3A {offsets = [1600, 32], sizes = [800, 32], strides = [1, 1]} : vector<3200x64xf32> to vector<800x32xf32>
    %slice3A_68 = vector.extract_strided_slice %transpose3A {offsets = [2400, 32], sizes = [800, 32], strides = [1, 1]} : vector<3200x64xf32> to vector<800x32xf32>
    %concatenate3A_69 = tpu.concatenate %slice3A_65, %slice3A_66, %slice3A_67, %slice3A_68 in 1 : vector<800x32xf32>, vector<800x32xf32>, vector<800x32xf32>, vector<800x32xf32> -> vector<800x128xf32>
    %swap3A_70 = arith.constant 1 : index
    %swap3A_71 = arith.constant 0 : index
    %swap3A_72 = arith.constant 0 : index
    %swap3A_73 = vector.load %arg8[%swap3A_70, %swap3A_71, %swap3A_72] : memref<2x800x128xf32, #tpu.memory_space<vmem>>, vector<1x800x128xf32>
    %swap3A_74 = vector.shape_cast %swap3A_73 : vector<1x800x128xf32> to vector<800x128xf32>
    %swap3A_75 = vector.shape_cast %concatenate3A_69 : vector<800x128xf32> to vector<1x800x128xf32>
    tpu.vector_store %arg8[%swap3A_70, %swap3A_71, %swap3A_72], %swap3A_75 {strides = array<i32>} : memref<2x800x128xf32, #tpu.memory_space<vmem>>, vector<1x800x128xf32>,
    return
  }
  func.func @transform_0(%arg0: i32) -> (i32, i32) {
    %c0_i32 = arith.constant 0 : i32
    %c0_i32_0 = arith.constant 0 : i32
    return %arg0, %c0_i32 : i32, i32
  }
  func.func @transform_1(%arg0: i32) -> (i32, i32) {
    %c0_i32 = arith.constant 0 : i32
    %c0_i32_0 = arith.constant 0 : i32
    return %c0_i32, %arg0 : i32, i32
  }
  func.func @transform_2(%arg0: i32) -> (i32, i32) {
    %c0_i32 = arith.constant 0 : i32
    %c0_i32_0 = arith.constant 0 : i32
    %c0_i32_1 = arith.constant 0 : i32
    return %c0_i32, %c0_i32_0 : i32, i32
  }
  func.func @transform_3(%arg0: i32) -> (i32, i32) {
    %c0_i32 = arith.constant 0 : i32
    %c0_i32_0 = arith.constant 0 : i32
    %c0_i32_1 = arith.constant 0 : i32
    return %c0_i32, %c0_i32_0 : i32, i32
  }
  func.func @transform_4(%arg0: i32) -> (i32, i32) {
    %c0_i32 = arith.constant 0 : i32
    %c0_i32_0 = arith.constant 0 : i32
    %c0_i32_1 = arith.constant 0 : i32
    return %c0_i32, %c0_i32_0 : i32, i32
  }
  func.func @transform_5(%arg0: i32) -> (i32, i32) {
    %c0_i32 = arith.constant 0 : i32
    %c0_i32_0 = arith.constant 0 : i32
    %c0_i32_1 = arith.constant 0 : i32
    return %c0_i32, %c0_i32_0 : i32, i32
  }
  func.func @transform_6(%arg0: i32) -> (i32, i32, i32) {
    %c0_i32 = arith.constant 0 : i32
    %c0_i32_0 = arith.constant 0 : i32
    %c0_i32_1 = arith.constant 0 : i32
    return %c0_i32, %arg0, %c0_i32_0 : i32, i32, i32
  }
  func.func @transform_7(%arg0: i32) -> (i32, i32, i32) {
    %c0_i32 = arith.constant 0 : i32
    %c0_i32_0 = arith.constant 0 : i32
    %c0_i32_1 = arith.constant 0 : i32
    return %c0_i32, %arg0, %c0_i32_0 : i32, i32, i32
  }
}

</mosaic_0001>

<sc_bundles>
// kernel: gather_offload_async_start.1
scs
__scs_entry_jumppad:
0x0: {  	(pc) =	sbr.rel $0x88, $3  }
0x1: {  	(tag) =	ssettag $0x0;
	lr =	simm.s32 $0x1  }
0x2: {  	[smem:$0x3F99] =	sst lr;
	_ =	strace $0xD0000000  }
0x3: {  	_ = 	snop  }
0x4: {  	_ = 	snop  }
0x5: {  	_ = 	snop  }
0x6: {  	_ = 	snop  }
0x7: {  	_ = 	snop  }
__scs_overlays_trampoline_lowered:
0x8: {  	[smem:$0x3FA8] =	sst s0  }
0x9: {  	[smem:$0x3FA9] =	sst s1  }
0xa: {  	[smem:$0x3FAA] =	sst s2  }
0xb: {  	[smem:$0x3FAB] =	sst s3  }
0xc: {  	[smem:$0x3FAC] =	sst s4  }
0xd: {  	[smem:$0x3FAD] =	sst s5  }
0xe: {  	[smem:$0x3FAE] =	sst s6  }
0xf: {  	[smem:$0x3FAF] =	sst s7  }
0x10: {  	[smem:$0x3FB0] =	sst s8  }
0x11: {  	[smem:$0x3FB1] =	sst s9;
	s0 =	simm.s32 @!p0 $0x0  }
0x12: {  	s1 =	sld [smem:$0x3F97];
	s0 =	simm.s32 @p0 $0x1  }
0x13: {  	[smem:$0x3FB2] =	sst s0;
	s0 =	simm.s32 @!p1 $0x0  }
0x14: {  	s2 =	sld [smem:$0x3F96];
	s0 =	simm.s32 @p1 $0x1  }
0x15: {  	[smem:$0x3FB3] =	sst s0;
	s0 =	simm.s32 @!p2 $0x0  }
0x16: {  	s3 =	sld [smem:$0x3FDB];
	s0 =	simm.s32 @p2 $0x1  }
0x17: {  	s4 =	simm.s32 $0x1BF5;
	[smem:$0x3FB5] =	sst s0  }
0x18: {  	s0 =	sld [smem:$0x3F98];
	_ =	swait.ge [sflag:s4], $0x0  }
0x19: {  	s7 =	sld [smem:$0x3F99]  }
0x1a: {  	s8 =	sadd.s32 $0xFFFFE003, lr  }
0x1b: {  	s9 =	sadd.s32 $0xFFFFFEF7, lr;
	s5 =	simm.s32 $0xFFFFFFFF;
	p2 =	slt.u32 s8, $0xFFFFF086  }
0x1c: {  	p1 =	slt.u32 s9, $0xF7A;
	s5 =	simm.s32 @!p2 $0x0  }
0x1d: {  	s5 =	simm.s32 @p1 $0x1;
	p0 =	seq.s32 s7, s2  }
0x1e: {  	s7 =	smul.u32 @!p0 $0xF7A, s2;
	p2 =	seq.s32 @!p0 s5, $0x0  }
0x1f: {  	s9 =	smul.u32 $0xF7A, s1;
	s8 =	simm.s32 @!p0 $0x1BF5;
	p2 =	por !p2, p0  }
0x20: {  	[sflag:s8] =	ssyncset.s32 @!p0 $0xFFFFF086;
	s6 =	sadd.s32 @!p0 s3, s7;
	s7 =	simm.s32 @!p0 $0x108  }
0x21: {  	s3 =	sadd.s32 s3, s9;
	s6 =	sadd.s32 @!p0 $0x88, s6;
	s7 =	simm.s32 @p2 $0x1082  }
0x22: {  	[simem:s7], [sflag:s8] =	dma.local @!p0 [hbm:s6], $0xF7A  }
0x23: {  	s9 =	sor.u32 $0xD0000000, s2;
	s6 =	simm.s32 $0x108;
	_ =	swait.ge @!p0 [sflag:s8], $0x0  }
0x24: {  	s3 =	sadd.s32 $0x88, s3;
	s6 =	simm.s32 @!p1 $0x1082;
	[sflag:s4] =	ssyncset.s32 $0xFFFFF086  }
0x25: {  	[simem:s6], [sflag:s4] =	dma.local [hbm:s3], $0xF7A  }
0x26: {  	[smem:$0x3F99] =	sst s1;
	(tag) =	ssettag s2;
	_ =	strace s9  }
0x27: {  	s1 =	sld [smem:$0x3FA9]  }
0x28: {  	s2 =	sld [smem:$0x3FAA]  }
0x29: {  	s4 =	sld [smem:$0x3FAC]  }
0x2a: {  	p0 =	seq.s32 s5, $0x0;
	s5 =	sld [smem:$0x3FAD]  }
0x2b: {  	s6 =	sld [smem:$0x3FAE]  }
0x2c: {  	s7 =	sld [smem:$0x3FAF]  }
0x2d: {  	s3 =	simm.s32 $0x108;
	s8 =	sld [smem:$0x3FB0]  }
0x2e: {  	s3 =	simm.s32 @!p0 $0x1082;
	s9 =	sld [smem:$0x3FB1]  }
0x2f: {  	lr =	sadd.s32 s0, s3;
	s0 =	sld [smem:$0x3FA8]  }
0x30: {  	s3 =	sld [smem:$0x3FAB]  }
0x31: {  	[smem:$0x3FB4] =	sst s10  }
0x32: {  	s10 =	sld [smem:$0x3FB2];
	_ =	sdelay $0x3  }
0x33: {  	p0 =	seq.s32 s10, $0x1;
	s10 =	sld [smem:$0x3FB4];
	_ =	sdelay $0x3  }
0x34: {  	[smem:$0x3FB4] =	sst s10  }
0x35: {  	s10 =	sld [smem:$0x3FB3];
	_ =	sdelay $0x3  }
0x36: {  	p1 =	seq.s32 s10, $0x1;
	s10 =	sld [smem:$0x3FB4];
	_ =	sdelay $0x3  }
0x37: {  	[smem:$0x3FB4] =	sst s10  }
0x38: {  	s10 =	sld [smem:$0x3FB5]  }
0x39: {  	_ = 	snop;
	(pc) =	sbr.ind lr, $3  }
0x3a: {  	_ = 	snop  }
0x3b: {  	_ = 	snop  }
0x3c: {  	p2 =	seq.s32 s10, $0x1;
	s10 =	sld [smem:$0x3FB4]  }
0x3d: {  	_ =	shalt  }
0x3e: {  	_ =	shalt  }
0x3f: {  	_ =	shalt  }
0x40: {  	_ =	shalt  }
0x41: {  	_ =	shalt  }
0x42: {  	_ =	shalt  }
0x43: {  	_ =	shalt  }
0x44: {  	_ =	shalt  }
0x45: {  	_ =	shalt  }
0x46: {  	_ =	shalt  }
0x47: {  	_ =	shalt  }
0x48: {  	_ =	shalt  }
0x49: {  	_ =	shalt  }
0x4a: {  	_ =	shalt  }
0x4b: {  	_ =	shalt  }
0x4c: {  	_ =	shalt  }
0x4d: {  	_ =	shalt  }
0x4e: {  	_ =	shalt  }
0x4f: {  	_ =	shalt  }
0x50: {  	_ =	shalt  }
0x51: {  	_ =	shalt  }
0x52: {  	_ =	shalt  }
0x53: {  	_ =	shalt  }
0x54: {  	_ =	shalt  }
0x55: {  	_ =	shalt  }
0x56: {  	_ =	shalt  }
0x57: {  	_ =	shalt  }
0x58: {  	_ =	shalt  }
0x59: {  	_ =	shalt  }
0x5a: {  	_ =	shalt  }
0x5b: {  	_ =	shalt  }
0x5c: {  	_ =	shalt  }
0x5d: {  	_ =	shalt  }
0x5e: {  	_ =	shalt  }
0x5f: {  	_ =	shalt  }
0x60: {  	_ =	shalt  }
0x61: {  	_ =	shalt  }
0x62: {  	_ =	shalt  }
0x63: {  	_ =	shalt  }
0x64: {  	_ =	shalt  }
0x65: {  	_ =	shalt  }
0x66: {  	_ =	shalt  }
0x67: {  	_ =	shalt  }
0x68: {  	_ =	shalt  }
0x69: {  	_ =	shalt  }
0x6a: {  	_ =	shalt  }
0x6b: {  	_ =	shalt  }
0x6c: {  	_ =	shalt  }
0x6d: {  	_ =	shalt  }
0x6e: {  	_ =	shalt  }
0x6f: {  	_ =	shalt  }
0x70: {  	_ =	shalt  }
0x71: {  	_ =	shalt  }
0x72: {  	_ =	shalt  }
0x73: {  	_ =	shalt  }
0x74: {  	_ =	shalt  }
0x75: {  	_ =	shalt  }
0x76: {  	_ =	shalt  }
0x77: {  	_ =	shalt  }
0x78: {  	_ =	shalt  }
0x79: {  	_ =	shalt  }
0x7a: {  	_ =	shalt  }
0x7b: {  	_ =	shalt  }
0x7c: {  	_ =	shalt  }
0x7d: {  	_ =	shalt  }
0x7e: {  	_ =	shalt  }
0x7f: {  	_ =	shalt  }
0x80: {  	_ =	shalt  }
0x81: {  	_ =	shalt  }
0x82: {  	_ =	shalt  }
0x83: {  	_ =	shalt  }
0x84: {  	_ =	shalt  }
0x85: {  	_ =	shalt  }
0x86: {  	_ =	shalt  }
0x87: {  	_ =	shalt  }
.Lfunc_end0:
.L_simem_size_0:
called_computation.1_lowered:
.L_overlay_start_0:
0x88: {  	s2 =	sld [smem:$0x3FD9]  }
0x89: {  	s3 =	sld [smem:$0x3FFE];
	_ =	sdelay $0x1  }
0x8a: {  	s1 =	srdreg.scid  }
0x8b: {  	s0 =	sand.u32 $0x1, s1  }
0x8c: {  	s16 =	sshll.u32 s0, $0xA;
	s2 =	sadd.s32 s3, s2  }
0x8d: {  	s2 =	sadd.s32 s2, s16  }
0x8e: {  	[smem:$0x3FC0] =	sst s2  }
0x8f: {  	_ = 	snop  }
0x90: {  	(tm) =	ssettm $0x1  }
0x91: {  	s17 =	sld [smem:$0x3FFB];
	_ =	sdelay $0x3  }
0x92: {  	_ =	strace s17  }
0x93: {  	s2 =	sld [smem:$0x3FFC];
	_ =	sdelay $0x3  }
0x94: {  	_ =	strace s2  }
0x95: {  	s2 =	sld [smem:$0x3FFD];
	_ =	sdelay $0x3  }
0x96: {  	_ =	strace s2  }
0x97: {  	_ =	strace $0x8FFFFFFF  }
0x98: {  	s18 =	sld [smem:$0x3FDB];
	_ =	sdelay $0x1  }
0x99: {  	s19 =	simm.s32 $_scs_section_size  }
0x9a: {  	s4 =	simm.s32 $_size__tile_overlayer_lowered;
	s5 =	simm.s32 $_tile_overlayer_lowered  }
0x9b: {  	s22 =	simm.s32 $0x1BFF;
	s21 =	sshll.u32 s5, $0x1;
	s2 =	sadd.s32 s19, s18  }
0x9c: {  	s6 =	simm.s32 $0x0;
	s20 =	sshll.u32 s4, $0x1;
	s4 =	sadd.s32 s21, s2  }
0x9d: {  	[timem:s6], [sflag:s22] =	dma.local [hbm:s4], s20  }
0x9e: {  	_ =	swait.ge [sflag:s22], s20  }
0x9f: {  	s3 =	ssub.s32 $0x0, s20;
	[sflag:s22] =	ssyncset.done $0x0  }
0xa0: {  	[sflag:s22] =	ssyncadd.s32 s3;
	_ =	sdelay $0x1  }
0xa1: {  	s23 =	simm.s32 $0x1B8B  }
0xa2: {  	_ =	swait.ge [sflag:s23], $0x1  }
0xa3: {  	[sflag:s23] =	ssyncset.done $0x0  }
0xa4: {  	s25 =	simm.s32 $0x1B8E;
	s24 =	sld [smem:$0x3FFE];
	[sflag:s23] =	ssyncadd.s32 $0xFFFFFFFF  }
0xa5: {  	s26 =	simm.s32 $execute0_lowered;
	[smem:$0x3FD2] =	sst s25  }
0xa6: {  	s4 =	sshll.u32 s26, $0x1;
	_ =	strace $0x80000046;
	[dreg:$0x1] =	wrdreg $0xFFFFFFFF  }
0xa7: {  	s28 =	simm.s32 $_size_execute0_lowered;
	s2 =	sadd.s32 s2, s4;
	[dreg:$0x0] =	wrdreg $0x0  }
0xa8: {  	s4 =	sshll.u32 s28, $0x1;
	[dreg:$0x2] =	wrdreg s2  }
0xa9: {  	[dreg:$0x3] =	wrdreg s4  }
0xaa: {  	[dreg:$0x4] =	wrdreg $0xC0  }
0xab: {  	_ =	task [dreg:s6], $0x5FFFF  }
0xac: {  	[dreg:$0x1] =	wrdreg $0xFFFFFFFF  }
0xad: {  	[dreg:$0x0] =	wrdreg $0x60  }
0xae: {  	[dreg:$0x2] =	wrdreg s24  }
0xaf: {  	[dreg:$0x3] =	wrdreg $0xA  }
0xb0: {  	_ =	task.clear_ibuf [dreg:s6], $0x4FFFF;
	_ =	strace $0x90000046  }
0xb1: {  	s29 =	simm.s32 $0xA;
	_ =	strace $0x80000048  }
0xb2: {  	_ =	swait.ge [sflag:s29], $0x1  }
0xb3: {  	[sflag:s29] =	ssyncadd.s32 $0xFFFFFFFF  }
0xb4: {  	_ =	strace $0x90000048  }
0xb5: {  	_ =	sfence  }
0xb6: {  	s30 =	sld [smem:$0x0];
	_ =	sdelay $0x2  }
0xb7: {  	s31 =	sshll.u32 s1, $0xD;
	s1 =	sshrl.u32 s1, $0x2  }
0xb8: {  	s3 =	sand.u32 $0x4000, s31;
	s1 =	sadd.s32 s1, s30  }
0xb9: {  	s0 =	sor.u32 s3, s0;
	s1 =	sshll.u32 s1, $0x11  }
0xba: {  	s0 =	sor.u32 s1, s0  }
0xbb: {  	s0 =	sadd.s32 $0x8F2B, s0  }
0xbc: {  	[sflag:s0] =	ssyncadd.remote.s32 $0x1  }
0xbd: {  	_ =	sfence.sel $0xFFFF  }
0xbe: {  	[dreg:$0x0] =	wrdreg $0xFFFFFFFF;
	(pc) =	sbr.abs _section_cstart, $3  }
0xbf: {  	[dreg:$0x1] =	wrdreg $0xFFFFFFFF  }
0xc0: {  	_ =	task.clear_ibuf [dreg:s6], $0x2FFFF;
	_ =	strace $0x9FFFFFFF  }
0xc1: {  	(tm) =	ssettm $0x7FFFFFFF  }
tec
execute0_lowered:
.L_overlay_start_1:
0x0: {  	(tag) =	ssettag $0x1  }
0x1: {  	s8 =	rddreg [dreg:$0x0];
	s1 =	stileid.u32  }
0x2: {  	s2 =	srdreg.scid;
	s0 =	rddreg [dreg:$0x1]  }
0x3: {  	_ =	strace $0x80000047;
	s5 =	simm.s32 $0x1;
	s9 =	simm.s32 $0x1  }
0x4: {  	s10 =	simm.s32 $0x3;
	s2 =	sand.u32 $0x1, s2;
	s3 =	sshll.u32 s1, $0x1  }
0x5: {  	s13 =	simm.s32 $0x0;
	s12 =	simm.s32 $0x0;
	s6 =	sor.u32 s3, s2  }
0x6: {  	[sflag:s5] =	ssyncpa.u1 $0x0;
	s2 =	sadd.s32 $0x19A00, s8;
	s4 =	smul.u32 $0x4E20, s6  }
0x7: {  	s3 =	sadd.s32 $0x1200, s8;
	p0 =	slt.u32 s6, $0x9;
	s6 =	simm.s32 $0x9C400  }
.Ltmp0:
0x8: {  	s6 =	simm.s32 @!p0 $0x0;
	s7 =	ssub.s32 $0xC3500, s4;
	(pc) =	sbr.rel .LBB2_1-.Ltmp0, $4  }
0x9: {  	s9 =	simm.s32 @!p0 $0x0;
	p0 =	sne.s32 s7, s6;
	s7 =	simm.s32 $0x1  }
0xa: {  	s8 =	sadd.s32 $0xC7FA00, s8;
	s6 =	simm.s32 $0x2;
	s7 =	simm.s32 @!p0 $0x0  }
0xb: {  	s11 =	smov.u32 s4;
	[sflag:s6] =	ssyncpa.u1 $0x0;
	s7 =	sadd.s32 s9, s7  }
0xc: {  	vm0 =	vmmov $0xffff;
	[sflag:s10] =	ssyncpa.u1 $0x0;
	s10 =	simm.s32 $0x0;
	s9 =	sadd.s32 $0x1, s7  }
.LBB2_4:
0xd: {  	v2 =	vnsel vm1, $0x0, v2  }
0xe: {  	vm1 =	vgt.s32 v0, $0x0;
	v2 =	vmin.u32 v2, $0xC34FF  }
0xf: {  	v0 =	vnsel vm1, $0x0, v0  }
0x10: {  	v0 =	vmin.u32 v0, $0xC34FF  }
0x11: {  	[tilespmem:s18], [sflag:$0x1] =	stream.indirect_vreg.gather [hbm4b:s2+s10], $0x1, v1, vm0, $0x4038;
	[tilespmem:$0x13880] =	vst v63  }
0x12: {  	(ifvalue) =	ssetifvalue $0x7FFFFFFF  }
0x13: {  	[tilespmem:s15], [sflag:$0x1] =	stream.indirect_vreg.gather [hbm4b:s2+s10], $0x1, v2, vm0, $0x4038;
	[tilespmem:$0x13880] =	vst v63  }
0x14: {  	s29 =	sadd.s32 $0x10, s15;
	(ifvalue) =	ssetifvalue $0x7FFFFFFF  }
0x15: {  	[tilespmem:s29], [sflag:$0x1] =	stream.indirect_vreg.gather [hbm4b:s2+s10], $0x1, v0, vm0, $0x4038;
	[tilespmem:$0x13880] =	vst v63  }
0x16: {  	_ =	swait.ge [sflag:s5], $0x4E20  }
0x17: {  	s30 =	sshrl.u32 s13, $0x3;
	[sflag:s5] =	ssyncset.done $0x0  }
0x18: {  	s31 =	sand.u32 $0x7, s13;
	s15 =	sadd.s32 s8, s30;
	[sflag:s5] =	ssyncadd.s32 $0xFFFFB1E0  }
0x19: {  	[hbm4b:s15+s31] =	stream.linear.scatter [tilespmem:s14], [sflag:$0x3], $0x4E20, $0x38;
	[tilespmem:$0x13880] =	vst v63  }
.LBB2_5:
0x1a: {  	s15 =	sadd.s32 $0x9C400, s11  }
0x1b: {  	p1 =	sgt.s32 s15, $0xC34FF  }
0x1c: {  	s15 =	smov.u32 @p1 s4;
	p1 =	sne.s32 s12, s9  }
.Ltmp1:
0x1d: {  	p0 =	slt.u32 s12, $0x2;
	(pc) =	sbr.rel @!p1 .LBB2_6-.Ltmp1, $4  }
0x1e: {  	s14 =	simm.s32 @!p0 $0x3  }
0x1f: {  	_ =	swait.ge @!p0 [sflag:s14], $0x4E20  }
0x20: {  	s16 =	sadd.s32 $0x1, s12;
	s13 =	smov.u32 s11;
	[sflag:s14] =	ssyncset.done @!p0 $0x0  }
0x21: {  	s12 =	smov.u32 s16;
	s11 =	smov.u32 s15;
	[sflag:s14] =	ssyncadd.s32 @!p0 $0xFFFFB1E0  }
.LBB2_1:
0x22: {  	p0 =	sge.u32 s12, s7  }
0x23: {  	s14 =	sxor.u32 @!p0 $0x1, s12  }
0x24: {  	s14 =	smul.u32 @!p0 $0x13880, s14  }
0x25: {  	s31 =	sadd.s32 $0xFFFFFFFF, s12;
	s15 =	sshrl.u32 @!p0 s11, $0x3  }
0x26: {  	s16 =	sand.u32 @!p0 $0x7, s11;
	s15 =	sadd.s32 @!p0 s3, s15;
	s14 =	sshra.s32 @!p0 s14, $0x2  }
0x27: {  	[tilespmem:s14], [sflag:$0x2] =	stream.linear.gather @!p0 [hbm4b:s15+s16], $0x4E20, $0x38;
	[tilespmem:$0x13880] =	vst v63  }
0x28: {  	p0 =	sge.u32 s31, s7  }
.Ltmp2:
0x29: {  	_ = 	snop;
	(pc) =	sbr.rel @p0 .LBB2_5-.Ltmp2, $1  }
0x2a: {  	_ =	sdelay $0x3  }
0x2b: {  	s14 =	sand.u32 $0x1, s12  }
0x2c: {  	_ =	swait.ge [sflag:s6], $0x4E20;
	p0 =	seq.s32 s14, $0x1;
	s14 =	simm.s32 $0x4E20  }
0x2d: {  	[sflag:s6] =	ssyncset.done $0x0;
	s14 =	simm.s32 @!p0 $0x0  }
0x2e: {  	[sflag:s6] =	ssyncadd.s32 $0xFFFFB1E0;
	(ifvalue) =	ssetifvalue $0x7FFFFFFF;
	v0 =	vld.msk [tilespmem:s14+$0x0 ss:$0x1], $0xffff;
	_ =	sdelay $0x4  }
0x2f: {  	s15 =	sadd.s32 $0x10, s14;
	vm1 =	vgt.s32 v0, $0x0  }
0x30: {  	v2 =	vld.msk [tilespmem:s15+$0x0 ss:$0x1], $0xffff;
	v1 =	vnsel vm1, $0x0, v0  }
0x31: {  	v1 =	vmin.u32 v1, $0xC34FF;
	_ =	sdelay $0x2  }
0x32: {  	s17 =	simm.s32 $0x20;
	s14 =	sadd.s32 $0x9C40, s14;
	s16 =	sadd.s32 $0x10, s15  }
0x33: {  	s15 =	sadd.s32 $0x10, s14;
	s18 =	smov.u32 s14;
	v0 =	vld.msk [tilespmem:s16+$0x0 ss:$0x1], $0xffff;
	vm1 =	vgt.s32 v2, $0x0;
	(ifvalue) =	ssetifvalue $0x7FFFFFFF  }
.LBB2_3:
0x34: {  	[tilespmem:s18], [sflag:$0x1] =	stream.indirect_vreg.gather [hbm4b:s2+s10], $0x1, v1, vm0, $0x4038;
	[tilespmem:$0x13880] =	vst v63  }
0x35: {  	s17 =	sadd.s32 $0x10, s17  }
0x36: {  	v2 =	vnsel vm1, $0x0, v2;
	p0 =	slt.u32 s17, $0x4E10  }
.Ltmp3:
0x37: {  	s18 =	smov.u32 s15;
	v1 =	vmin.u32 v2, $0xC34FF;
	(pc) =	sbr.rel @p0 .LBB2_3-.Ltmp3, $3  }
0x38: {  	_ =	sdelay $0x1  }
0x39: {  	s16 =	sadd.s32 $0x10, s16  }
0x3a: {  	vm1 =	vgt.s32 v0, $0x0;
	s15 =	sadd.s32 $0x10, s15;
	v2 =	vmov v0;
	(ifvalue) =	ssetifvalue $0x7FFFFFFF;
	v0 =	vld.msk [tilespmem:s16+$0x0 ss:$0x1], $0xffff  }
.Ltmp4:
0x3b: {  	_ = 	snop;
	(pc) =	sbr.rel .LBB2_4-.Ltmp4, $1  }
0x3c: {  	_ =	sdelay $0x3  }
.LBB2_6:
0x3d: {  	_ =	sfence.sel $0x180000  }
0x3e: {  	s2 =	simm.s32 $0x2;
	[bflag:$0x0] =	sbarrier.arrive $0xFFFF  }
0x3f: {  	s30 =	simm.s32 $0x3;
	[sflag:s2] =	ssyncpa.u1 $0x1  }
0x40: {  	s31 =	simm.s32 $0x1;
	[sflag:s30] =	ssyncpa.u1 $0x1  }
0x41: {  	[sflag:s31] =	ssyncpa.u1 $0x1  }
0x42: {  	p0 =	sne.s32 s1, $0x0;
	_ =	strace $0x90000047  }
0x43: {  	s0 =	sadd.s32 @!p0 $0x100000, s0;
	[bflag:$0x2] =	sbarrier.arrive $0xFFFF  }
0x44: {  	[sflag:s0] =	ssyncadd.tile.s32 @!p0 $0x1;
	_ =	shalt  }
.Lfunc_end2:
_tile_overlayer_lowered:
.L_overlay_start_2:
0x45: {  	(tag) =	ssettag $0x2  }
0x46: {  	s0 =	rddreg [dreg:$0x0];
	s2 =	stileid.u32  }
0x47: {  	s1 =	rddreg [dreg:$0x1];
	p0 =	sne.s32 s2, $0x0  }
0x48: {  	s3 =	rddreg [dreg:$0x2];
	[bflag:$0x3] =	sbarrier.arrive $0xFFFF;
	s2 =	simm.s32 @!p0 $0x1C01  }
0x49: {  	[timem:s3], [sflag:s2] =	dma.local @!p0 [hbm:s0], s1  }
0x4a: {  	s0 =	simm.s32 @!p0 $0x1  }
0x4b: {  	_ =	swait.ge @!p0 [sflag:s0], s1  }
0x4c: {  	s1 =	ssub.s32 @!p0 $0x0, s1;
	[sflag:s0] =	ssyncset.done @!p0 $0x0  }
0x4d: {  	[sflag:s0] =	ssyncadd.s32 @!p0 s1  }
0x4e: {  	[bflag:$0x3] =	sbarrier.arrive $0xFFFF  }
0x4f: {  	_ =	shalt  }

// kernel: gather_offload_async_start
scs
__scs_entry_jumppad:
0x0: {  	(pc) =	sbr.rel $0x88, $3  }
0x1: {  	(tag) =	ssettag $0x0;
	lr =	simm.s32 $0x1  }
0x2: {  	[smem:$0x3F99] =	sst lr;
	_ =	strace $0xD0000000  }
0x3: {  	_ = 	snop  }
0x4: {  	_ = 	snop  }
0x5: {  	_ = 	snop  }
0x6: {  	_ = 	snop  }
0x7: {  	_ = 	snop  }
__scs_overlays_trampoline_lowered:
0x8: {  	[smem:$0x3FA8] =	sst s0  }
0x9: {  	[smem:$0x3FA9] =	sst s1  }
0xa: {  	[smem:$0x3FAA] =	sst s2  }
0xb: {  	[smem:$0x3FAB] =	sst s3  }
0xc: {  	[smem:$0x3FAC] =	sst s4  }
0xd: {  	[smem:$0x3FAD] =	sst s5  }
0xe: {  	[smem:$0x3FAE] =	sst s6  }
0xf: {  	[smem:$0x3FAF] =	sst s7  }
0x10: {  	[smem:$0x3FB0] =	sst s8  }
0x11: {  	[smem:$0x3FB1] =	sst s9;
	s0 =	simm.s32 @!p0 $0x0  }
0x12: {  	s1 =	sld [smem:$0x3F97];
	s0 =	simm.s32 @p0 $0x1  }
0x13: {  	[smem:$0x3FB2] =	sst s0;
	s0 =	simm.s32 @!p1 $0x0  }
0x14: {  	s2 =	sld [smem:$0x3F96];
	s0 =	simm.s32 @p1 $0x1  }
0x15: {  	[smem:$0x3FB3] =	sst s0;
	s0 =	simm.s32 @!p2 $0x0  }
0x16: {  	s3 =	sld [smem:$0x3FDB];
	s0 =	simm.s32 @p2 $0x1  }
0x17: {  	s4 =	simm.s32 $0x1BF5;
	[smem:$0x3FB5] =	sst s0  }
0x18: {  	s0 =	sld [smem:$0x3F98];
	_ =	swait.ge [sflag:s4], $0x0  }
0x19: {  	s7 =	sld [smem:$0x3F99]  }
0x1a: {  	s8 =	sadd.s32 $0xFFFFE003, lr  }
0x1b: {  	s9 =	sadd.s32 $0xFFFFFEF7, lr;
	s5 =	simm.s32 $0xFFFFFFFF;
	p2 =	slt.u32 s8, $0xFFFFF086  }
0x1c: {  	p1 =	slt.u32 s9, $0xF7A;
	s5 =	simm.s32 @!p2 $0x0  }
0x1d: {  	s5 =	simm.s32 @p1 $0x1;
	p0 =	seq.s32 s7, s2  }
0x1e: {  	s7 =	smul.u32 @!p0 $0xF7A, s2;
	p2 =	seq.s32 @!p0 s5, $0x0  }
0x1f: {  	s9 =	smul.u32 $0xF7A, s1;
	s8 =	simm.s32 @!p0 $0x1BF5;
	p2 =	por !p2, p0  }
0x20: {  	[sflag:s8] =	ssyncset.s32 @!p0 $0xFFFFF086;
	s6 =	sadd.s32 @!p0 s3, s7;
	s7 =	simm.s32 @!p0 $0x108  }
0x21: {  	s3 =	sadd.s32 s3, s9;
	s6 =	sadd.s32 @!p0 $0x88, s6;
	s7 =	simm.s32 @p2 $0x1082  }
0x22: {  	[simem:s7], [sflag:s8] =	dma.local @!p0 [hbm:s6], $0xF7A  }
0x23: {  	s9 =	sor.u32 $0xD0000000, s2;
	s6 =	simm.s32 $0x108;
	_ =	swait.ge @!p0 [sflag:s8], $0x0  }
0x24: {  	s3 =	sadd.s32 $0x88, s3;
	s6 =	simm.s32 @!p1 $0x1082;
	[sflag:s4] =	ssyncset.s32 $0xFFFFF086  }
0x25: {  	[simem:s6], [sflag:s4] =	dma.local [hbm:s3], $0xF7A  }
0x26: {  	[smem:$0x3F99] =	sst s1;
	(tag) =	ssettag s2;
	_ =	strace s9  }
0x27: {  	s1 =	sld [smem:$0x3FA9]  }
0x28: {  	s2 =	sld [smem:$0x3FAA]  }
0x29: {  	s4 =	sld [smem:$0x3FAC]  }
0x2a: {  	p0 =	seq.s32 s5, $0x0;
	s5 =	sld [smem:$0x3FAD]  }
0x2b: {  	s6 =	sld [smem:$0x3FAE]  }
0x2c: {  	s7 =	sld [smem:$0x3FAF]  }
0x2d: {  	s3 =	simm.s32 $0x108;
	s8 =	sld [smem:$0x3FB0]  }
0x2e: {  	s3 =	simm.s32 @!p0 $0x1082;
	s9 =	sld [smem:$0x3FB1]  }
0x2f: {  	lr =	sadd.s32 s0, s3;
	s0 =	sld [smem:$0x3FA8]  }
0x30: {  	s3 =	sld [smem:$0x3FAB]  }
0x31: {  	[smem:$0x3FB4] =	sst s10  }
0x32: {  	s10 =	sld [smem:$0x3FB2];
	_ =	sdelay $0x3  }
0x33: {  	p0 =	seq.s32 s10, $0x1;
	s10 =	sld [smem:$0x3FB4];
	_ =	sdelay $0x3  }
0x34: {  	[smem:$0x3FB4] =	sst s10  }
0x35: {  	s10 =	sld [smem:$0x3FB3];
	_ =	sdelay $0x3  }
0x36: {  	p1 =	seq.s32 s10, $0x1;
	s10 =	sld [smem:$0x3FB4];
	_ =	sdelay $0x3  }
0x37: {  	[smem:$0x3FB4] =	sst s10  }
0x38: {  	s10 =	sld [smem:$0x3FB5]  }
0x39: {  	_ = 	snop;
	(pc) =	sbr.ind lr, $3  }
0x3a: {  	_ = 	snop  }
0x3b: {  	_ = 	snop  }
0x3c: {  	p2 =	seq.s32 s10, $0x1;
	s10 =	sld [smem:$0x3FB4]  }
0x3d: {  	_ =	shalt  }
0x3e: {  	_ =	shalt  }
0x3f: {  	_ =	shalt  }
0x40: {  	_ =	shalt  }
0x41: {  	_ =	shalt  }
0x42: {  	_ =	shalt  }
0x43: {  	_ =	shalt  }
0x44: {  	_ =	shalt  }
0x45: {  	_ =	shalt  }
0x46: {  	_ =	shalt  }
0x47: {  	_ =	shalt  }
0x48: {  	_ =	shalt  }
0x49: {  	_ =	shalt  }
0x4a: {  	_ =	shalt  }
0x4b: {  	_ =	shalt  }
0x4c: {  	_ =	shalt  }
0x4d: {  	_ =	shalt  }
0x4e: {  	_ =	shalt  }
0x4f: {  	_ =	shalt  }
0x50: {  	_ =	shalt  }
0x51: {  	_ =	shalt  }
0x52: {  	_ =	shalt  }
0x53: {  	_ =	shalt  }
0x54: {  	_ =	shalt  }
0x55: {  	_ =	shalt  }
0x56: {  	_ =	shalt  }
0x57: {  	_ =	shalt  }
0x58: {  	_ =	shalt  }
0x59: {  	_ =	shalt  }
0x5a: {  	_ =	shalt  }
0x5b: {  	_ =	shalt  }
0x5c: {  	_ =	shalt  }
0x5d: {  	_ =	shalt  }
0x5e: {  	_ =	shalt  }
0x5f: {  	_ =	shalt  }
0x60: {  	_ =	shalt  }
0x61: {  	_ =	shalt  }
0x62: {  	_ =	shalt  }
0x63: {  	_ =	shalt  }
0x64: {  	_ =	shalt  }
0x65: {  	_ =	shalt  }
0x66: {  	_ =	shalt  }
0x67: {  	_ =	shalt  }
0x68: {  	_ =	shalt  }
0x69: {  	_ =	shalt  }
0x6a: {  	_ =	shalt  }
0x6b: {  	_ =	shalt  }
0x6c: {  	_ =	shalt  }
0x6d: {  	_ =	shalt  }
0x6e: {  	_ =	shalt  }
0x6f: {  	_ =	shalt  }
0x70: {  	_ =	shalt  }
0x71: {  	_ =	shalt  }
0x72: {  	_ =	shalt  }
0x73: {  	_ =	shalt  }
0x74: {  	_ =	shalt  }
0x75: {  	_ =	shalt  }
0x76: {  	_ =	shalt  }
0x77: {  	_ =	shalt  }
0x78: {  	_ =	shalt  }
0x79: {  	_ =	shalt  }
0x7a: {  	_ =	shalt  }
0x7b: {  	_ =	shalt  }
0x7c: {  	_ =	shalt  }
0x7d: {  	_ =	shalt  }
0x7e: {  	_ =	shalt  }
0x7f: {  	_ =	shalt  }
0x80: {  	_ =	shalt  }
0x81: {  	_ =	shalt  }
0x82: {  	_ =	shalt  }
0x83: {  	_ =	shalt  }
0x84: {  	_ =	shalt  }
0x85: {  	_ =	shalt  }
0x86: {  	_ =	shalt  }
0x87: {  	_ =	shalt  }
.Lfunc_end0:
.L_simem_size_0:
called_computation_lowered:
.L_overlay_start_0:
0x88: {  	s2 =	sld [smem:$0x3FD9]  }
0x89: {  	s3 =	sld [smem:$0x3FFE];
	_ =	sdelay $0x1  }
0x8a: {  	s1 =	srdreg.scid  }
0x8b: {  	s0 =	sand.u32 $0x1, s1  }
0x8c: {  	s17 =	sshll.u32 s0, $0xA;
	s2 =	sadd.s32 s3, s2  }
0x8d: {  	s2 =	sadd.s32 s2, s17  }
0x8e: {  	[smem:$0x3FC0] =	sst s2  }
0x8f: {  	_ = 	snop  }
0x90: {  	(tm) =	ssettm $0x1  }
0x91: {  	s18 =	sld [smem:$0x3FFB];
	_ =	sdelay $0x3  }
0x92: {  	_ =	strace s18  }
0x93: {  	s2 =	sld [smem:$0x3FFC];
	_ =	sdelay $0x3  }
0x94: {  	_ =	strace s2  }
0x95: {  	s2 =	sld [smem:$0x3FFD];
	_ =	sdelay $0x3  }
0x96: {  	_ =	strace s2  }
0x97: {  	_ =	strace $0x8FFFFFFF  }
0x98: {  	s19 =	sld [smem:$0x3FDB];
	_ =	sdelay $0x1  }
0x99: {  	s20 =	simm.s32 $_scs_section_size  }
0x9a: {  	s4 =	simm.s32 $_size__tile_overlayer_lowered;
	s5 =	simm.s32 $_tile_overlayer_lowered  }
0x9b: {  	s6 =	simm.s32 $0x1BFF;
	s21 =	sshll.u32 s5, $0x1;
	s3 =	sadd.s32 s20, s19  }
0x9c: {  	s22 =	simm.s32 $0x0;
	s4 =	sshll.u32 s4, $0x1;
	s5 =	sadd.s32 s21, s3  }
0x9d: {  	[timem:s22], [sflag:s6] =	dma.local [hbm:s5], s4  }
0x9e: {  	_ =	swait.ge [sflag:s6], s4  }
0x9f: {  	s4 =	ssub.s32 $0x0, s4;
	[sflag:s6] =	ssyncset.done $0x0  }
0xa0: {  	[sflag:s6] =	ssyncadd.s32 s4;
	_ =	sdelay $0x1  }
0xa1: {  	s23 =	simm.s32 $0x1B8B  }
0xa2: {  	_ =	swait.ge [sflag:s23], $0x1  }
0xa3: {  	[sflag:s23] =	ssyncset.done $0x0  }
0xa4: {  	[sflag:s23] =	ssyncadd.s32 $0xFFFFFFFF  }
0xa5: {  	s4 =	sld [smem:$0x0]  }
0xa6: {  	s5 =	sand.u32 $0xFFFFFFFE, s1  }
0xa7: {  	p0 =	sne.s32 s1, s5  }
0xa8: {  	s5 =	sshll.u32 @p0 s5, $0xE  }
0xa9: {  	s5 =	sadd.s32 @p0 $0x11B8D, s5;
	s6 =	sshll.u32 @p0 s4, $0x11  }
0xaa: {  	s5 =	sor.u32 @p0 s6, s5  }
0xab: {  	[sflag:s5] =	ssyncadd.remote.s32 @p0 $0x1;
	_ =	sdelay $0x1  }
0xac: {  	s5 =	simm.s32 @p0 $0x1B8D  }
0xad: {  	_ =	swait.eq @p0 [sflag:s5], $0x1  }
0xae: {  	[sflag:s5] =	ssyncadd.s32 @p0 $0xFFFFFFFF  }
0xaf: {  	s6 =	sshll.u32 @!p0 s1, $0xE  }
0xb0: {  	s6 =	sor.u32 @!p0 $0x4000, s6;
	s5 =	simm.s32 @!p0 $0x1B8D  }
0xb1: {  	s4 =	sshll.u32 @!p0 s4, $0x11;
	s6 =	sadd.s32 @!p0 $0x11B8D, s6;
	_ =	swait.eq @!p0 [sflag:s5], $0x1  }
0xb2: {  	s4 =	sor.u32 @!p0 s4, s6;
	[sflag:s5] =	ssyncadd.s32 @!p0 $0xFFFFFFFF  }
0xb3: {  	s25 =	simm.s32 $0x1B8E;
	s24 =	sld [smem:$0x3FFE];
	[sflag:s4] =	ssyncadd.remote.s32 @!p0 $0x1  }
0xb4: {  	s26 =	simm.s32 $execute0_lowered;
	[smem:$0x3FD2] =	sst s25  }
0xb5: {  	s5 =	sshll.u32 s26, $0x1;
	_ =	strace $0x80000049;
	[dreg:$0x1] =	wrdreg $0xFFFFFFFF  }
0xb6: {  	s28 =	simm.s32 $_size_execute0_lowered;
	s3 =	sadd.s32 s3, s5;
	[dreg:$0x0] =	wrdreg $0x0  }
0xb7: {  	s5 =	sshll.u32 s28, $0x1;
	[dreg:$0x2] =	wrdreg s3  }
0xb8: {  	[dreg:$0x3] =	wrdreg s5  }
0xb9: {  	[dreg:$0x4] =	wrdreg $0xC0  }
0xba: {  	_ =	task [dreg:s22], $0x5FFFF  }
0xbb: {  	[dreg:$0x1] =	wrdreg $0xFFFFFFFF  }
0xbc: {  	[dreg:$0x0] =	wrdreg $0x60  }
0xbd: {  	[dreg:$0x2] =	wrdreg s24  }
0xbe: {  	[dreg:$0x3] =	wrdreg $0x9  }
0xbf: {  	_ =	task.clear_ibuf [dreg:s22], $0x4FFFF;
	_ =	strace $0x90000049  }
0xc0: {  	s29 =	simm.s32 $0x9;
	_ =	strace $0x8000004B  }
0xc1: {  	_ =	swait.ge [sflag:s29], $0x1  }
0xc2: {  	[sflag:s29] =	ssyncadd.s32 $0xFFFFFFFF  }
0xc3: {  	_ =	strace $0x9000004B  }
0xc4: {  	_ =	sfence  }
0xc5: {  	s30 =	sld [smem:$0x0];
	_ =	sdelay $0x2  }
0xc6: {  	s31 =	sshll.u32 s1, $0xD;
	s1 =	sshrl.u32 s1, $0x2  }
0xc7: {  	s4 =	sand.u32 $0x4000, s31;
	s1 =	sadd.s32 s1, s30  }
0xc8: {  	s0 =	sor.u32 s4, s0;
	s1 =	sshll.u32 s1, $0x11  }
0xc9: {  	s0 =	sor.u32 s1, s0  }
0xca: {  	s0 =	sadd.s32 $0x8F2B, s0  }
0xcb: {  	[sflag:s0] =	ssyncadd.remote.s32 $0x1  }
0xcc: {  	_ =	sfence.sel $0xFFFF  }
0xcd: {  	[dreg:$0x0] =	wrdreg $0xFFFFFFFF;
	(pc) =	sbr.abs _section_cstart, $3  }
0xce: {  	[dreg:$0x1] =	wrdreg $0xFFFFFFFF  }
0xcf: {  	_ =	task.clear_ibuf [dreg:s22], $0x2FFFF;
	_ =	strace $0x9FFFFFFF  }
0xd0: {  	(tm) =	ssettm $0x7FFFFFFF  }
0xd1: {  	_ =	shalt  }
tec
execute0_lowered:
.L_overlay_start_1:
0x0: {  	(tag) =	ssettag $0x1  }
0x1: {  	s8 =	rddreg [dreg:$0x0];
	s1 =	stileid.u32  }
0x2: {  	s2 =	srdreg.scid;
	s0 =	rddreg [dreg:$0x1]  }
0x3: {  	_ =	strace $0x8000004A;
	s5 =	simm.s32 $0x1;
	s9 =	simm.s32 $0x1  }
0x4: {  	s10 =	simm.s32 $0x3;
	s2 =	sand.u32 $0x1, s2;
	s3 =	sshll.u32 s1, $0x1  }
0x5: {  	s13 =	simm.s32 $0x0;
	s12 =	simm.s32 $0x0;
	s6 =	sor.u32 s3, s2  }
0x6: {  	[sflag:s5] =	ssyncpa.u1 $0x0;
	s2 =	sadd.s32 $0x32200, s8;
	s4 =	smul.u32 $0x4E20, s6  }
0x7: {  	s3 =	sadd.s32 $0x1200, s8;
	p0 =	slt.u32 s6, $0x9;
	s6 =	simm.s32 $0x9C400  }
.Ltmp0:
0x8: {  	s6 =	simm.s32 @!p0 $0x0;
	s7 =	ssub.s32 $0xC3500, s4;
	(pc) =	sbr.rel .LBB2_1-.Ltmp0, $4  }
0x9: {  	s9 =	simm.s32 @!p0 $0x0;
	p0 =	sne.s32 s7, s6;
	s7 =	simm.s32 $0x1  }
0xa: {  	s8 =	sadd.s32 $0xC98200, s8;
	s6 =	simm.s32 $0x2;
	s7 =	simm.s32 @!p0 $0x0  }
0xb: {  	s11 =	smov.u32 s4;
	[sflag:s6] =	ssyncpa.u1 $0x0;
	s7 =	sadd.s32 s9, s7  }
0xc: {  	vm0 =	vmmov $0xffff;
	[sflag:s10] =	ssyncpa.u1 $0x0;
	s10 =	simm.s32 $0x0;
	s9 =	sadd.s32 $0x1, s7  }
.LBB2_4:
0xd: {  	v2 =	vnsel vm1, $0x0, v2  }
0xe: {  	vm1 =	vgt.s32 v0, $0x0;
	v2 =	vmin.u32 v2, $0xC34FF  }
0xf: {  	v0 =	vnsel vm1, $0x0, v0  }
0x10: {  	v0 =	vmin.u32 v0, $0xC34FF  }
0x11: {  	[tilespmem:s18], [sflag:$0x1] =	stream.indirect_vreg.gather [hbm4b:s2+s10], $0x1, v1, vm0, $0x4038;
	[tilespmem:$0x13880] =	vst v63  }
0x12: {  	(ifvalue) =	ssetifvalue $0x7FFFFFFF  }
0x13: {  	[tilespmem:s15], [sflag:$0x1] =	stream.indirect_vreg.gather [hbm4b:s2+s10], $0x1, v2, vm0, $0x4038;
	[tilespmem:$0x13880] =	vst v63  }
0x14: {  	s29 =	sadd.s32 $0x10, s15;
	(ifvalue) =	ssetifvalue $0x7FFFFFFF  }
0x15: {  	[tilespmem:s29], [sflag:$0x1] =	stream.indirect_vreg.gather [hbm4b:s2+s10], $0x1, v0, vm0, $0x4038;
	[tilespmem:$0x13880] =	vst v63  }
0x16: {  	_ =	swait.ge [sflag:s5], $0x4E20  }
0x17: {  	s30 =	sshrl.u32 s13, $0x3;
	[sflag:s5] =	ssyncset.done $0x0  }
0x18: {  	s31 =	sand.u32 $0x7, s13;
	s15 =	sadd.s32 s8, s30;
	[sflag:s5] =	ssyncadd.s32 $0xFFFFB1E0  }
0x19: {  	[hbm4b:s15+s31] =	stream.linear.scatter [tilespmem:s14], [sflag:$0x3], $0x4E20, $0x38;
	[tilespmem:$0x13880] =	vst v63  }
.LBB2_5:
0x1a: {  	s15 =	sadd.s32 $0x9C400, s11  }
0x1b: {  	p1 =	sgt.s32 s15, $0xC34FF  }
0x1c: {  	s15 =	smov.u32 @p1 s4;
	p1 =	sne.s32 s12, s9  }
.Ltmp1:
0x1d: {  	p0 =	slt.u32 s12, $0x2;
	(pc) =	sbr.rel @!p1 .LBB2_6-.Ltmp1, $4  }
0x1e: {  	s14 =	simm.s32 @!p0 $0x3  }
0x1f: {  	_ =	swait.ge @!p0 [sflag:s14], $0x4E20  }
0x20: {  	s16 =	sadd.s32 $0x1, s12;
	s13 =	smov.u32 s11;
	[sflag:s14] =	ssyncset.done @!p0 $0x0  }
0x21: {  	s12 =	smov.u32 s16;
	s11 =	smov.u32 s15;
	[sflag:s14] =	ssyncadd.s32 @!p0 $0xFFFFB1E0  }
.LBB2_1:
0x22: {  	p0 =	sge.u32 s12, s7  }
0x23: {  	s14 =	sxor.u32 @!p0 $0x1, s12  }
0x24: {  	s14 =	smul.u32 @!p0 $0x13880, s14  }
0x25: {  	s31 =	sadd.s32 $0xFFFFFFFF, s12;
	s15 =	sshrl.u32 @!p0 s11, $0x3  }
0x26: {  	s16 =	sand.u32 @!p0 $0x7, s11;
	s15 =	sadd.s32 @!p0 s3, s15;
	s14 =	sshra.s32 @!p0 s14, $0x2  }
0x27: {  	[tilespmem:s14], [sflag:$0x2] =	stream.linear.gather @!p0 [hbm4b:s15+s16], $0x4E20, $0x38;
	[tilespmem:$0x13880] =	vst v63  }
0x28: {  	p0 =	sge.u32 s31, s7  }
.Ltmp2:
0x29: {  	_ = 	snop;
	(pc) =	sbr.rel @p0 .LBB2_5-.Ltmp2, $1  }
0x2a: {  	_ =	sdelay $0x3  }
0x2b: {  	s14 =	sand.u32 $0x1, s12  }
0x2c: {  	_ =	swait.ge [sflag:s6], $0x4E20;
	p0 =	seq.s32 s14, $0x1;
	s14 =	simm.s32 $0x4E20  }
0x2d: {  	[sflag:s6] =	ssyncset.done $0x0;
	s14 =	simm.s32 @!p0 $0x0  }
0x2e: {  	[sflag:s6] =	ssyncadd.s32 $0xFFFFB1E0;
	(ifvalue) =	ssetifvalue $0x7FFFFFFF;
	v0 =	vld.msk [tilespmem:s14+$0x0 ss:$0x1], $0xffff;
	_ =	sdelay $0x4  }
0x2f: {  	s15 =	sadd.s32 $0x10, s14;
	vm1 =	vgt.s32 v0, $0x0  }
0x30: {  	v2 =	vld.msk [tilespmem:s15+$0x0 ss:$0x1], $0xffff;
	v1 =	vnsel vm1, $0x0, v0  }
0x31: {  	v1 =	vmin.u32 v1, $0xC34FF;
	_ =	sdelay $0x2  }
0x32: {  	s17 =	simm.s32 $0x20;
	s14 =	sadd.s32 $0x9C40, s14;
	s16 =	sadd.s32 $0x10, s15  }
0x33: {  	s15 =	sadd.s32 $0x10, s14;
	s18 =	smov.u32 s14;
	v0 =	vld.msk [tilespmem:s16+$0x0 ss:$0x1], $0xffff;
	vm1 =	vgt.s32 v2, $0x0;
	(ifvalue) =	ssetifvalue $0x7FFFFFFF  }
.LBB2_3:
0x34: {  	[tilespmem:s18], [sflag:$0x1] =	stream.indirect_vreg.gather [hbm4b:s2+s10], $0x1, v1, vm0, $0x4038;
	[tilespmem:$0x13880] =	vst v63  }
0x35: {  	s17 =	sadd.s32 $0x10, s17  }
0x36: {  	v2 =	vnsel vm1, $0x0, v2;
	p0 =	slt.u32 s17, $0x4E10  }
.Ltmp3:
0x37: {  	s18 =	smov.u32 s15;
	v1 =	vmin.u32 v2, $0xC34FF;
	(pc) =	sbr.rel @p0 .LBB2_3-.Ltmp3, $3  }
0x38: {  	_ =	sdelay $0x1  }
0x39: {  	s16 =	sadd.s32 $0x10, s16  }
0x3a: {  	vm1 =	vgt.s32 v0, $0x0;
	s15 =	sadd.s32 $0x10, s15;
	v2 =	vmov v0;
	(ifvalue) =	ssetifvalue $0x7FFFFFFF;
	v0 =	vld.msk [tilespmem:s16+$0x0 ss:$0x1], $0xffff  }
.Ltmp4:
0x3b: {  	_ = 	snop;
	(pc) =	sbr.rel .LBB2_4-.Ltmp4, $1  }
0x3c: {  	_ =	sdelay $0x3  }
.LBB2_6:
0x3d: {  	_ =	sfence.sel $0x180000  }
0x3e: {  	s2 =	simm.s32 $0x2;
	[bflag:$0x0] =	sbarrier.arrive $0xFFFF  }
0x3f: {  	s30 =	simm.s32 $0x3;
	[sflag:s2] =	ssyncpa.u1 $0x1  }
0x40: {  	s31 =	simm.s32 $0x1;
	[sflag:s30] =	ssyncpa.u1 $0x1  }
0x41: {  	[sflag:s31] =	ssyncpa.u1 $0x1  }
0x42: {  	p0 =	sne.s32 s1, $0x0;
	_ =	strace $0x9000004A  }
0x43: {  	s0 =	sadd.s32 @!p0 $0x100000, s0;
	[bflag:$0x2] =	sbarrier.arrive $0xFFFF  }
0x44: {  	[sflag:s0] =	ssyncadd.tile.s32 @!p0 $0x1;
	_ =	shalt  }
.Lfunc_end2:
_tile_overlayer_lowered:
.L_overlay_start_2:
0x45: {  	(tag) =	ssettag $0x2  }
0x46: {  	s0 =	rddreg [dreg:$0x0];
	s2 =	stileid.u32  }
0x47: {  	s1 =	rddreg [dreg:$0x1];
	p0 =	sne.s32 s2, $0x0  }
0x48: {  	s3 =	rddreg [dreg:$0x2];
	[bflag:$0x3] =	sbarrier.arrive $0xFFFF;
	s2 =	simm.s32 @!p0 $0x1C01  }
0x49: {  	[timem:s3], [sflag:s2] =	dma.local @!p0 [hbm:s0], s1  }
0x4a: {  	s0 =	simm.s32 @!p0 $0x1  }
0x4b: {  	_ =	swait.ge @!p0 [sflag:s0], s1  }
0x4c: {  	s1 =	ssub.s32 @!p0 $0x0, s1;
	[sflag:s0] =	ssyncset.done @!p0 $0x0  }
0x4d: {  	[sflag:s0] =	ssyncadd.s32 @!p0 s1  }
0x4e: {  	[bflag:$0x3] =	sbarrier.arrive $0xFFFF  }
0x4f: {  	_ =	shalt  }

// kernel: kernel.4.cloned.1.call-start
scs
__scs_entry_jumppad:
0x0: {  	(pc) =	sbr.rel $0x88, $3  }
0x1: {  	(tag) =	ssettag $0x0;
	lr =	simm.s32 $0x1  }
0x2: {  	[smem:$0x3F99] =	sst lr;
	_ =	strace $0xD0000000  }
0x3: {  	_ = 	snop  }
0x4: {  	_ = 	snop  }
0x5: {  	_ = 	snop  }
0x6: {  	_ = 	snop  }
0x7: {  	_ = 	snop  }
__scs_overlays_trampoline_lowered:
0x8: {  	[smem:$0x3FA8] =	sst s0  }
0x9: {  	[smem:$0x3FA9] =	sst s1  }
0xa: {  	[smem:$0x3FAA] =	sst s2  }
0xb: {  	[smem:$0x3FAB] =	sst s3  }
0xc: {  	[smem:$0x3FAC] =	sst s4  }
0xd: {  	[smem:$0x3FAD] =	sst s5  }
0xe: {  	[smem:$0x3FAE] =	sst s6  }
0xf: {  	[smem:$0x3FAF] =	sst s7  }
0x10: {  	[smem:$0x3FB0] =	sst s8  }
0x11: {  	[smem:$0x3FB1] =	sst s9;
	s0 =	simm.s32 @!p0 $0x0  }
0x12: {  	s1 =	sld [smem:$0x3F97];
	s0 =	simm.s32 @p0 $0x1  }
0x13: {  	[smem:$0x3FB2] =	sst s0;
	s0 =	simm.s32 @!p1 $0x0  }
0x14: {  	s2 =	sld [smem:$0x3F96];
	s0 =	simm.s32 @p1 $0x1  }
0x15: {  	[smem:$0x3FB3] =	sst s0;
	s0 =	simm.s32 @!p2 $0x0  }
0x16: {  	s3 =	sld [smem:$0x3FDB];
	s0 =	simm.s32 @p2 $0x1  }
0x17: {  	s4 =	simm.s32 $0x1BF5;
	[smem:$0x3FB5] =	sst s0  }
0x18: {  	s0 =	sld [smem:$0x3F98];
	_ =	swait.ge [sflag:s4], $0x0  }
0x19: {  	s7 =	sld [smem:$0x3F99]  }
0x1a: {  	s8 =	sadd.s32 $0xFFFFE003, lr  }
0x1b: {  	s9 =	sadd.s32 $0xFFFFFEF7, lr;
	s5 =	simm.s32 $0xFFFFFFFF;
	p2 =	slt.u32 s8, $0xFFFFF086  }
0x1c: {  	p1 =	slt.u32 s9, $0xF7A;
	s5 =	simm.s32 @!p2 $0x0  }
0x1d: {  	s5 =	simm.s32 @p1 $0x1;
	p0 =	seq.s32 s7, s2  }
0x1e: {  	s7 =	smul.u32 @!p0 $0xF7A, s2;
	p2 =	seq.s32 @!p0 s5, $0x0  }
0x1f: {  	s9 =	smul.u32 $0xF7A, s1;
	s8 =	simm.s32 @!p0 $0x1BF5;
	p2 =	por !p2, p0  }
0x20: {  	[sflag:s8] =	ssyncset.s32 @!p0 $0xFFFFF086;
	s6 =	sadd.s32 @!p0 s3, s7;
	s7 =	simm.s32 @!p0 $0x108  }
0x21: {  	s3 =	sadd.s32 s3, s9;
	s6 =	sadd.s32 @!p0 $0x88, s6;
	s7 =	simm.s32 @p2 $0x1082  }
0x22: {  	[simem:s7], [sflag:s8] =	dma.local @!p0 [hbm:s6], $0xF7A  }
0x23: {  	s9 =	sor.u32 $0xD0000000, s2;
	s6 =	simm.s32 $0x108;
	_ =	swait.ge @!p0 [sflag:s8], $0x0  }
0x24: {  	s3 =	sadd.s32 $0x88, s3;
	s6 =	simm.s32 @!p1 $0x1082;
	[sflag:s4] =	ssyncset.s32 $0xFFFFF086  }
0x25: {  	[simem:s6], [sflag:s4] =	dma.local [hbm:s3], $0xF7A  }
0x26: {  	[smem:$0x3F99] =	sst s1;
	(tag) =	ssettag s2;
	_ =	strace s9  }
0x27: {  	s1 =	sld [smem:$0x3FA9]  }
0x28: {  	s2 =	sld [smem:$0x3FAA]  }
0x29: {  	s4 =	sld [smem:$0x3FAC]  }
0x2a: {  	p0 =	seq.s32 s5, $0x0;
	s5 =	sld [smem:$0x3FAD]  }
0x2b: {  	s6 =	sld [smem:$0x3FAE]  }
0x2c: {  	s7 =	sld [smem:$0x3FAF]  }
0x2d: {  	s3 =	simm.s32 $0x108;
	s8 =	sld [smem:$0x3FB0]  }
0x2e: {  	s3 =	simm.s32 @!p0 $0x1082;
	s9 =	sld [smem:$0x3FB1]  }
0x2f: {  	lr =	sadd.s32 s0, s3;
	s0 =	sld [smem:$0x3FA8]  }
0x30: {  	s3 =	sld [smem:$0x3FAB]  }
0x31: {  	[smem:$0x3FB4] =	sst s10  }
0x32: {  	s10 =	sld [smem:$0x3FB2];
	_ =	sdelay $0x3  }
0x33: {  	p0 =	seq.s32 s10, $0x1;
	s10 =	sld [smem:$0x3FB4];
	_ =	sdelay $0x3  }
0x34: {  	[smem:$0x3FB4] =	sst s10  }
0x35: {  	s10 =	sld [smem:$0x3FB3];
	_ =	sdelay $0x3  }
0x36: {  	p1 =	seq.s32 s10, $0x1;
	s10 =	sld [smem:$0x3FB4];
	_ =	sdelay $0x3  }
0x37: {  	[smem:$0x3FB4] =	sst s10  }
0x38: {  	s10 =	sld [smem:$0x3FB5]  }
0x39: {  	_ = 	snop;
	(pc) =	sbr.ind lr, $3  }
0x3a: {  	_ = 	snop  }
0x3b: {  	_ = 	snop  }
0x3c: {  	p2 =	seq.s32 s10, $0x1;
	s10 =	sld [smem:$0x3FB4]  }
0x3d: {  	_ =	shalt  }
0x3e: {  	_ =	shalt  }
0x3f: {  	_ =	shalt  }
0x40: {  	_ =	shalt  }
0x41: {  	_ =	shalt  }
0x42: {  	_ =	shalt  }
0x43: {  	_ =	shalt  }
0x44: {  	_ =	shalt  }
0x45: {  	_ =	shalt  }
0x46: {  	_ =	shalt  }
0x47: {  	_ =	shalt  }
0x48: {  	_ =	shalt  }
0x49: {  	_ =	shalt  }
0x4a: {  	_ =	shalt  }
0x4b: {  	_ =	shalt  }
0x4c: {  	_ =	shalt  }
0x4d: {  	_ =	shalt  }
0x4e: {  	_ =	shalt  }
0x4f: {  	_ =	shalt  }
0x50: {  	_ =	shalt  }
0x51: {  	_ =	shalt  }
0x52: {  	_ =	shalt  }
0x53: {  	_ =	shalt  }
0x54: {  	_ =	shalt  }
0x55: {  	_ =	shalt  }
0x56: {  	_ =	shalt  }
0x57: {  	_ =	shalt  }
0x58: {  	_ =	shalt  }
0x59: {  	_ =	shalt  }
0x5a: {  	_ =	shalt  }
0x5b: {  	_ =	shalt  }
0x5c: {  	_ =	shalt  }
0x5d: {  	_ =	shalt  }
0x5e: {  	_ =	shalt  }
0x5f: {  	_ =	shalt  }
0x60: {  	_ =	shalt  }
0x61: {  	_ =	shalt  }
0x62: {  	_ =	shalt  }
0x63: {  	_ =	shalt  }
0x64: {  	_ =	shalt  }
0x65: {  	_ =	shalt  }
0x66: {  	_ =	shalt  }
0x67: {  	_ =	shalt  }
0x68: {  	_ =	shalt  }
0x69: {  	_ =	shalt  }
0x6a: {  	_ =	shalt  }
0x6b: {  	_ =	shalt  }
0x6c: {  	_ =	shalt  }
0x6d: {  	_ =	shalt  }
0x6e: {  	_ =	shalt  }
0x6f: {  	_ =	shalt  }
0x70: {  	_ =	shalt  }
0x71: {  	_ =	shalt  }
0x72: {  	_ =	shalt  }
0x73: {  	_ =	shalt  }
0x74: {  	_ =	shalt  }
0x75: {  	_ =	shalt  }
0x76: {  	_ =	shalt  }
0x77: {  	_ =	shalt  }
0x78: {  	_ =	shalt  }
0x79: {  	_ =	shalt  }
0x7a: {  	_ =	shalt  }
0x7b: {  	_ =	shalt  }
0x7c: {  	_ =	shalt  }
0x7d: {  	_ =	shalt  }
0x7e: {  	_ =	shalt  }
0x7f: {  	_ =	shalt  }
0x80: {  	_ =	shalt  }
0x81: {  	_ =	shalt  }
0x82: {  	_ =	shalt  }
0x83: {  	_ =	shalt  }
0x84: {  	_ =	shalt  }
0x85: {  	_ =	shalt  }
0x86: {  	_ =	shalt  }
0x87: {  	_ =	shalt  }
.Lfunc_end0:
.L_simem_size_0:
called_computation.2_lowered:
.L_overlay_start_0:
0x88: {  	s2 =	sld [smem:$0x3FD9]  }
0x89: {  	s3 =	sld [smem:$0x3FFE];
	_ =	sdelay $0x1  }
0x8a: {  	s1 =	srdreg.scid  }
0x8b: {  	s0 =	sand.u32 $0x1, s1  }
0x8c: {  	s17 =	sshll.u32 s0, $0xA;
	s2 =	sadd.s32 s3, s2  }
0x8d: {  	s2 =	sadd.s32 s2, s17  }
0x8e: {  	[smem:$0x3FC0] =	sst s2  }
0x8f: {  	_ = 	snop  }
0x90: {  	s2 =	sld [smem:$0x3FD0];
	(tm) =	ssettm $0x1  }
0x91: {  	s18 =	sld [smem:$0x3FFB];
	_ =	sdelay $0x3  }
0x92: {  	_ =	strace s18  }
0x93: {  	s3 =	sld [smem:$0x3FFC];
	_ =	sdelay $0x3  }
0x94: {  	_ =	strace s3  }
0x95: {  	s3 =	sld [smem:$0x3FFD];
	_ =	sdelay $0x3  }
0x96: {  	_ =	strace s3  }
0x97: {  	_ =	strace $0x8FFFFFFF  }
0x98: {  	s19 =	sld [smem:$0x3FDB];
	_ =	sdelay $0x1  }
0x99: {  	s4 =	simm.s32 $_scs_section_size  }
0x9a: {  	s5 =	simm.s32 $_size__tile_overlayer_lowered;
	s6 =	simm.s32 $_tile_overlayer_lowered  }
0x9b: {  	s22 =	simm.s32 $0x1BFF;
	s21 =	sshll.u32 s6, $0x1;
	s3 =	sadd.s32 s4, s19  }
0x9c: {  	s7 =	simm.s32 $0x0;
	s20 =	sshll.u32 s5, $0x1;
	s5 =	sadd.s32 s21, s3  }
0x9d: {  	[timem:s7], [sflag:s22] =	dma.local [hbm:s5], s20  }
0x9e: {  	_ =	swait.ge [sflag:s22], s20  }
0x9f: {  	s4 =	ssub.s32 $0x0, s20;
	[sflag:s22] =	ssyncset.done $0x0  }
0xa0: {  	[sflag:s22] =	ssyncadd.s32 s4;
	_ =	sdelay $0x1  }
0xa1: {  	s23 =	simm.s32 $0x1B8B  }
0xa2: {  	_ =	swait.ge [sflag:s23], $0x1  }
0xa3: {  	[sflag:s23] =	ssyncset.done $0x0  }
0xa4: {  	s25 =	simm.s32 $0x1B8E;
	s24 =	sld [smem:$0x3FFE];
	[sflag:s23] =	ssyncadd.s32 $0xFFFFFFFF  }
0xa5: {  	s26 =	simm.s32 $execute0_lowered;
	[smem:$0x3FD2] =	sst s25  }
0xa6: {  	s5 =	sshll.u32 s26, $0x1;
	_ =	strace $0x8000004C;
	[dreg:$0x1] =	wrdreg $0xFFFFFFFF  }
0xa7: {  	s28 =	simm.s32 $_size_execute0_lowered;
	s3 =	sadd.s32 s3, s5;
	[dreg:$0x0] =	wrdreg $0x0  }
0xa8: {  	s5 =	sshll.u32 s28, $0x1;
	[dreg:$0x2] =	wrdreg s3  }
0xa9: {  	[dreg:$0x3] =	wrdreg s5  }
0xaa: {  	[dreg:$0x4] =	wrdreg $0xC0  }
0xab: {  	_ =	task [dreg:s7], $0x5FFFF  }
0xac: {  	[dreg:$0x1] =	wrdreg $0xFFFFFFFF  }
0xad: {  	[dreg:$0x0] =	wrdreg $0x60  }
0xae: {  	[dreg:$0x2] =	wrdreg s2  }
0xaf: {  	[dreg:$0x3] =	wrdreg s24  }
0xb0: {  	[dreg:$0x4] =	wrdreg $0x0  }
0xb1: {  	[dreg:$0x5] =	wrdreg $0x9  }
0xb2: {  	_ =	task.clear_ibuf [dreg:s7], $0x6FFFF;
	_ =	strace $0x9000004C  }
0xb3: {  	s29 =	simm.s32 $0x9;
	_ =	strace $0x8000004E  }
0xb4: {  	_ =	swait.ge [sflag:s29], $0x1  }
0xb5: {  	[sflag:s29] =	ssyncadd.s32 $0xFFFFFFFF  }
0xb6: {  	_ =	strace $0x9000004E  }
0xb7: {  	_ =	sfence  }
0xb8: {  	s30 =	sld [smem:$0x0];
	_ =	sdelay $0x2  }
0xb9: {  	s31 =	sshll.u32 s1, $0xD;
	s1 =	sshrl.u32 s1, $0x2  }
0xba: {  	s3 =	sand.u32 $0x4000, s31;
	s1 =	sadd.s32 s1, s30  }
0xbb: {  	s0 =	sor.u32 s3, s0;
	s1 =	sshll.u32 s1, $0x11  }
0xbc: {  	s0 =	sor.u32 s1, s0  }
0xbd: {  	s0 =	sadd.s32 $0x8F2B, s0  }
0xbe: {  	[sflag:s0] =	ssyncadd.remote.s32 $0x1  }
0xbf: {  	_ =	sfence.sel $0xFFFF  }
0xc0: {  	[dreg:$0x0] =	wrdreg $0xFFFFFFFF;
	(pc) =	sbr.abs _section_cstart, $3  }
0xc1: {  	[dreg:$0x1] =	wrdreg $0xFFFFFFFF  }
0xc2: {  	_ =	task.clear_ibuf [dreg:s7], $0x2FFFF;
	_ =	strace $0x9FFFFFFF  }
0xc3: {  	(tm) =	ssettm $0x7FFFFFFF  }
tec
execute0_lowered:
.L_overlay_start_1:
0x0: {  	(tag) =	ssettag $0x1  }
0x1: {  	s1 =	rddreg [dreg:$0x0]  }
0x2: {  	s0 =	rddreg [dreg:$0x1]  }
0x3: {  	s3 =	rddreg [dreg:$0x2];
	s4 =	simm.s32 $0x0  }
0x4: {  	s5 =	stileid.u32;
	s2 =	srdreg.scid;
	s17 =	simm.s32 $0x189E0  }
0x5: {  	s18 =	simm.s32 $0xA;
	s19 =	simm.s32 $0x18800;
	s20 =	simm.s32 $0x188F0  }
0x6: {  	s21 =	simm.s32 $0x1A7E0;
	s24 =	simm.s32 $0x50;
	s12 =	simm.s32 $0x18940  }
0x7: {  	s23 =	simm.s32 $0x193E0;
	s6 =	smul.u32 $0xC40, s5;
	s7 =	sadd.s32 $0x665200, s0  }
0x8: {  	[smem:$0x7FF] =	sst s4;
	s10 =	sadd.s32 $0xC98200, s0;
	s15 =	smul.u32 $0x62000, s5  }
0x9: {  	s2 =	sand.u32 $0x1, s2;
	s11 =	sadd.s32 $0xC7FA00, s0;
	s13 =	smul.u32 $0x271, s5  }
0xa: {  	s9 =	sadd.s32 $0x4AA00, s0;
	s0 =	sadd.s32 $0xCB0A00, s0;
	s8 =	smul.u32 $0xC3500, s2  }
0xb: {  	s22 =	smul.u32 $0xC350, s2;
	s14 =	ssub.s32 $0x2, s2;
	[dreg:$0x4] =	wrdreg s6  }
0xc: {  	s6 =	smul.u32 $0xC350, s5;
	s30 =	sshrl.u32 s14, $0x1;
	s31 =	sshrl.u32 s15, $0x2  }
0xd: {  	s5 =	simm.s32 $0x5;
	s15 =	simm.s32 $0x4;
	_ =	strace $0x8000004D  }
0xe: {  	[dreg:$0x5] =	wrdreg s0;
	s0 =	ssub.s32 s14, s30;
	s14 =	smul.u32 $0x188000, s2  }
0xf: {  	s16 =	sadd.s32 s31, s3;
	s2 =	simm.s32 $0x1C5E0;
	s0 =	smax.u32 s0, $0x1  }
0x10: {  	v1 =	vimm.f32 $0.0e+00;
	v0 =	vmov s22;
	s22 =	simm.s32 $0x0;
	[dreg:$0x6] =	wrdreg s0;
	s0 =	simm.s32 $0x1  }
.LBB2_1:
0x11: {  	[dreg:$0x7] =	wrdreg s22;
	s22 =	simm.s32 $0x0;
	s25 =	simm.s32 $0x0  }
.LBB2_2:
0x12: {  	p0 =	sne.s32 s25, $0x37C0  }
.Ltmp0:
0x13: {  	_ = 	snop;
	(pc) =	sbr.rel @p0 .LBB2_2-.Ltmp0, $4  }
0x14: {  	s26 =	sand.u32 $0x3F80, s25  }
0x15: {  	s28 =	sand.u32 $0x10, s22;
	s26 =	sshrl.u32 s26, $0x2  }
0x16: {  	s26 =	sor.u32 s28, s26  }
0x17: {  	s22 =	sadd.s32 $0x10, s22;
	s25 =	sadd.s32 $0x40, s25;
	[tilespmem:s26+$0x189E0] =	vst v1  }
0x18: {  	s22 =	sadd.s32 $0x0, s16  }
0x19: {  	[spmem:s22] =	stream.linear.scatter [tilespmem:s17], [sflag:$0xA], $0xE00, $0x38;
	[tilespmem:$0x1E3E0] =	vst v63  }
0x1a: {  	s22 =	simm.s32 $0x3800;
	_ =	swait.ge [sflag:s18], $0xE00  }
.LBB2_4:
0x1b: {  	s25 =	sshra.s32 s22, $0x2;
	[sflag:s18] =	ssyncset.done $0x0;
	p0 =	sne.s32 s22, $0x5E800  }
.Ltmp1:
0x1c: {  	s25 =	sadd.s32 s25, s16;
	[sflag:s18] =	ssyncadd.s32 $0xFFFFF200;
	(pc) =	sbr.rel @p0 .LBB2_4-.Ltmp1, $3  }
0x1d: {  	[spmem:s25] =	stream.linear.scatter [tilespmem:s17], [sflag:$0xA], $0xE00, $0x38;
	[tilespmem:$0x1E3E0] =	vst v63  }
0x1e: {  	s22 =	sadd.s32 $0x3800, s22;
	_ =	sdelay $0x1  }
0x1f: {  	_ =	swait.ge [sflag:s18], $0xE00  }
0x20: {  	[sflag:s18] =	ssyncset.done $0x0  }
0x21: {  	[sflag:s18] =	ssyncadd.s32 $0xFFFFF200  }
0x22: {  	s26 =	simm.s32 $0x0;
	[bflag:$0x0] =	sbarrier.arrive $0xFFFF  }
.LBB2_6:
0x23: {  	s29 =	smul.u32 $0x3, s26;
	_ =	sdelay $0x1  }
0x24: {  	s22 =	sadd.s32 $0xFFFFFFFD, s29  }
0x25: {  	s30 =	smul.u32 $0xF0, s26;
	p0 =	sgt.u32 s22, $0x26D  }
0x26: {  	s25 =	simm.s32 @!p0 $0x7  }
0x27: {  	s22 =	sadd.s32 s6, s30;
	s30 =	sadd.s32 s13, s29;
	_ =	swait.ge @!p0 [sflag:s25], $0xA00  }
0x28: {  	s28 =	sshrl.u32 s22, $0x3;
	s31 =	smul.u32 $0xA, s30;
	[sflag:s25] =	ssyncset.done @!p0 $0x0  }
0x29: {  	s22 =	sadd.s32 s8, s22;
	[sflag:s25] =	ssyncadd.s32 @!p0 $0xFFFFF600;
	s25 =	sadd.s32 s10, s28  }
0x2a: {  	[tilespmem:s19], [sflag:$0x1] =	stream.linear.gather [hbm4b:s25+s4], $0x50, $0x38;
	[tilespmem:$0x1E3E0] =	vst v63  }
0x2b: {  	s22 =	sshll.u32 s22, $0x2;
	s28 =	sadd.s32 s11, s31  }
0x2c: {  	[tilespmem:s20], [sflag:$0x1] =	stream.linear.gather [hbm4b:s28+s4], $0x50, $0x38;
	[tilespmem:$0x1E3E0] =	vst v63  }
0x2d: {  	s30 =	sadd.s32 s9, s22;
	s31 =	sadd.s32 $0xFFFFFFFF, s29  }
0x2e: {  	[tilespmem:s21], [sflag:$0x1] =	stream.linear.gather [hbm4b:s30+s4], $0xA00, $0x38;
	[tilespmem:$0x1E3E0] =	vst v63  }
0x2f: {  	s22 =	sadd.s32 s7, s22;
	p0 =	sgt.u32 s31, $0x270  }
0x30: {  	[tilespmem:s2], [sflag:$0x1] =	stream.linear.gather [hbm4b:s22+s4], $0xA00, $0x38;
	[tilespmem:$0x1E3E0] =	vst v63  }
0x31: {  	s22 =	simm.s32 @!p0 $0x3  }
0x32: {  	_ =	swait.ge @!p0 [sflag:s22], $0x50  }
0x33: {  	[sflag:s22] =	ssyncset.done @!p0 $0x0  }
0x34: {  	[sflag:s22] =	ssyncadd.s32 @!p0 $0xFFFFFFB0  }
0x35: {  	_ =	swait.ge @!p0 [sflag:s22], $0x50  }
0x36: {  	[sflag:s22] =	ssyncset.done @!p0 $0x0  }
0x37: {  	[sflag:s22] =	ssyncadd.s32 @!p0 $0xFFFFFFB0  }
0x38: {  	_ =	swait.ge @!p0 [sflag:s22], $0xA00  }
0x39: {  	[sflag:s22] =	ssyncset.done @!p0 $0x0  }
0x3a: {  	[sflag:s22] =	ssyncadd.s32 @!p0 $0xFFFFF600  }
0x3b: {  	_ =	swait.ge @!p0 [sflag:s22], $0xA00  }
0x3c: {  	[sflag:s22] =	ssyncset.done @!p0 $0x0  }
0x3d: {  	[sflag:s22] =	ssyncadd.s32 @!p0 $0xFFFFF600  }
0x3e: {  	v2 =	vld @!p0 [tilespmem:$0x188A0]  }
0x3f: {  	v3 =	vld @!p0 [tilespmem:$0x188B0]  }
0x40: {  	v4 =	vld @!p0 [tilespmem:$0x188C0]  }
0x41: {  	v5 =	vld @!p0 [tilespmem:$0x188D0]  }
0x42: {  	v6 =	vld @!p0 [tilespmem:$0x188E0]  }
0x43: {  	v2 =	vadd.s32 @!p0 v0, v2  }
0x44: {  	[tilespmem:$0x188A0] =	vst @!p0 v2;
	v2 =	vadd.s32 @!p0 v0, v3  }
0x45: {  	[tilespmem:$0x188B0] =	vst @!p0 v2;
	v2 =	vadd.s32 @!p0 v0, v4  }
0x46: {  	[tilespmem:$0x188C0] =	vst @!p0 v2;
	v2 =	vadd.s32 @!p0 v0, v5  }
0x47: {  	[tilespmem:$0x188D0] =	vst @!p0 v2;
	v2 =	vadd.s32 @!p0 v0, v6  }
0x48: {  	s25 =	simm.s32 @!p0 $0x188A0;
	s28 =	simm.s32 @!p0 $0x19DE0;
	s22 =	simm.s32 @!p0 $0x50;
	[tilespmem:$0x188E0] =	vst @!p0 v2  }
0x49: {  	[tilespmem:s28], [sflag:$0x6] =	stream.indirect.gather @!p0 [hbm4b:s1+s22], $0x20, s25, s22, $0xb8;
	[tilespmem:$0x1E3E0] =	vst v63  }
0x4a: {  	s22 =	sadd.s32 @!p0 $0xFFFFFFFE, s29  }
0x4b: {  	p1 =	sgt.u32 @!p0 s22, $0x270  }
0x4c: {  	p1 =	por p0, p1  }
.Ltmp2:
0x4d: {  	_ = 	snop;
	(pc) =	sbr.rel @p1 .LBB2_26-.Ltmp2, $1  }
0x4e: {  	_ =	sdelay $0x3  }
0x4f: {  	_ =	swait.ge [sflag:s5], $0xA00  }
0x50: {  	[sflag:s5] =	ssyncset.done $0x0  }
0x51: {  	s30 =	simm.s32 $0x0;
	[sflag:s5] =	ssyncadd.s32 $0xFFFFF600  }
0x52: {  	v7 =	vld [tilespmem:s30+$0x1CFE0]  }
0x53: {  	v6 =	vld [tilespmem:s30+$0x1CFF0]  }
0x54: {  	v5 =	vld [tilespmem:s30+$0x1D000]  }
0x55: {  	v4 =	vld [tilespmem:s30+$0x1D010]  }
0x56: {  	v3 =	vld [tilespmem:s30+$0x1D020]  }
0x57: {  	v2 =	vld [tilespmem:s30+$0x1D030]  }
0x58: {  	v14 =	vld [tilespmem:s30+$0x1B1E0]  }
0x59: {  	v19 =	vld [tilespmem:s30+$0x1B1F0]  }
0x5a: {  	v13 =	vld [tilespmem:s30+$0x1B200]  }
0x5b: {  	v12 =	vld [tilespmem:s30+$0x1B210]  }
0x5c: {  	v11 =	vld [tilespmem:s30+$0x1B220]  }
0x5d: {  	v10 =	vld [tilespmem:s30+$0x1B230]  }
0x5e: {  	v9 =	vld [tilespmem:s30+$0x1B240]  }
0x5f: {  	v8 =	vld [tilespmem:s30+$0x1B250]  }
0x60: {  	v20 =	vld [tilespmem:s30+$0x193E0]  }
0x61: {  	v21 =	vld [tilespmem:s30+$0x193F0]  }
0x62: {  	v18 =	vld [tilespmem:s30+$0x19400]  }
0x63: {  	v17 =	vld [tilespmem:s30+$0x19410]  }
0x64: {  	v16 =	vld [tilespmem:s30+$0x19420]  }
0x65: {  	v15 =	vld [tilespmem:s30+$0x19430];
	v20 =	vmul.f32 v14, v20  }
0x66: {  	s31 =	simm.s32 $0x200;
	v19 =	vmul.f32 v19, v21;
	v14 =	vld [tilespmem:s30+$0x19440]  }
.LBB2_8:
0x67: {  	p1 =	seq.s32 s31, $0x2600;
	v7 =	vadd.f32 v7, v20;
	v13 =	vmul.f32 v13, v18;
	v18 =	vld [tilespmem:s30+$0x19450]  }
0x68: {  	v6 =	vadd.f32 v6, v19;
	v12 =	vmul.f32 v12, v17;
	v17 =	vld [tilespmem:s30+$0x1D040]  }
0x69: {  	s22 =	sshra.s32 s31, $0x2;
	[tilespmem:s30+$0x193E0] =	vst v7;
	v5 =	vadd.f32 v5, v13;
	v11 =	vmul.f32 v11, v16;
	v13 =	vld [tilespmem:s30+$0x1D050]  }
0x6a: {  	v7 =	vld [tilespmem:s22+$0x1CFE0];
	[tilespmem:s30+$0x193F0] =	vst v6;
	v4 =	vadd.f32 v4, v12;
	v10 =	vmul.f32 v10, v15  }
0x6b: {  	v6 =	vld [tilespmem:s22+$0x1CFF0];
	[tilespmem:s30+$0x19400] =	vst v5;
	v3 =	vadd.f32 v3, v11;
	v9 =	vmul.f32 v9, v14  }
0x6c: {  	v5 =	vld [tilespmem:s22+$0x1D000];
	[tilespmem:s30+$0x19410] =	vst v4;
	v2 =	vadd.f32 v2, v10;
	v8 =	vmul.f32 v8, v18  }
0x6d: {  	v4 =	vld [tilespmem:s22+$0x1D010];
	[tilespmem:s30+$0x19420] =	vst v3;
	v9 =	vadd.f32 v17, v9  }
0x6e: {  	v3 =	vld [tilespmem:s22+$0x1D020];
	[tilespmem:s30+$0x19430] =	vst v2;
	v8 =	vadd.f32 v13, v8  }
0x6f: {  	v2 =	vld [tilespmem:s22+$0x1D030];
	[tilespmem:s30+$0x19440] =	vst v9  }
0x70: {  	v14 =	vld [tilespmem:s22+$0x1B1E0];
	[tilespmem:s30+$0x19450] =	vst v8;
	s30 =	smov.u32 s22  }
0x71: {  	v19 =	vld [tilespmem:s30+$0x1B1F0]  }
0x72: {  	v13 =	vld [tilespmem:s30+$0x1B200]  }
0x73: {  	v12 =	vld [tilespmem:s30+$0x1B210]  }
0x74: {  	v11 =	vld [tilespmem:s30+$0x1B220]  }
0x75: {  	v10 =	vld [tilespmem:s30+$0x1B230]  }
0x76: {  	v9 =	vld [tilespmem:s30+$0x1B240]  }
0x77: {  	v8 =	vld [tilespmem:s30+$0x1B250]  }
0x78: {  	v15 =	vld [tilespmem:s30+$0x193E0]  }
0x79: {  	v21 =	vld [tilespmem:s30+$0x193F0]  }
.Ltmp3:
0x7a: {  	v18 =	vld [tilespmem:s30+$0x19400];
	(pc) =	sbr.rel @!p1 .LBB2_8-.Ltmp3, $4  }
0x7b: {  	v17 =	vld [tilespmem:s30+$0x19410]  }
0x7c: {  	v16 =	vld [tilespmem:s30+$0x19420]  }
0x7d: {  	v20 =	vmul.f32 v14, v15;
	v15 =	vld [tilespmem:s30+$0x19430]  }
0x7e: {  	s31 =	sadd.s32 $0x200, s31;
	v19 =	vmul.f32 v19, v21;
	v14 =	vld [tilespmem:s30+$0x19440]  }
0x7f: {  	v7 =	vadd.f32 v7, v20;
	v57 =	vld [tilespmem:s30+$0x19450];
	v13 =	vmul.f32 v13, v18  }
0x80: {  	v58 =	vld [tilespmem:s30+$0x1D040];
	v6 =	vadd.f32 v6, v19;
	v12 =	vmul.f32 v12, v17  }
0x81: {  	v60 =	vld [tilespmem:s30+$0x1D050];
	[tilespmem:s30+$0x193E0] =	vst v7;
	v5 =	vadd.f32 v5, v13;
	v59 =	vmul.f32 v11, v16  }
0x82: {  	[tilespmem:s30+$0x193F0] =	vst v6;
	v4 =	vadd.f32 v4, v12;
	v61 =	vmul.f32 v10, v15  }
0x83: {  	[tilespmem:s30+$0x19400] =	vst v5;
	v3 =	vadd.f32 v3, v59;
	v62 =	vmul.f32 v9, v14  }
0x84: {  	p1 =	sgt.u32 s26, $0xCF;
	[tilespmem:s30+$0x19410] =	vst v4;
	v2 =	vadd.f32 v2, v61;
	v63 =	vmul.f32 v8, v57  }
.Ltmp4:
0x85: {  	[tilespmem:s30+$0x19420] =	vst v3;
	v3 =	vadd.f32 v58, v62;
	(pc) =	sbr.rel @p1 .LBB2_11-.Ltmp4, $4  }
0x86: {  	[tilespmem:s30+$0x19430] =	vst v2;
	v2 =	vadd.f32 v60, v63  }
0x87: {  	[tilespmem:s30+$0x19440] =	vst v3  }
0x88: {  	[tilespmem:s30+$0x19450] =	vst v2  }
0x89: {  	[spmem:s3] =	stream.indirect.scatter.add.f32 [tilespmem:s23], [sflag:$0x8], $0x20, s12, s24, $0xb8;
	[tilespmem:$0x1E3E0] =	vst v63  }
.Ltmp5:
0x8a: {  	(pc) =	sbr.rel .LBB2_12-.Ltmp5, $4  }
0x8b: {  	s22 =	simm.s32 $0x8  }
0x8c: {  	_ =	swait.ge [sflag:s22], $0xA00  }
0x8d: {  	[sflag:s22] =	ssyncset.done $0x0  }
0x8e: {  	[sflag:s22] =	ssyncadd.s32 $0xFFFFF600  }
.LBB2_26:
0x8f: {  	p2 =	seq.s32 s26, $0xD0  }
.Ltmp6:
0x90: {  	_ = 	snop;
	(pc) =	sbr.rel @p2 .LBB2_13-.Ltmp6, $2  }
0x91: {  	_ =	sdelay $0x2  }
0x92: {  	p1 =	por $0x1, $0x1  }
.LBB2_12:
0x93: {  	s22 =	sadd.s32 $0x1, s29  }
0x94: {  	s25 =	smul.u32 $0x50, s22;
	_ =	sdelay $0x1  }
0x95: {  	s25 =	sadd.s32 s6, s25  }
0x96: {  	s30 =	simm.s32 $0x18850;
	s22 =	sadd.s32 s13, s22;
	s28 =	sshrl.u32 s25, $0x3  }
0x97: {  	s22 =	smul.u32 $0xA, s22;
	s25 =	sadd.s32 s8, s25;
	s28 =	sadd.s32 s10, s28  }
0x98: {  	[tilespmem:s30], [sflag:$0x2] =	stream.linear.gather [hbm4b:s28+s4], $0x50, $0x38;
	[tilespmem:$0x1E3E0] =	vst v63  }
0x99: {  	s22 =	sadd.s32 s11, s22;
	s30 =	sshll.u32 s25, $0x2  }
0x9a: {  	[tilespmem:s12], [sflag:$0x2] =	stream.linear.gather [hbm4b:s22+s4], $0x50, $0x38;
	[tilespmem:$0x1E3E0] =	vst v63  }
0x9b: {  	s22 =	sand.u32 $0x1FFFFFC0, s30  }
0x9c: {  	s30 =	simm.s32 $0x1B1E0;
	s31 =	sadd.s32 s9, s22  }
0x9d: {  	[tilespmem:s30], [sflag:$0x2] =	stream.linear.gather [hbm4b:s31+s4], $0xA00, $0x38;
	[tilespmem:$0x1E3E0] =	vst v63  }
0x9e: {  	p1 =	por $0x0, $0x0;
	s22 =	sadd.s32 s7, s22;
	s31 =	simm.s32 $0x1CFE0  }
0x9f: {  	[tilespmem:s31], [sflag:$0x2] =	stream.linear.gather [hbm4b:s22+s4], $0xA00, $0x38;
	[tilespmem:$0x1E3E0] =	vst v63  }
.LBB2_13:
0xa0: {  	_ =	swait.ge [sflag:s0], $0x50  }
0xa1: {  	[sflag:s0] =	ssyncset.done $0x0  }
0xa2: {  	[sflag:s0] =	ssyncadd.s32 $0xFFFFFFB0  }
0xa3: {  	_ =	swait.ge [sflag:s0], $0x50  }
0xa4: {  	[sflag:s0] =	ssyncset.done $0x0  }
0xa5: {  	[sflag:s0] =	ssyncadd.s32 $0xFFFFFFB0  }
0xa6: {  	_ =	swait.ge [sflag:s0], $0xA00  }
0xa7: {  	[sflag:s0] =	ssyncset.done $0x0  }
0xa8: {  	[sflag:s0] =	ssyncadd.s32 $0xFFFFF600  }
0xa9: {  	_ =	swait.ge [sflag:s0], $0xA00  }
0xaa: {  	[sflag:s0] =	ssyncset.done $0x0  }
0xab: {  	[sflag:s0] =	ssyncadd.s32 $0xFFFFF600  }
0xac: {  	v2 =	vld [tilespmem:$0x18800]  }
0xad: {  	v3 =	vld [tilespmem:$0x18810]  }
0xae: {  	v4 =	vld [tilespmem:$0x18820]  }
0xaf: {  	v5 =	vld [tilespmem:$0x18830]  }
0xb0: {  	v6 =	vld [tilespmem:$0x18840]  }
0xb1: {  	v2 =	vadd.s32 v0, v2  }
0xb2: {  	[tilespmem:$0x18800] =	vst v2;
	v2 =	vadd.s32 v0, v3  }
.Ltmp7:
0xb3: {  	[tilespmem:$0x18810] =	vst v2;
	v2 =	vadd.s32 v0, v4;
	(pc) =	sbr.rel @p0 .LBB2_17-.Ltmp7, $4  }
0xb4: {  	[tilespmem:$0x18820] =	vst v2;
	v2 =	vadd.s32 v0, v5  }
0xb5: {  	[tilespmem:$0x18830] =	vst v2;
	v2 =	vadd.s32 v0, v6  }
0xb6: {  	[tilespmem:$0x18840] =	vst v2  }
0xb7: {  	[tilespmem:s17], [sflag:$0x4] =	stream.indirect.gather [hbm4b:s1+s24], $0x20, s19, s24, $0xb8;
	[tilespmem:$0x1E3E0] =	vst v63  }
0xb8: {  	s22 =	simm.s32 $0x6  }
0xb9: {  	_ =	swait.ge [sflag:s22], $0xA00  }
0xba: {  	[sflag:s22] =	ssyncset.done $0x0  }
0xbb: {  	s30 =	simm.s32 $0x0;
	[sflag:s22] =	ssyncadd.s32 $0xFFFFF600  }
0xbc: {  	v7 =	vld [tilespmem:s30+$0x1D9E0]  }
0xbd: {  	v6 =	vld [tilespmem:s30+$0x1D9F0]  }
0xbe: {  	v5 =	vld [tilespmem:s30+$0x1DA00]  }
0xbf: {  	v4 =	vld [tilespmem:s30+$0x1DA10]  }
0xc0: {  	v3 =	vld [tilespmem:s30+$0x1DA20]  }
0xc1: {  	v2 =	vld [tilespmem:s30+$0x1DA30]  }
0xc2: {  	v14 =	vld [tilespmem:s30+$0x1BBE0]  }
0xc3: {  	v19 =	vld [tilespmem:s30+$0x1BBF0]  }
0xc4: {  	v13 =	vld [tilespmem:s30+$0x1BC00]  }
0xc5: {  	v12 =	vld [tilespmem:s30+$0x1BC10]  }
0xc6: {  	v11 =	vld [tilespmem:s30+$0x1BC20]  }
0xc7: {  	v10 =	vld [tilespmem:s30+$0x1BC30]  }
0xc8: {  	v9 =	vld [tilespmem:s30+$0x1BC40]  }
0xc9: {  	v8 =	vld [tilespmem:s30+$0x1BC50]  }
0xca: {  	v20 =	vld [tilespmem:s30+$0x19DE0]  }
0xcb: {  	v21 =	vld [tilespmem:s30+$0x19DF0]  }
0xcc: {  	v18 =	vld [tilespmem:s30+$0x19E00]  }
0xcd: {  	v17 =	vld [tilespmem:s30+$0x19E10]  }
0xce: {  	v16 =	vld [tilespmem:s30+$0x19E20]  }
0xcf: {  	v15 =	vld [tilespmem:s30+$0x19E30];
	v20 =	vmul.f32 v14, v20  }
0xd0: {  	s31 =	simm.s32 $0x200;
	v19 =	vmul.f32 v19, v21;
	v14 =	vld [tilespmem:s30+$0x19E40]  }
.LBB2_15:
0xd1: {  	p0 =	sne.s32 s31, $0x2600;
	v7 =	vadd.f32 v7, v20;
	v13 =	vmul.f32 v13, v18;
	v18 =	vld [tilespmem:s30+$0x19E50]  }
0xd2: {  	v6 =	vadd.f32 v6, v19;
	v12 =	vmul.f32 v12, v17;
	v17 =	vld [tilespmem:s30+$0x1DA40]  }
0xd3: {  	s22 =	sshra.s32 s31, $0x2;
	[tilespmem:s30+$0x19DE0] =	vst v7;
	v5 =	vadd.f32 v5, v13;
	v11 =	vmul.f32 v11, v16;
	v13 =	vld [tilespmem:s30+$0x1DA50]  }
0xd4: {  	v7 =	vld [tilespmem:s22+$0x1D9E0];
	[tilespmem:s30+$0x19DF0] =	vst v6;
	v4 =	vadd.f32 v4, v12;
	v10 =	vmul.f32 v10, v15  }
0xd5: {  	v6 =	vld [tilespmem:s22+$0x1D9F0];
	[tilespmem:s30+$0x19E00] =	vst v5;
	v3 =	vadd.f32 v3, v11;
	v9 =	vmul.f32 v9, v14  }
0xd6: {  	v5 =	vld [tilespmem:s22+$0x1DA00];
	[tilespmem:s30+$0x19E10] =	vst v4;
	v2 =	vadd.f32 v2, v10;
	v8 =	vmul.f32 v8, v18  }
0xd7: {  	v4 =	vld [tilespmem:s22+$0x1DA10];
	[tilespmem:s30+$0x19E20] =	vst v3;
	v9 =	vadd.f32 v17, v9  }
0xd8: {  	v3 =	vld [tilespmem:s22+$0x1DA20];
	[tilespmem:s30+$0x19E30] =	vst v2;
	v8 =	vadd.f32 v13, v8  }
0xd9: {  	v2 =	vld [tilespmem:s22+$0x1DA30];
	[tilespmem:s30+$0x19E40] =	vst v9  }
0xda: {  	v14 =	vld [tilespmem:s22+$0x1BBE0];
	[tilespmem:s30+$0x19E50] =	vst v8;
	s30 =	smov.u32 s22  }
0xdb: {  	v19 =	vld [tilespmem:s30+$0x1BBF0]  }
0xdc: {  	v13 =	vld [tilespmem:s30+$0x1BC00]  }
0xdd: {  	v12 =	vld [tilespmem:s30+$0x1BC10]  }
0xde: {  	v11 =	vld [tilespmem:s30+$0x1BC20]  }
0xdf: {  	v10 =	vld [tilespmem:s30+$0x1BC30]  }
0xe0: {  	v9 =	vld [tilespmem:s30+$0x1BC40]  }
0xe1: {  	v8 =	vld [tilespmem:s30+$0x1BC50]  }
0xe2: {  	v15 =	vld [tilespmem:s30+$0x19DE0]  }
0xe3: {  	v21 =	vld [tilespmem:s30+$0x19DF0]  }
.Ltmp8:
0xe4: {  	v18 =	vld [tilespmem:s30+$0x19E00];
	(pc) =	sbr.rel @p0 .LBB2_15-.Ltmp8, $4  }
0xe5: {  	v17 =	vld [tilespmem:s30+$0x19E10]  }
0xe6: {  	v16 =	vld [tilespmem:s30+$0x19E20]  }
0xe7: {  	v20 =	vmul.f32 v14, v15;
	v15 =	vld [tilespmem:s30+$0x19E30]  }
0xe8: {  	s31 =	sadd.s32 $0x200, s31;
	v19 =	vmul.f32 v19, v21;
	v14 =	vld [tilespmem:s30+$0x19E40]  }
0xe9: {  	v7 =	vadd.f32 v7, v20;
	v57 =	vld [tilespmem:s30+$0x19E50];
	v13 =	vmul.f32 v13, v18  }
0xea: {  	v58 =	vld [tilespmem:s30+$0x1DA40];
	v6 =	vadd.f32 v6, v19;
	v12 =	vmul.f32 v12, v17  }
0xeb: {  	v60 =	vld [tilespmem:s30+$0x1DA50];
	[tilespmem:s30+$0x19DE0] =	vst v7;
	v5 =	vadd.f32 v5, v13;
	v59 =	vmul.f32 v11, v16  }
0xec: {  	[tilespmem:s30+$0x19DF0] =	vst v6;
	v4 =	vadd.f32 v4, v12;
	v61 =	vmul.f32 v10, v15  }
0xed: {  	[tilespmem:s30+$0x19E00] =	vst v5;
	v3 =	vadd.f32 v3, v59;
	v62 =	vmul.f32 v9, v14  }
0xee: {  	[tilespmem:s30+$0x19E10] =	vst v4;
	v2 =	vadd.f32 v2, v61;
	v63 =	vmul.f32 v8, v57  }
0xef: {  	[tilespmem:s30+$0x19E20] =	vst v3;
	v3 =	vadd.f32 v58, v62  }
0xf0: {  	[tilespmem:s30+$0x19E30] =	vst v2;
	v2 =	vadd.f32 v60, v63  }
0xf1: {  	[tilespmem:s30+$0x19E40] =	vst v3  }
0xf2: {  	s22 =	simm.s32 $0x18990;
	s25 =	simm.s32 $0x19DE0;
	p0 =	sgt.u32 s26, $0xCF;
	[tilespmem:s30+$0x19E50] =	vst v2  }
0xf3: {  	[spmem:s3] =	stream.indirect.scatter.add.f32 [tilespmem:s25], [sflag:$0x9], $0x20, s22, s24, $0xb8;
	[tilespmem:$0x1E3E0] =	vst v63  }
0xf4: {  	s22 =	simm.s32 @!p0 $0x9  }
0xf5: {  	_ =	swait.ge @!p0 [sflag:s22], $0xA00  }
0xf6: {  	[sflag:s22] =	ssyncset.done @!p0 $0x0  }
0xf7: {  	[sflag:s22] =	ssyncadd.s32 @!p0 $0xFFFFF600  }
.LBB2_17:
0xf8: {  	s22 =	sadd.s32 @!p1 $0x2, s29  }
0xf9: {  	s25 =	smul.u32 @!p1 $0x50, s22;
	_ =	sdelay $0x1  }
0xfa: {  	s25 =	sadd.s32 @!p1 s6, s25  }
0xfb: {  	s29 =	simm.s32 @!p1 $0x0;
	s22 =	sadd.s32 @!p1 s13, s22;
	s28 =	sshrl.u32 @!p1 s25, $0x3  }
0xfc: {  	s30 =	simm.s32 @!p1 $0x188A0;
	s22 =	smul.u32 @!p1 $0xA, s22;
	s28 =	sadd.s32 @!p1 s10, s28  }
0xfd: {  	[tilespmem:s30], [sflag:$0x3] =	stream.linear.gather @!p1 [hbm4b:s28+s29], $0x50, $0x38;
	[tilespmem:$0x1E3E0] =	vst v63  }
0xfe: {  	s25 =	sadd.s32 @!p1 s8, s25;
	s22 =	sadd.s32 @!p1 s11, s22;
	s28 =	simm.s32 @!p1 $0x18990  }
0xff: {  	[tilespmem:s28], [sflag:$0x3] =	stream.linear.gather @!p1 [hbm4b:s22+s29], $0x50, $0x38;
	[tilespmem:$0x1E3E0] =	vst v63  }
0x100: {  	s22 =	sshll.u32 @!p1 s25, $0x2  }
0x101: {  	s22 =	sand.u32 @!p1 $0x1FFFFFC0, s22  }
0x102: {  	s28 =	simm.s32 @!p1 $0x1BBE0;
	s25 =	sadd.s32 @!p1 s9, s22  }
0x103: {  	[tilespmem:s28], [sflag:$0x3] =	stream.linear.gather @!p1 [hbm4b:s25+s29], $0xA00, $0x38;
	[tilespmem:$0x1E3E0] =	vst v63  }
0x104: {  	s22 =	sadd.s32 @!p1 s7, s22;
	s25 =	simm.s32 @!p1 $0x1D9E0  }
0x105: {  	[tilespmem:s25], [sflag:$0x3] =	stream.linear.gather @!p1 [hbm4b:s22+s29], $0xA00, $0x38;
	[tilespmem:$0x1E3E0] =	vst v63  }
0x106: {  	s22 =	simm.s32 @!p1 $0x2  }
0x107: {  	_ =	swait.ge @!p1 [sflag:s22], $0x50  }
0x108: {  	[sflag:s22] =	ssyncset.done @!p1 $0x0  }
0x109: {  	[sflag:s22] =	ssyncadd.s32 @!p1 $0xFFFFFFB0  }
0x10a: {  	_ =	swait.ge @!p1 [sflag:s22], $0x50  }
0x10b: {  	[sflag:s22] =	ssyncset.done @!p1 $0x0  }
0x10c: {  	[sflag:s22] =	ssyncadd.s32 @!p1 $0xFFFFFFB0  }
0x10d: {  	_ =	swait.ge @!p1 [sflag:s22], $0xA00  }
0x10e: {  	[sflag:s22] =	ssyncset.done @!p1 $0x0  }
0x10f: {  	[sflag:s22] =	ssyncadd.s32 @!p1 $0xFFFFF600  }
0x110: {  	_ =	swait.ge @!p1 [sflag:s22], $0xA00  }
0x111: {  	[sflag:s22] =	ssyncset.done @!p1 $0x0  }
0x112: {  	[sflag:s22] =	ssyncadd.s32 @!p1 $0xFFFFF600  }
0x113: {  	v2 =	vld @!p1 [tilespmem:$0x18850]  }
0x114: {  	v3 =	vld @!p1 [tilespmem:$0x18860]  }
0x115: {  	v4 =	vld @!p1 [tilespmem:$0x18870]  }
0x116: {  	v5 =	vld @!p1 [tilespmem:$0x18880]  }
0x117: {  	v6 =	vld @!p1 [tilespmem:$0x18890]  }
0x118: {  	v2 =	vadd.s32 @!p1 v0, v2  }
0x119: {  	[tilespmem:$0x18850] =	vst @!p1 v2;
	v2 =	vadd.s32 @!p1 v0, v3  }
0x11a: {  	[tilespmem:$0x18860] =	vst @!p1 v2;
	v2 =	vadd.s32 @!p1 v0, v4  }
0x11b: {  	[tilespmem:$0x18870] =	vst @!p1 v2;
	v2 =	vadd.s32 @!p1 v0, v5  }
0x11c: {  	[tilespmem:$0x18880] =	vst @!p1 v2;
	v2 =	vadd.s32 @!p1 v0, v6  }
0x11d: {  	s28 =	simm.s32 @!p1 $0x193E0;
	s25 =	simm.s32 @!p1 $0x18850;
	s22 =	simm.s32 @!p1 $0x50;
	[tilespmem:$0x18890] =	vst @!p1 v2  }
0x11e: {  	[tilespmem:s28], [sflag:$0x5] =	stream.indirect.gather @!p1 [hbm4b:s1+s22], $0x20, s25, s22, $0xb8;
	[tilespmem:$0x1E3E0] =	vst v63  }
0x11f: {  	_ =	swait.ge [sflag:s15], $0xA00  }
0x120: {  	[sflag:s15] =	ssyncset.done $0x0  }
0x121: {  	s29 =	simm.s32 $0x0;
	[sflag:s15] =	ssyncadd.s32 $0xFFFFF600  }
0x122: {  	v7 =	vld [tilespmem:s29+$0x1C5E0]  }
0x123: {  	v6 =	vld [tilespmem:s29+$0x1C5F0]  }
0x124: {  	v5 =	vld [tilespmem:s29+$0x1C600]  }
0x125: {  	v4 =	vld [tilespmem:s29+$0x1C610]  }
0x126: {  	v3 =	vld [tilespmem:s29+$0x1C620]  }
0x127: {  	v2 =	vld [tilespmem:s29+$0x1C630]  }
0x128: {  	v14 =	vld [tilespmem:s29+$0x1A7E0]  }
0x129: {  	v19 =	vld [tilespmem:s29+$0x1A7F0]  }
0x12a: {  	v13 =	vld [tilespmem:s29+$0x1A800]  }
0x12b: {  	v12 =	vld [tilespmem:s29+$0x1A810]  }
0x12c: {  	v11 =	vld [tilespmem:s29+$0x1A820]  }
0x12d: {  	v10 =	vld [tilespmem:s29+$0x1A830]  }
0x12e: {  	v9 =	vld [tilespmem:s29+$0x1A840]  }
0x12f: {  	v8 =	vld [tilespmem:s29+$0x1A850]  }
0x130: {  	v20 =	vld [tilespmem:s29+$0x189E0]  }
0x131: {  	v21 =	vld [tilespmem:s29+$0x189F0]  }
0x132: {  	v18 =	vld [tilespmem:s29+$0x18A00]  }
0x133: {  	v17 =	vld [tilespmem:s29+$0x18A10]  }
0x134: {  	v16 =	vld [tilespmem:s29+$0x18A20]  }
0x135: {  	v15 =	vld [tilespmem:s29+$0x18A30];
	v20 =	vmul.f32 v14, v20  }
0x136: {  	s30 =	simm.s32 $0x200;
	v19 =	vmul.f32 v19, v21;
	v14 =	vld [tilespmem:s29+$0x18A40]  }
.LBB2_18:
0x137: {  	p0 =	sne.s32 s30, $0x2600;
	v7 =	vadd.f32 v7, v20;
	v13 =	vmul.f32 v13, v18;
	v18 =	vld [tilespmem:s29+$0x18A50]  }
0x138: {  	v6 =	vadd.f32 v6, v19;
	v12 =	vmul.f32 v12, v17;
	v17 =	vld [tilespmem:s29+$0x1C640]  }
0x139: {  	s22 =	sshra.s32 s30, $0x2;
	[tilespmem:s29+$0x189E0] =	vst v7;
	v5 =	vadd.f32 v5, v13;
	v11 =	vmul.f32 v11, v16;
	v13 =	vld [tilespmem:s29+$0x1C650]  }
0x13a: {  	v7 =	vld [tilespmem:s22+$0x1C5E0];
	[tilespmem:s29+$0x189F0] =	vst v6;
	v4 =	vadd.f32 v4, v12;
	v10 =	vmul.f32 v10, v15  }
0x13b: {  	v6 =	vld [tilespmem:s22+$0x1C5F0];
	[tilespmem:s29+$0x18A00] =	vst v5;
	v3 =	vadd.f32 v3, v11;
	v9 =	vmul.f32 v9, v14  }
0x13c: {  	v5 =	vld [tilespmem:s22+$0x1C600];
	[tilespmem:s29+$0x18A10] =	vst v4;
	v2 =	vadd.f32 v2, v10;
	v8 =	vmul.f32 v8, v18  }
0x13d: {  	v4 =	vld [tilespmem:s22+$0x1C610];
	[tilespmem:s29+$0x18A20] =	vst v3;
	v9 =	vadd.f32 v17, v9  }
0x13e: {  	v3 =	vld [tilespmem:s22+$0x1C620];
	[tilespmem:s29+$0x18A30] =	vst v2;
	v8 =	vadd.f32 v13, v8  }
0x13f: {  	v2 =	vld [tilespmem:s22+$0x1C630];
	[tilespmem:s29+$0x18A40] =	vst v9  }
0x140: {  	v14 =	vld [tilespmem:s22+$0x1A7E0];
	[tilespmem:s29+$0x18A50] =	vst v8;
	s29 =	smov.u32 s22  }
0x141: {  	v19 =	vld [tilespmem:s29+$0x1A7F0]  }
0x142: {  	v13 =	vld [tilespmem:s29+$0x1A800]  }
0x143: {  	v12 =	vld [tilespmem:s29+$0x1A810]  }
0x144: {  	v11 =	vld [tilespmem:s29+$0x1A820]  }
0x145: {  	v10 =	vld [tilespmem:s29+$0x1A830]  }
0x146: {  	v9 =	vld [tilespmem:s29+$0x1A840]  }
0x147: {  	v8 =	vld [tilespmem:s29+$0x1A850]  }
0x148: {  	v15 =	vld [tilespmem:s29+$0x189E0]  }
0x149: {  	v21 =	vld [tilespmem:s29+$0x189F0]  }
.Ltmp9:
0x14a: {  	v18 =	vld [tilespmem:s29+$0x18A00];
	(pc) =	sbr.rel @p0 .LBB2_18-.Ltmp9, $4  }
0x14b: {  	v17 =	vld [tilespmem:s29+$0x18A10]  }
0x14c: {  	v16 =	vld [tilespmem:s29+$0x18A20]  }
0x14d: {  	v20 =	vmul.f32 v14, v15;
	v15 =	vld [tilespmem:s29+$0x18A30]  }
0x14e: {  	s30 =	sadd.s32 $0x200, s30;
	v19 =	vmul.f32 v19, v21;
	v14 =	vld [tilespmem:s29+$0x18A40]  }
0x14f: {  	v7 =	vadd.f32 v7, v20;
	v57 =	vld [tilespmem:s29+$0x18A50];
	v13 =	vmul.f32 v13, v18  }
0x150: {  	v58 =	vld [tilespmem:s29+$0x1C640];
	v6 =	vadd.f32 v6, v19;
	v12 =	vmul.f32 v12, v17  }
0x151: {  	v60 =	vld [tilespmem:s29+$0x1C650];
	[tilespmem:s29+$0x189E0] =	vst v7;
	v5 =	vadd.f32 v5, v13;
	v59 =	vmul.f32 v11, v16  }
0x152: {  	[tilespmem:s29+$0x189F0] =	vst v6;
	v4 =	vadd.f32 v4, v12;
	v61 =	vmul.f32 v10, v15  }
0x153: {  	s26 =	sadd.s32 $0x1, s26;
	[tilespmem:s29+$0x18A00] =	vst v5;
	v3 =	vadd.f32 v3, v59;
	v62 =	vmul.f32 v9, v14  }
0x154: {  	p0 =	sne.s32 s26, $0xD1;
	[tilespmem:s29+$0x18A10] =	vst v4;
	v2 =	vadd.f32 v2, v61;
	v63 =	vmul.f32 v8, v57  }
.Ltmp10:
0x155: {  	[tilespmem:s29+$0x18A20] =	vst v3;
	v3 =	vadd.f32 v58, v62;
	(pc) =	sbr.rel @p0 .LBB2_6-.Ltmp10, $4  }
.Ltmp11:
0x156: {  	[tilespmem:s29+$0x18A30] =	vst v2;
	v2 =	vadd.f32 v60, v63;
	(pc) =	sbr.rel @!p0 .LBB2_20-.Ltmp11, $4  }
0x157: {  	[tilespmem:s29+$0x18A40] =	vst v3  }
0x158: {  	[tilespmem:s29+$0x18A50] =	vst v2  }
0x159: {  	[spmem:s3] =	stream.indirect.scatter.add.f32 [tilespmem:s17], [sflag:$0x7], $0x20, s20, s24, $0xb8;
	[tilespmem:$0x1E3E0] =	vst v63  }
0x15a: {  	_ = 	snop  }
.LBB2_11:
0x15b: {  	p2 =	seq.s32 s26, $0xD0  }
.Ltmp12:
0x15c: {  	_ = 	snop;
	(pc) =	sbr.rel @p2 .LBB2_13-.Ltmp12, $4  }
.Ltmp13:
0x15d: {  	_ = 	snop;
	(pc) =	sbr.rel @!p2 .LBB2_12-.Ltmp13, $4  }
0x15e: {  	_ = 	snop  }
0x15f: {  	_ = 	snop  }
0x160: {  	p1 =	por $0x1, $0x1  }
0x161: {  	_ = 	snop  }
.LBB2_20:
0x162: {  	s2 =	simm.s32 $0x7  }
0x163: {  	_ =	swait.ge [sflag:s2], $0xA00  }
0x164: {  	[sflag:s2] =	ssyncset.done $0x0  }
0x165: {  	s30 =	simm.s32 $0x8;
	[sflag:s2] =	ssyncadd.s32 $0xFFFFF600  }
0x166: {  	_ =	swait.ge [sflag:s30], $0xA00  }
0x167: {  	[sflag:s30] =	ssyncset.done $0x0  }
0x168: {  	s31 =	simm.s32 $0x9;
	[sflag:s30] =	ssyncadd.s32 $0xFFFFF600  }
0x169: {  	_ =	swait.ge [sflag:s31], $0xA00  }
0x16a: {  	[sflag:s31] =	ssyncset.done $0x0  }
0x16b: {  	[sflag:s31] =	ssyncadd.s32 $0xFFFFF600  }
0x16c: {  	s26 =	simm.s32 $0x0;
	s29 =	simm.s32 $0x0;
	[bflag:$0x0] =	sbarrier.arrive $0xFFFF  }
.LBB2_21:
0x16d: {  	s22 =	smul.u32 $0xE0, s29  }
0x16e: {  	s2 =	rddreg [dreg:$0x4]  }
0x16f: {  	s22 =	sadd.s32 s2, s22  }
0x170: {  	s30 =	sshll.u32 s22, $0x5  }
0x171: {  	s22 =	sand.u32 $0x3FFFFFE0, s30  }
0x172: {  	s22 =	sadd.s32 s22, s3  }
0x173: {  	[tilespmem:s17], [sflag:$0xA] =	stream.linear.gather [spmem:s22], $0x1C00, $0x38;
	[tilespmem:$0x1E3E0] =	vst v63  }
0x174: {  	s23 =	sand.u32 $0x7F80, s26;
	_ =	swait.ge [sflag:s18], $0x1C00  }
0x175: {  	s25 =	sand.u32 $0x10, s26;
	s22 =	sshrl.u32 s23, $0x2;
	[sflag:s18] =	ssyncset.done $0x0  }
0x176: {  	s31 =	simm.s32 $0x40;
	s22 =	sor.u32 s25, s22;
	[sflag:s18] =	ssyncadd.s32 $0xFFFFE400  }
0x177: {  	s28 =	simm.s32 $0x10;
	s25 =	simm.s32 $0x0;
	v2 =	vld [tilespmem:s22+$0x189E0];
	s22 =	simm.s32 $0x0  }
.LBB2_22:
0x178: {  	s23 =	sand.u32 $0x7F80, s31;
	s2 =	sand.u32 $0x70, s22;
	s5 =	sand.u32 $0x7E00, s25  }
0x179: {  	s25 =	smov.u32 s31;
	s22 =	smov.u32 s28;
	p0 =	sne.s32 s31, $0x6FC0  }
.Ltmp14:
0x17a: {  	s31 =	sadd.s32 $0x40, s31;
	s5 =	sshrl.u32 s5, $0x2;
	(pc) =	sbr.rel @p0 .LBB2_22-.Ltmp14, $4  }
0x17b: {  	s12 =	sand.u32 $0x10, s28;
	s23 =	sshrl.u32 s23, $0x2;
	s2 =	sor.u32 s2, s5  }
0x17c: {  	s5 =	sor.u32 s12, s23;
	[tilespmem:s2+$0x1A7E0] =	vst v2  }
0x17d: {  	v2 =	vld [tilespmem:s5+$0x189E0]  }
0x17e: {  	s28 =	sadd.s32 $0x10, s28  }
0x17f: {  	s2 =	sand.u32 $0x7E00, s25;
	s5 =	sand.u32 $0x70, s22;
	s12 =	sadd.s32 s14, s30  }
0x180: {  	s31 =	rddreg [dreg:$0x5];
	s29 =	sadd.s32 $0x1, s29;
	s2 =	sshrl.u32 s2, $0x2  }
0x181: {  	s30 =	sshrl.u32 s12, $0x3;
	p0 =	sne.s32 s29, $0xE;
	s2 =	sor.u32 s5, s2  }
.Ltmp15:
0x182: {  	[tilespmem:s2+$0x1A7E0] =	vst v2;
	s2 =	sadd.s32 s31, s30;
	(pc) =	sbr.rel @p0 .LBB2_21-.Ltmp15, $4  }
0x183: {  	[hbm4b:s2+s4] =	stream.linear.scatter [tilespmem:s21], [sflag:$0xA], $0x1C00, $0x38;
	[tilespmem:$0x1E3E0] =	vst v63  }
0x184: {  	_ =	swait.ge [sflag:s18], $0x1C00  }
0x185: {  	[sflag:s18] =	ssyncset.done $0x0  }
0x186: {  	[sflag:s18] =	ssyncadd.s32 $0xFFFFE400  }
0x187: {  	s22 =	rddreg [dreg:$0x7]  }
0x188: {  	s2 =	rddreg [dreg:$0x6];
	s22 =	sadd.s32 $0x1, s22  }
0x189: {  	p0 =	sne.s32 s22, s2  }
.Ltmp16:
0x18a: {  	_ = 	snop;
	(pc) =	sbr.rel @p0 .LBB2_1-.Ltmp16, $3  }
0x18b: {  	_ =	sdelay $0x1  }
0x18c: {  	s5 =	simm.s32 $0x5  }
0x18d: {  	s12 =	simm.s32 $0x18940;
	s23 =	simm.s32 $0x193E0;
	s2 =	simm.s32 $0x1C5E0  }
0x18e: {  	_ =	sfence.sel $0x180000  }
0x18f: {  	[bflag:$0x0] =	sbarrier.arrive $0xFFFF  }
0x190: {  	_ =	strace $0x9000004D  }
0x191: {  	s0 =	stileid.u32;
	[bflag:$0x2] =	sbarrier.arrive $0xFFFF  }
0x192: {  	p0 =	sne.s32 s0, $0x0;
	s0 =	rddreg [dreg:$0x3]  }
0x193: {  	s0 =	sadd.s32 @!p0 $0x100000, s0  }
0x194: {  	[sflag:s0] =	ssyncadd.tile.s32 @!p0 $0x1;
	_ =	shalt  }
.Lfunc_end2:
_tile_overlayer_lowered:
.L_overlay_start_2:
0x195: {  	(tag) =	ssettag $0x2  }
0x196: {  	s0 =	rddreg [dreg:$0x0];
	s2 =	stileid.u32  }
0x197: {  	s1 =	rddreg [dreg:$0x1];
	p0 =	sne.s32 s2, $0x0  }
0x198: {  	s3 =	rddreg [dreg:$0x2];
	[bflag:$0x3] =	sbarrier.arrive $0xFFFF;
	s2 =	simm.s32 @!p0 $0x1C0A  }
0x199: {  	[timem:s3], [sflag:s2] =	dma.local @!p0 [hbm:s0], s1  }
0x19a: {  	s0 =	simm.s32 @!p0 $0xA  }
0x19b: {  	_ =	swait.ge @!p0 [sflag:s0], s1  }
0x19c: {  	s1 =	ssub.s32 @!p0 $0x0, s1;
	[sflag:s0] =	ssyncset.done @!p0 $0x0  }
0x19d: {  	[sflag:s0] =	ssyncadd.s32 @!p0 s1  }
0x19e: {  	[bflag:$0x3] =	sbarrier.arrive $0xFFFF  }
0x19f: {  	_ =	shalt  }

</sc_bundles>
